<compile_context>
chip_gen: v7x
topology: tpu7x:2x2x1
jax: 0.10.2.dev20260603
libtpu: 0.0.44.dev20260713+nightly
codegen_flags: <defaults>
</compile_context>

<pallas_src>
import functools

import jax
import jax.numpy as jnp
from jax import lax
from jax.experimental import pallas as pl
from jax.experimental.pallas import tpu as pltpu
from jax.experimental.pallas import tpu_sc as plsc

B = 16384
VOCAB = 1000
HID = 10
VPAD = 1024
TROWS = 16
NC = 2
NS = 16
NW = NC * NS
L = 16
BPW = B // NW
GROUPS = BPW // L
NPAR = 144


def _prep_body(emb_ref, w1_ref, out_ref):
    tbj = lax.dot_general(
        w1_ref[1:, :], emb_ref[...],
        dimension_numbers=(((0,), (1,)), ((), ())),
        preferred_element_type=jnp.float32,
        precision=lax.Precision.HIGHEST,
    )
    tbj = jnp.concatenate([tbj, jnp.zeros((TROWS - HID, VOCAB), jnp.float32)],
                          axis=0)
    out_ref[...] = jnp.concatenate(
        [tbj, jnp.zeros((TROWS, VPAD - VOCAB), jnp.float32)], axis=1)


def _prep(emb, W1):
    return pl.pallas_call(
        _prep_body,
        out_shape=jax.ShapeDtypeStruct((TROWS, VPAD), jnp.float32),
    )(emb, W1)


def _sc_body(tb_hbm, par_hbm, ae_hbm, out_hbm,
             tb_sh, tb_v, par_v, ae_v, out_v):
    cid = lax.axis_index("c")
    sid = lax.axis_index("s")
    wid = sid * NC + cid
    base = wid * BPW

    @pl.when(sid == 0)
    def _stage():
        pltpu.sync_copy(tb_hbm, tb_sh)

    pltpu.sync_copy(par_hbm, par_v)
    pltpu.sync_copy(ae_hbm.at[pl.ds(base, BPW)], ae_v)
    plsc.subcore_barrier()
    pltpu.sync_copy(tb_sh, tb_v)

    GB = 2

    def group(g):
        offs = [(g + t) * L for t in range(GB)]
        packed = [ae_v[pl.ds(o, L)] for o in offs]
        edus = [jnp.right_shift(p, 7) for p in packed]
        gs = [[plsc.load_gather(tb_v, [jnp.full((L,), k, jnp.int32), edus[t]])
               for k in range(HID)] for t in range(GB)]
        ages = [(p & 127).astype(jnp.float32) for p in packed]
        acc = [[None] * HID for _ in range(GB)]
        for k in range(HID):
            w1k = par_v[k]
            b1k = par_v[131 + k]
            h1k = [jnp.maximum(ages[t] * w1k + gs[t][k] + b1k, 0.0)
                   for t in range(GB)]
            for j in range(HID):
                w2kj = par_v[10 + k * HID + j]
                for t in range(GB):
                    if k == 0:
                        acc[t][j] = h1k[t] * w2kj
                    else:
                        acc[t][j] = acc[t][j] + h1k[t] * w2kj
        o_out = [par_v[130] for _ in range(GB)]
        for j in range(HID):
            b2j = par_v[110 + j]
            w3j = par_v[120 + j]
            for t in range(GB):
                h2tj = jnp.maximum(acc[t][j] + b2j, 0.0)
                o_out[t] = o_out[t] + h2tj * w3j
        for t in range(GB):
            out_v[pl.ds(offs[t], L)] = 1.0 / (1.0 + jnp.exp(-o_out[t]))

    plsc.parallel_loop(0, GROUPS, GB, unroll=4)(group)
    pltpu.sync_copy(out_v, out_hbm.at[pl.ds(base, BPW)])


@functools.cache
def _sc_mlp():
    return functools.partial(
        pl.kernel,
        out_type=jax.ShapeDtypeStruct((B,), jnp.float32),
        mesh=plsc.VectorSubcoreMesh(core_axis_name="c", subcore_axis_name="s",
                                    num_cores=NC, num_subcores=NS),
        scratch_types=[
            pltpu.VMEM_SHARED((TROWS, VPAD), jnp.float32),
            pltpu.VMEM((TROWS, VPAD), jnp.float32),
            pltpu.VMEM((NPAR, L), jnp.float32),
            pltpu.VMEM((BPW,), jnp.int32),
            pltpu.VMEM((BPW,), jnp.float32),
        ],
        compiler_params=pltpu.CompilerParams(needs_layout_passes=False),
    )(_sc_body)


def kernel(age, education, emb, W1, b1, W2, b2, W3, b3):
    tbj = _prep(emb, W1)
    pars = jnp.concatenate([
        W1[0, :], W2.reshape(-1), b2, W3[:, 0], b3, b1,
        jnp.zeros((NPAR - 141,), jnp.float32),
    ])
    par2d = jnp.broadcast_to(pars[:, None], (NPAR, L))
    ae = (education.reshape(B) * 128 + age.reshape(B)).astype(jnp.int32)
    out = _sc_mlp()(tbj, par2d, ae)
    return out.reshape(B, 1)

# --- scband reference (transcript-rebuilt; emitter-appended) ---
"""Pipeline reference for scband-my-model-87522843559177 (READ-ONLY COPY).

The authoritative reference and input builder live on the scoring server;
editing this copy changes nothing except your own understanding.
"""

import jax, jax.numpy as jnp
import numpy as np

B = 16384
VOCAB = 1000
EMB_DIM = 100

def setup_inputs(seed: int = 0) -> dict:
    key = jax.random.key(seed)
    k1, k2, k3, k4, k5, k6 = jax.random.split(key, 6)
    age = jax.random.randint(k1, (B, 1), 0, 100)
    education = jax.random.randint(k2, (B, 1), 0, VOCAB)
    emb = jax.random.normal(k3, (VOCAB, EMB_DIM), dtype=jnp.float32) * 0.05
    W1 = jax.random.normal(k4, (EMB_DIM + 1, 10), dtype=jnp.float32) * 0.1
    b1 = jnp.zeros((10,), dtype=jnp.float32)
    W2 = jax.random.normal(k5, (10, 10), dtype=jnp.float32) * 0.1
    b2 = jnp.zeros((10,), dtype=jnp.float32)
    W3 = jax.random.normal(k6, (10, 1), dtype=jnp.float32) * 0.1
    b3 = jnp.zeros((1,), dtype=jnp.float32)
    return {"age": age, "education": education, "emb": emb, "W1": W1, "b1": b1, "W2": W2, "b2": b2, "W3": W3, "b3": b3}

def reference(age, education, emb, W1, b1, W2, b2, W3, b3):
    # DenseFeatures concatenates features in alphabetical order: 'age' then 'education' embedding.
    # 'education' strings are modeled as pre-hashed int bucket ids in [0, VOCAB).
    a = age.astype(jnp.float32)                      # [B, 1]
    e = jnp.take(emb, education[:, 0], axis=0)       # [B, EMB_DIM] embedding lookup
    x = jnp.concatenate([a, e], axis=1)              # [B, EMB_DIM + 1]
    x = jax.nn.relu(x @ W1 + b1)
    x = jax.nn.relu(x @ W2 + b2)
    out = jax.nn.sigmoid(x @ W3 + b3)                # [B, 1]
    return out

if __name__ == "__main__":
    import jax
    _d = setup_inputs()
    print(jax.jit(kernel)(*tuple(_d.values())))

</pallas_src>

<mosaic_0001>
#map = affine_map<(d0, d1) -> (0, 0)>
#map1 = affine_map<(d0, d1) -> (0)>
module attributes {stable_mosaic.version = 14 : i64} {
  func.func @_sc_body(%arg0: i32, %arg1: i32, %arg2: memref<16x1024xf32, #tpu.memory_space<hbm>>, %arg3: memref<144x16xf32, #tpu.memory_space<hbm>>, %arg4: memref<16384xi32, #tpu.memory_space<hbm>>, %arg5: memref<16384xf32, #tpu.memory_space<hbm>>, %arg6: memref<16x1024xf32, #tpu.memory_space<vmem_shared>>, %arg7: memref<16x1024xf32, #tpu.memory_space<vmem>>, %arg8: memref<144x16xf32, #tpu.memory_space<vmem>>, %arg9: memref<512xi32, #tpu.memory_space<vmem>>, %arg10: memref<512xf32, #tpu.memory_space<vmem>>) attributes {dimension_semantics = [#tpu.dimension_semantics<core_parallel>, #tpu.dimension_semantics<subcore_parallel>], iteration_bounds = array<i64: 2, 16>, scalar_prefetch = 0 : i64, scratch_operands = 5 : i64, tpu.core_type = #tpu.core_type<sc_vector_subcore>, window_params = [{transform_indices = #map}, {transform_indices = #map}, {transform_indices = #map1}, {transform_indices = #map1}]} {
    %mul3A = arith.constant 2 : i32
    %mul3A_0 = arith.muli %arg1, %mul3A : i32
    %add3A = arith.addi %mul3A_0, %arg0 : i32
    %mul3A_1 = arith.constant 512 : i32
    %mul3A_2 = arith.muli %add3A, %mul3A_1 : i32
    %eq3A = arith.constant 0 : i32
    %eq3A_3 = arith.cmpi eq, %arg1, %eq3A : i32
    %convert_element_type3A = arith.extui %eq3A_3 : i1 to i32
    %cond3A = arith.constant 0 : i32
    %cond3A_4 = arith.cmpi ne, %convert_element_type3A, %cond3A : i32
    scf.if %cond3A_4 {
      "tpu.region"() ({
        %run_scoped3A = tpu.sem_alloc : memref<!tpu.dma_semaphore, #tpu.memory_space<semaphore_mem>>
        tpu.enqueue_dma source(%arg2 : memref<16x1024xf32, #tpu.memory_space<hbm>>) target(%arg6 : memref<16x1024xf32, #tpu.memory_space<vmem_shared>>) target_semaphore(%run_scoped3A : memref<!tpu.dma_semaphore, #tpu.memory_space<semaphore_mem>>)
        tpu.wait_dma2 semaphore(%run_scoped3A : memref<!tpu.dma_semaphore, #tpu.memory_space<semaphore_mem>>) src(%arg2 : memref<16x1024xf32, #tpu.memory_space<hbm>>) dst(%arg6 : memref<16x1024xf32, #tpu.memory_space<vmem_shared>>)
        tpu.yield
      }) : () -> ()
    } else {
    }
    "tpu.region"() ({
      %run_scoped3A = tpu.sem_alloc : memref<!tpu.dma_semaphore, #tpu.memory_space<semaphore_mem>>
      tpu.enqueue_dma source(%arg3 : memref<144x16xf32, #tpu.memory_space<hbm>>) target(%arg8 : memref<144x16xf32, #tpu.memory_space<vmem>>) target_semaphore(%run_scoped3A : memref<!tpu.dma_semaphore, #tpu.memory_space<semaphore_mem>>)
      tpu.wait_dma2 semaphore(%run_scoped3A : memref<!tpu.dma_semaphore, #tpu.memory_space<semaphore_mem>>) src(%arg3 : memref<144x16xf32, #tpu.memory_space<hbm>>) dst(%arg8 : memref<144x16xf32, #tpu.memory_space<vmem>>)
      tpu.yield
    }) : () -> ()
    "tpu.region"() ({
      %run_scoped3A = tpu.sem_alloc : memref<!tpu.dma_semaphore, #tpu.memory_space<semaphore_mem>>
      %dma_start3A = tpu.memref_slice %arg4[%mul3A_2] : memref<16384xi32, #tpu.memory_space<hbm>> -> memref<512xi32, #tpu.memory_space<hbm>>
      %dma_start3A_7 = tpu.memref_slice %arg4[%mul3A_2] : memref<16384xi32, #tpu.memory_space<hbm>> -> memref<512xi32, #tpu.memory_space<hbm>>
      tpu.enqueue_dma source(%dma_start3A_7 : memref<512xi32, #tpu.memory_space<hbm>>) target(%arg9 : memref<512xi32, #tpu.memory_space<vmem>>) target_semaphore(%run_scoped3A : memref<!tpu.dma_semaphore, #tpu.memory_space<semaphore_mem>>)
      %dma_wait3A = tpu.memref_slice %arg4[%mul3A_2] : memref<16384xi32, #tpu.memory_space<hbm>> -> memref<512xi32, #tpu.memory_space<hbm>>
      %dma_wait3A_8 = tpu.memref_slice %arg4[%mul3A_2] : memref<16384xi32, #tpu.memory_space<hbm>> -> memref<512xi32, #tpu.memory_space<hbm>>
      tpu.wait_dma2 semaphore(%run_scoped3A : memref<!tpu.dma_semaphore, #tpu.memory_space<semaphore_mem>>) src(%dma_wait3A_8 : memref<512xi32, #tpu.memory_space<hbm>>) dst(%arg9 : memref<512xi32, #tpu.memory_space<vmem>>)
      tpu.yield
    }) : () -> ()
    %barrier3A = arith.constant 0 : index
    tpu.barrier barrier_id(%barrier3A)
    "tpu.region"() ({
      %run_scoped3A = tpu.sem_alloc : memref<!tpu.dma_semaphore, #tpu.memory_space<semaphore_mem>>
      tpu.enqueue_dma source(%arg6 : memref<16x1024xf32, #tpu.memory_space<vmem_shared>>) target(%arg7 : memref<16x1024xf32, #tpu.memory_space<vmem>>) target_semaphore(%run_scoped3A : memref<!tpu.dma_semaphore, #tpu.memory_space<semaphore_mem>>)
      tpu.wait_dma2 semaphore(%run_scoped3A : memref<!tpu.dma_semaphore, #tpu.memory_space<semaphore_mem>>) src(%arg6 : memref<16x1024xf32, #tpu.memory_space<vmem_shared>>) dst(%arg7 : memref<16x1024xf32, #tpu.memory_space<vmem>>)
      tpu.yield
    }) : () -> ()
    %parallel_loop3A = arith.constant 0 : i32
    %parallel_loop3A_5 = arith.constant 32 : i32
    %parallel_loop3A_6 = arith.constant 2 : i32
    scf.for %parallel_loop3A_7 = %parallel_loop3A to %parallel_loop3A_5 step %parallel_loop3A_6  : i32 {
      %parallel_loop3A_8 = arith.constant 0 : i32
      %parallel_loop3A_9 = arith.addi %parallel_loop3A_7, %parallel_loop3A_8 : i32
      %parallel_loop3A_10 = arith.constant 16 : i32
      %parallel_loop3A_11 = arith.muli %parallel_loop3A_9, %parallel_loop3A_10 : i32
      %parallel_loop3A_12 = arith.constant 1 : i32
      %parallel_loop3A_13 = arith.addi %parallel_loop3A_7, %parallel_loop3A_12 : i32
      %parallel_loop3A_14 = arith.constant 16 : i32
      %parallel_loop3A_15 = arith.muli %parallel_loop3A_13, %parallel_loop3A_14 : i32
      %parallel_loop3A_16 = arith.index_cast %parallel_loop3A_11 : i32 to index
      %parallel_loop3A_17 = tpu.vector_load %arg9[%parallel_loop3A_16] {strides = array<i32>} : memref<512xi32, #tpu.memory_space<vmem>>, vector<16xi32>,
      %parallel_loop3A_18 = arith.index_cast %parallel_loop3A_15 : i32 to index
      %parallel_loop3A_19 = tpu.vector_load %arg9[%parallel_loop3A_18] {strides = array<i32>} : memref<512xi32, #tpu.memory_space<vmem>>, vector<16xi32>,
      %parallel_loop3A_20 = arith.constant 7 : i32
      %parallel_loop3A_21 = vector.broadcast %parallel_loop3A_20 : i32 to vector<16xi32>
      %parallel_loop3A_22 = arith.shrsi %parallel_loop3A_17, %parallel_loop3A_21 : vector<16xi32>
      %parallel_loop3A_23 = arith.constant 7 : i32
      %parallel_loop3A_24 = vector.broadcast %parallel_loop3A_23 : i32 to vector<16xi32>
      %parallel_loop3A_25 = arith.shrsi %parallel_loop3A_19, %parallel_loop3A_24 : vector<16xi32>
      %parallel_loop3A_26 = arith.constant 0 : i32
      %parallel_loop3A_27 = vector.broadcast %parallel_loop3A_26 : i32 to vector<16xi32>
      %parallel_loop3A_28 = tpu.vector_load_idx %arg7[%parallel_loop3A_27, %parallel_loop3A_22] : memref<16x1024xf32, #tpu.memory_space<vmem>>[vector<16xi32>, vector<16xi32>], vector<16xf32>,
      %parallel_loop3A_29 = arith.constant 1 : i32
      %parallel_loop3A_30 = vector.broadcast %parallel_loop3A_29 : i32 to vector<16xi32>
      %parallel_loop3A_31 = tpu.vector_load_idx %arg7[%parallel_loop3A_30, %parallel_loop3A_22] : memref<16x1024xf32, #tpu.memory_space<vmem>>[vector<16xi32>, vector<16xi32>], vector<16xf32>,
      %parallel_loop3A_32 = arith.constant 2 : i32
      %parallel_loop3A_33 = vector.broadcast %parallel_loop3A_32 : i32 to vector<16xi32>
      %parallel_loop3A_34 = tpu.vector_load_idx %arg7[%parallel_loop3A_33, %parallel_loop3A_22] : memref<16x1024xf32, #tpu.memory_space<vmem>>[vector<16xi32>, vector<16xi32>], vector<16xf32>,
      %parallel_loop3A_35 = arith.constant 3 : i32
      %parallel_loop3A_36 = vector.broadcast %parallel_loop3A_35 : i32 to vector<16xi32>
      %parallel_loop3A_37 = tpu.vector_load_idx %arg7[%parallel_loop3A_36, %parallel_loop3A_22] : memref<16x1024xf32, #tpu.memory_space<vmem>>[vector<16xi32>, vector<16xi32>], vector<16xf32>,
      %parallel_loop3A_38 = arith.constant 4 : i32
      %parallel_loop3A_39 = vector.broadcast %parallel_loop3A_38 : i32 to vector<16xi32>
      %parallel_loop3A_40 = tpu.vector_load_idx %arg7[%parallel_loop3A_39, %parallel_loop3A_22] : memref<16x1024xf32, #tpu.memory_space<vmem>>[vector<16xi32>, vector<16xi32>], vector<16xf32>,
      %parallel_loop3A_41 = arith.constant 5 : i32
      %parallel_loop3A_42 = vector.broadcast %parallel_loop3A_41 : i32 to vector<16xi32>
      %parallel_loop3A_43 = tpu.vector_load_idx %arg7[%parallel_loop3A_42, %parallel_loop3A_22] : memref<16x1024xf32, #tpu.memory_space<vmem>>[vector<16xi32>, vector<16xi32>], vector<16xf32>,
      %parallel_loop3A_44 = arith.constant 6 : i32
      %parallel_loop3A_45 = vector.broadcast %parallel_loop3A_44 : i32 to vector<16xi32>
      %parallel_loop3A_46 = tpu.vector_load_idx %arg7[%parallel_loop3A_45, %parallel_loop3A_22] : memref<16x1024xf32, #tpu.memory_space<vmem>>[vector<16xi32>, vector<16xi32>], vector<16xf32>,
      %parallel_loop3A_47 = arith.constant 7 : i32
      %parallel_loop3A_48 = vector.broadcast %parallel_loop3A_47 : i32 to vector<16xi32>
      %parallel_loop3A_49 = tpu.vector_load_idx %arg7[%parallel_loop3A_48, %parallel_loop3A_22] : memref<16x1024xf32, #tpu.memory_space<vmem>>[vector<16xi32>, vector<16xi32>], vector<16xf32>,
      %parallel_loop3A_50 = arith.constant 8 : i32
      %parallel_loop3A_51 = vector.broadcast %parallel_loop3A_50 : i32 to vector<16xi32>
      %parallel_loop3A_52 = tpu.vector_load_idx %arg7[%parallel_loop3A_51, %parallel_loop3A_22] : memref<16x1024xf32, #tpu.memory_space<vmem>>[vector<16xi32>, vector<16xi32>], vector<16xf32>,
      %parallel_loop3A_53 = arith.constant 9 : i32
      %parallel_loop3A_54 = vector.broadcast %parallel_loop3A_53 : i32 to vector<16xi32>
      %parallel_loop3A_55 = tpu.vector_load_idx %arg7[%parallel_loop3A_54, %parallel_loop3A_22] : memref<16x1024xf32, #tpu.memory_space<vmem>>[vector<16xi32>, vector<16xi32>], vector<16xf32>,
      %parallel_loop3A_56 = arith.constant 0 : i32
      %parallel_loop3A_57 = vector.broadcast %parallel_loop3A_56 : i32 to vector<16xi32>
      %parallel_loop3A_58 = tpu.vector_load_idx %arg7[%parallel_loop3A_57, %parallel_loop3A_25] : memref<16x1024xf32, #tpu.memory_space<vmem>>[vector<16xi32>, vector<16xi32>], vector<16xf32>,
      %parallel_loop3A_59 = arith.constant 1 : i32
      %parallel_loop3A_60 = vector.broadcast %parallel_loop3A_59 : i32 to vector<16xi32>
      %parallel_loop3A_61 = tpu.vector_load_idx %arg7[%parallel_loop3A_60, %parallel_loop3A_25] : memref<16x1024xf32, #tpu.memory_space<vmem>>[vector<16xi32>, vector<16xi32>], vector<16xf32>,
      %parallel_loop3A_62 = arith.constant 2 : i32
      %parallel_loop3A_63 = vector.broadcast %parallel_loop3A_62 : i32 to vector<16xi32>
      %parallel_loop3A_64 = tpu.vector_load_idx %arg7[%parallel_loop3A_63, %parallel_loop3A_25] : memref<16x1024xf32, #tpu.memory_space<vmem>>[vector<16xi32>, vector<16xi32>], vector<16xf32>,
      %parallel_loop3A_65 = arith.constant 3 : i32
      %parallel_loop3A_66 = vector.broadcast %parallel_loop3A_65 : i32 to vector<16xi32>
      %parallel_loop3A_67 = tpu.vector_load_idx %arg7[%parallel_loop3A_66, %parallel_loop3A_25] : memref<16x1024xf32, #tpu.memory_space<vmem>>[vector<16xi32>, vector<16xi32>], vector<16xf32>,
      %parallel_loop3A_68 = arith.constant 4 : i32
      %parallel_loop3A_69 = vector.broadcast %parallel_loop3A_68 : i32 to vector<16xi32>
      %parallel_loop3A_70 = tpu.vector_load_idx %arg7[%parallel_loop3A_69, %parallel_loop3A_25] : memref<16x1024xf32, #tpu.memory_space<vmem>>[vector<16xi32>, vector<16xi32>], vector<16xf32>,
      %parallel_loop3A_71 = arith.constant 5 : i32
      %parallel_loop3A_72 = vector.broadcast %parallel_loop3A_71 : i32 to vector<16xi32>
      %parallel_loop3A_73 = tpu.vector_load_idx %arg7[%parallel_loop3A_72, %parallel_loop3A_25] : memref<16x1024xf32, #tpu.memory_space<vmem>>[vector<16xi32>, vector<16xi32>], vector<16xf32>,
      %parallel_loop3A_74 = arith.constant 6 : i32
      %parallel_loop3A_75 = vector.broadcast %parallel_loop3A_74 : i32 to vector<16xi32>
      %parallel_loop3A_76 = tpu.vector_load_idx %arg7[%parallel_loop3A_75, %parallel_loop3A_25] : memref<16x1024xf32, #tpu.memory_space<vmem>>[vector<16xi32>, vector<16xi32>], vector<16xf32>,
      %parallel_loop3A_77 = arith.constant 7 : i32
      %parallel_loop3A_78 = vector.broadcast %parallel_loop3A_77 : i32 to vector<16xi32>
      %parallel_loop3A_79 = tpu.vector_load_idx %arg7[%parallel_loop3A_78, %parallel_loop3A_25] : memref<16x1024xf32, #tpu.memory_space<vmem>>[vector<16xi32>, vector<16xi32>], vector<16xf32>,
      %parallel_loop3A_80 = arith.constant 8 : i32
      %parallel_loop3A_81 = vector.broadcast %parallel_loop3A_80 : i32 to vector<16xi32>
      %parallel_loop3A_82 = tpu.vector_load_idx %arg7[%parallel_loop3A_81, %parallel_loop3A_25] : memref<16x1024xf32, #tpu.memory_space<vmem>>[vector<16xi32>, vector<16xi32>], vector<16xf32>,
      %parallel_loop3A_83 = arith.constant 9 : i32
      %parallel_loop3A_84 = vector.broadcast %parallel_loop3A_83 : i32 to vector<16xi32>
      %parallel_loop3A_85 = tpu.vector_load_idx %arg7[%parallel_loop3A_84, %parallel_loop3A_25] : memref<16x1024xf32, #tpu.memory_space<vmem>>[vector<16xi32>, vector<16xi32>], vector<16xf32>,
      %parallel_loop3A_86 = arith.constant 127 : i32
      %parallel_loop3A_87 = vector.broadcast %parallel_loop3A_86 : i32 to vector<16xi32>
      %parallel_loop3A_88 = arith.andi %parallel_loop3A_17, %parallel_loop3A_87 : vector<16xi32>
      %parallel_loop3A_89 = arith.sitofp %parallel_loop3A_88 : vector<16xi32> to vector<16xf32>
      %parallel_loop3A_90 = arith.constant 127 : i32
      %parallel_loop3A_91 = vector.broadcast %parallel_loop3A_90 : i32 to vector<16xi32>
      %parallel_loop3A_92 = arith.andi %parallel_loop3A_19, %parallel_loop3A_91 : vector<16xi32>
      %parallel_loop3A_93 = arith.sitofp %parallel_loop3A_92 : vector<16xi32> to vector<16xf32>
      %parallel_loop3A_94 = arith.constant 0 : i32
      %parallel_loop3A_95 = arith.index_cast %parallel_loop3A_94 : i32 to index
      %parallel_loop3A_96 = arith.constant 0 : index
      %parallel_loop3A_97 = tpu.vector_load %arg8[%parallel_loop3A_95, %parallel_loop3A_96] {strides = array<i32>} : memref<144x16xf32, #tpu.memory_space<vmem>>, vector<16xf32>,
      %parallel_loop3A_98 = arith.constant 131 : i32
      %parallel_loop3A_99 = arith.index_cast %parallel_loop3A_98 : i32 to index
      %parallel_loop3A_100 = arith.constant 0 : index
      %parallel_loop3A_101 = tpu.vector_load %arg8[%parallel_loop3A_99, %parallel_loop3A_100] {strides = array<i32>} : memref<144x16xf32, #tpu.memory_space<vmem>>, vector<16xf32>,
      %parallel_loop3A_102 = arith.mulf %parallel_loop3A_89, %parallel_loop3A_97 : vector<16xf32>
      %parallel_loop3A_103 = arith.addf %parallel_loop3A_102, %parallel_loop3A_28 : vector<16xf32>
      %parallel_loop3A_104 = arith.addf %parallel_loop3A_103, %parallel_loop3A_101 : vector<16xf32>
      %parallel_loop3A_105 = arith.constant 0.000000e+00 : f32
      %parallel_loop3A_106 = vector.broadcast %parallel_loop3A_105 : f32 to vector<16xf32>
      %parallel_loop3A_107 = arith.maximumf %parallel_loop3A_104, %parallel_loop3A_106 : vector<16xf32>
      %parallel_loop3A_108 = arith.mulf %parallel_loop3A_93, %parallel_loop3A_97 : vector<16xf32>
      %parallel_loop3A_109 = arith.addf %parallel_loop3A_108, %parallel_loop3A_58 : vector<16xf32>
      %parallel_loop3A_110 = arith.addf %parallel_loop3A_109, %parallel_loop3A_101 : vector<16xf32>
      %parallel_loop3A_111 = arith.constant 0.000000e+00 : f32
      %parallel_loop3A_112 = vector.broadcast %parallel_loop3A_111 : f32 to vector<16xf32>
      %parallel_loop3A_113 = arith.maximumf %parallel_loop3A_110, %parallel_loop3A_112 : vector<16xf32>
      %parallel_loop3A_114 = arith.constant 10 : i32
      %parallel_loop3A_115 = arith.index_cast %parallel_loop3A_114 : i32 to index
      %parallel_loop3A_116 = arith.constant 0 : index
      %parallel_loop3A_117 = tpu.vector_load %arg8[%parallel_loop3A_115, %parallel_loop3A_116] {strides = array<i32>} : memref<144x16xf32, #tpu.memory_space<vmem>>, vector<16xf32>,
      %parallel_loop3A_118 = arith.mulf %parallel_loop3A_107, %parallel_loop3A_117 : vector<16xf32>
      %parallel_loop3A_119 = arith.mulf %parallel_loop3A_113, %parallel_loop3A_117 : vector<16xf32>
      %parallel_loop3A_120 = arith.constant 11 : i32
      %parallel_loop3A_121 = arith.index_cast %parallel_loop3A_120 : i32 to index
      %parallel_loop3A_122 = arith.constant 0 : index
      %parallel_loop3A_123 = tpu.vector_load %arg8[%parallel_loop3A_121, %parallel_loop3A_122] {strides = array<i32>} : memref<144x16xf32, #tpu.memory_space<vmem>>, vector<16xf32>,
      %parallel_loop3A_124 = arith.mulf %parallel_loop3A_107, %parallel_loop3A_123 : vector<16xf32>
      %parallel_loop3A_125 = arith.mulf %parallel_loop3A_113, %parallel_loop3A_123 : vector<16xf32>
      %parallel_loop3A_126 = arith.constant 12 : i32
      %parallel_loop3A_127 = arith.index_cast %parallel_loop3A_126 : i32 to index
      %parallel_loop3A_128 = arith.constant 0 : index
      %parallel_loop3A_129 = tpu.vector_load %arg8[%parallel_loop3A_127, %parallel_loop3A_128] {strides = array<i32>} : memref<144x16xf32, #tpu.memory_space<vmem>>, vector<16xf32>,
      %parallel_loop3A_130 = arith.mulf %parallel_loop3A_107, %parallel_loop3A_129 : vector<16xf32>
      %parallel_loop3A_131 = arith.mulf %parallel_loop3A_113, %parallel_loop3A_129 : vector<16xf32>
      %parallel_loop3A_132 = arith.constant 13 : i32
      %parallel_loop3A_133 = arith.index_cast %parallel_loop3A_132 : i32 to index
      %parallel_loop3A_134 = arith.constant 0 : index
      %parallel_loop3A_135 = tpu.vector_load %arg8[%parallel_loop3A_133, %parallel_loop3A_134] {strides = array<i32>} : memref<144x16xf32, #tpu.memory_space<vmem>>, vector<16xf32>,
      %parallel_loop3A_136 = arith.mulf %parallel_loop3A_107, %parallel_loop3A_135 : vector<16xf32>
      %parallel_loop3A_137 = arith.mulf %parallel_loop3A_113, %parallel_loop3A_135 : vector<16xf32>
      %parallel_loop3A_138 = arith.constant 14 : i32
      %parallel_loop3A_139 = arith.index_cast %parallel_loop3A_138 : i32 to index
      %parallel_loop3A_140 = arith.constant 0 : index
      %parallel_loop3A_141 = tpu.vector_load %arg8[%parallel_loop3A_139, %parallel_loop3A_140] {strides = array<i32>} : memref<144x16xf32, #tpu.memory_space<vmem>>, vector<16xf32>,
      %parallel_loop3A_142 = arith.mulf %parallel_loop3A_107, %parallel_loop3A_141 : vector<16xf32>
      %parallel_loop3A_143 = arith.mulf %parallel_loop3A_113, %parallel_loop3A_141 : vector<16xf32>
      %parallel_loop3A_144 = arith.constant 15 : i32
      %parallel_loop3A_145 = arith.index_cast %parallel_loop3A_144 : i32 to index
      %parallel_loop3A_146 = arith.constant 0 : index
      %parallel_loop3A_147 = tpu.vector_load %arg8[%parallel_loop3A_145, %parallel_loop3A_146] {strides = array<i32>} : memref<144x16xf32, #tpu.memory_space<vmem>>, vector<16xf32>,
      %parallel_loop3A_148 = arith.mulf %parallel_loop3A_107, %parallel_loop3A_147 : vector<16xf32>
      %parallel_loop3A_149 = arith.mulf %parallel_loop3A_113, %parallel_loop3A_147 : vector<16xf32>
      %parallel_loop3A_150 = arith.constant 16 : i32
      %parallel_loop3A_151 = arith.index_cast %parallel_loop3A_150 : i32 to index
      %parallel_loop3A_152 = arith.constant 0 : index
      %parallel_loop3A_153 = tpu.vector_load %arg8[%parallel_loop3A_151, %parallel_loop3A_152] {strides = array<i32>} : memref<144x16xf32, #tpu.memory_space<vmem>>, vector<16xf32>,
      %parallel_loop3A_154 = arith.mulf %parallel_loop3A_107, %parallel_loop3A_153 : vector<16xf32>
      %parallel_loop3A_155 = arith.mulf %parallel_loop3A_113, %parallel_loop3A_153 : vector<16xf32>
      %parallel_loop3A_156 = arith.constant 17 : i32
      %parallel_loop3A_157 = arith.index_cast %parallel_loop3A_156 : i32 to index
      %parallel_loop3A_158 = arith.constant 0 : index
      %parallel_loop3A_159 = tpu.vector_load %arg8[%parallel_loop3A_157, %parallel_loop3A_158] {strides = array<i32>} : memref<144x16xf32, #tpu.memory_space<vmem>>, vector<16xf32>,
      %parallel_loop3A_160 = arith.mulf %parallel_loop3A_107, %parallel_loop3A_159 : vector<16xf32>
      %parallel_loop3A_161 = arith.mulf %parallel_loop3A_113, %parallel_loop3A_159 : vector<16xf32>
      %parallel_loop3A_162 = arith.constant 18 : i32
      %parallel_loop3A_163 = arith.index_cast %parallel_loop3A_162 : i32 to index
      %parallel_loop3A_164 = arith.constant 0 : index
      %parallel_loop3A_165 = tpu.vector_load %arg8[%parallel_loop3A_163, %parallel_loop3A_164] {strides = array<i32>} : memref<144x16xf32, #tpu.memory_space<vmem>>, vector<16xf32>,
      %parallel_loop3A_166 = arith.mulf %parallel_loop3A_107, %parallel_loop3A_165 : vector<16xf32>
      %parallel_loop3A_167 = arith.mulf %parallel_loop3A_113, %parallel_loop3A_165 : vector<16xf32>
      %parallel_loop3A_168 = arith.constant 19 : i32
      %parallel_loop3A_169 = arith.index_cast %parallel_loop3A_168 : i32 to index
      %parallel_loop3A_170 = arith.constant 0 : index
      %parallel_loop3A_171 = tpu.vector_load %arg8[%parallel_loop3A_169, %parallel_loop3A_170] {strides = array<i32>} : memref<144x16xf32, #tpu.memory_space<vmem>>, vector<16xf32>,
      %parallel_loop3A_172 = arith.mulf %parallel_loop3A_107, %parallel_loop3A_171 : vector<16xf32>
      %parallel_loop3A_173 = arith.mulf %parallel_loop3A_113, %parallel_loop3A_171 : vector<16xf32>
      %parallel_loop3A_174 = arith.constant 1 : i32
      %parallel_loop3A_175 = arith.index_cast %parallel_loop3A_174 : i32 to index
      %parallel_loop3A_176 = arith.constant 0 : index
      %parallel_loop3A_177 = tpu.vector_load %arg8[%parallel_loop3A_175, %parallel_loop3A_176] {strides = array<i32>} : memref<144x16xf32, #tpu.memory_space<vmem>>, vector<16xf32>,
      %parallel_loop3A_178 = arith.constant 132 : i32
      %parallel_loop3A_179 = arith.index_cast %parallel_loop3A_178 : i32 to index
      %parallel_loop3A_180 = arith.constant 0 : index
      %parallel_loop3A_181 = tpu.vector_load %arg8[%parallel_loop3A_179, %parallel_loop3A_180] {strides = array<i32>} : memref<144x16xf32, #tpu.memory_space<vmem>>, vector<16xf32>,
      %parallel_loop3A_182 = arith.mulf %parallel_loop3A_89, %parallel_loop3A_177 : vector<16xf32>
      %parallel_loop3A_183 = arith.addf %parallel_loop3A_182, %parallel_loop3A_31 : vector<16xf32>
      %parallel_loop3A_184 = arith.addf %parallel_loop3A_183, %parallel_loop3A_181 : vector<16xf32>
      %parallel_loop3A_185 = arith.constant 0.000000e+00 : f32
      %parallel_loop3A_186 = vector.broadcast %parallel_loop3A_185 : f32 to vector<16xf32>
      %parallel_loop3A_187 = arith.maximumf %parallel_loop3A_184, %parallel_loop3A_186 : vector<16xf32>
      %parallel_loop3A_188 = arith.mulf %parallel_loop3A_93, %parallel_loop3A_177 : vector<16xf32>
      %parallel_loop3A_189 = arith.addf %parallel_loop3A_188, %parallel_loop3A_61 : vector<16xf32>
      %parallel_loop3A_190 = arith.addf %parallel_loop3A_189, %parallel_loop3A_181 : vector<16xf32>
      %parallel_loop3A_191 = arith.constant 0.000000e+00 : f32
      %parallel_loop3A_192 = vector.broadcast %parallel_loop3A_191 : f32 to vector<16xf32>
      %parallel_loop3A_193 = arith.maximumf %parallel_loop3A_190, %parallel_loop3A_192 : vector<16xf32>
      %parallel_loop3A_194 = arith.constant 20 : i32
      %parallel_loop3A_195 = arith.index_cast %parallel_loop3A_194 : i32 to index
      %parallel_loop3A_196 = arith.constant 0 : index
      %parallel_loop3A_197 = tpu.vector_load %arg8[%parallel_loop3A_195, %parallel_loop3A_196] {strides = array<i32>} : memref<144x16xf32, #tpu.memory_space<vmem>>, vector<16xf32>,
      %parallel_loop3A_198 = arith.mulf %parallel_loop3A_187, %parallel_loop3A_197 : vector<16xf32>
      %parallel_loop3A_199 = arith.addf %parallel_loop3A_118, %parallel_loop3A_198 : vector<16xf32>
      %parallel_loop3A_200 = arith.mulf %parallel_loop3A_193, %parallel_loop3A_197 : vector<16xf32>
      %parallel_loop3A_201 = arith.addf %parallel_loop3A_119, %parallel_loop3A_200 : vector<16xf32>
      %parallel_loop3A_202 = arith.constant 21 : i32
      %parallel_loop3A_203 = arith.index_cast %parallel_loop3A_202 : i32 to index
      %parallel_loop3A_204 = arith.constant 0 : index
      %parallel_loop3A_205 = tpu.vector_load %arg8[%parallel_loop3A_203, %parallel_loop3A_204] {strides = array<i32>} : memref<144x16xf32, #tpu.memory_space<vmem>>, vector<16xf32>,
      %parallel_loop3A_206 = arith.mulf %parallel_loop3A_187, %parallel_loop3A_205 : vector<16xf32>
      %parallel_loop3A_207 = arith.addf %parallel_loop3A_124, %parallel_loop3A_206 : vector<16xf32>
      %parallel_loop3A_208 = arith.mulf %parallel_loop3A_193, %parallel_loop3A_205 : vector<16xf32>
      %parallel_loop3A_209 = arith.addf %parallel_loop3A_125, %parallel_loop3A_208 : vector<16xf32>
      %parallel_loop3A_210 = arith.constant 22 : i32
      %parallel_loop3A_211 = arith.index_cast %parallel_loop3A_210 : i32 to index
      %parallel_loop3A_212 = arith.constant 0 : index
      %parallel_loop3A_213 = tpu.vector_load %arg8[%parallel_loop3A_211, %parallel_loop3A_212] {strides = array<i32>} : memref<144x16xf32, #tpu.memory_space<vmem>>, vector<16xf32>,
      %parallel_loop3A_214 = arith.mulf %parallel_loop3A_187, %parallel_loop3A_213 : vector<16xf32>
      %parallel_loop3A_215 = arith.addf %parallel_loop3A_130, %parallel_loop3A_214 : vector<16xf32>
      %parallel_loop3A_216 = arith.mulf %parallel_loop3A_193, %parallel_loop3A_213 : vector<16xf32>
      %parallel_loop3A_217 = arith.addf %parallel_loop3A_131, %parallel_loop3A_216 : vector<16xf32>
      %parallel_loop3A_218 = arith.constant 23 : i32
      %parallel_loop3A_219 = arith.index_cast %parallel_loop3A_218 : i32 to index
      %parallel_loop3A_220 = arith.constant 0 : index
      %parallel_loop3A_221 = tpu.vector_load %arg8[%parallel_loop3A_219, %parallel_loop3A_220] {strides = array<i32>} : memref<144x16xf32, #tpu.memory_space<vmem>>, vector<16xf32>,
      %parallel_loop3A_222 = arith.mulf %parallel_loop3A_187, %parallel_loop3A_221 : vector<16xf32>
      %parallel_loop3A_223 = arith.addf %parallel_loop3A_136, %parallel_loop3A_222 : vector<16xf32>
      %parallel_loop3A_224 = arith.mulf %parallel_loop3A_193, %parallel_loop3A_221 : vector<16xf32>
      %parallel_loop3A_225 = arith.addf %parallel_loop3A_137, %parallel_loop3A_224 : vector<16xf32>
      %parallel_loop3A_226 = arith.constant 24 : i32
      %parallel_loop3A_227 = arith.index_cast %parallel_loop3A_226 : i32 to index
      %parallel_loop3A_228 = arith.constant 0 : index
      %parallel_loop3A_229 = tpu.vector_load %arg8[%parallel_loop3A_227, %parallel_loop3A_228] {strides = array<i32>} : memref<144x16xf32, #tpu.memory_space<vmem>>, vector<16xf32>,
      %parallel_loop3A_230 = arith.mulf %parallel_loop3A_187, %parallel_loop3A_229 : vector<16xf32>
      %parallel_loop3A_231 = arith.addf %parallel_loop3A_142, %parallel_loop3A_230 : vector<16xf32>
      %parallel_loop3A_232 = arith.mulf %parallel_loop3A_193, %parallel_loop3A_229 : vector<16xf32>
      %parallel_loop3A_233 = arith.addf %parallel_loop3A_143, %parallel_loop3A_232 : vector<16xf32>
      %parallel_loop3A_234 = arith.constant 25 : i32
      %parallel_loop3A_235 = arith.index_cast %parallel_loop3A_234 : i32 to index
      %parallel_loop3A_236 = arith.constant 0 : index
      %parallel_loop3A_237 = tpu.vector_load %arg8[%parallel_loop3A_235, %parallel_loop3A_236] {strides = array<i32>} : memref<144x16xf32, #tpu.memory_space<vmem>>, vector<16xf32>,
      %parallel_loop3A_238 = arith.mulf %parallel_loop3A_187, %parallel_loop3A_237 : vector<16xf32>
      %parallel_loop3A_239 = arith.addf %parallel_loop3A_148, %parallel_loop3A_238 : vector<16xf32>
      %parallel_loop3A_240 = arith.mulf %parallel_loop3A_193, %parallel_loop3A_237 : vector<16xf32>
      %parallel_loop3A_241 = arith.addf %parallel_loop3A_149, %parallel_loop3A_240 : vector<16xf32>
      %parallel_loop3A_242 = arith.constant 26 : i32
      %parallel_loop3A_243 = arith.index_cast %parallel_loop3A_242 : i32 to index
      %parallel_loop3A_244 = arith.constant 0 : index
      %parallel_loop3A_245 = tpu.vector_load %arg8[%parallel_loop3A_243, %parallel_loop3A_244] {strides = array<i32>} : memref<144x16xf32, #tpu.memory_space<vmem>>, vector<16xf32>,
      %parallel_loop3A_246 = arith.mulf %parallel_loop3A_187, %parallel_loop3A_245 : vector<16xf32>
      %parallel_loop3A_247 = arith.addf %parallel_loop3A_154, %parallel_loop3A_246 : vector<16xf32>
      %parallel_loop3A_248 = arith.mulf %parallel_loop3A_193, %parallel_loop3A_245 : vector<16xf32>
      %parallel_loop3A_249 = arith.addf %parallel_loop3A_155, %parallel_loop3A_248 : vector<16xf32>
      %parallel_loop3A_250 = arith.constant 27 : i32
      %parallel_loop3A_251 = arith.index_cast %parallel_loop3A_250 : i32 to index
      %parallel_loop3A_252 = arith.constant 0 : index
      %parallel_loop3A_253 = tpu.vector_load %arg8[%parallel_loop3A_251, %parallel_loop3A_252] {strides = array<i32>} : memref<144x16xf32, #tpu.memory_space<vmem>>, vector<16xf32>,
      %parallel_loop3A_254 = arith.mulf %parallel_loop3A_187, %parallel_loop3A_253 : vector<16xf32>
      %parallel_loop3A_255 = arith.addf %parallel_loop3A_160, %parallel_loop3A_254 : vector<16xf32>
      %parallel_loop3A_256 = arith.mulf %parallel_loop3A_193, %parallel_loop3A_253 : vector<16xf32>
      %parallel_loop3A_257 = arith.addf %parallel_loop3A_161, %parallel_loop3A_256 : vector<16xf32>
      %parallel_loop3A_258 = arith.constant 28 : i32
      %parallel_loop3A_259 = arith.index_cast %parallel_loop3A_258 : i32 to index
      %parallel_loop3A_260 = arith.constant 0 : index
      %parallel_loop3A_261 = tpu.vector_load %arg8[%parallel_loop3A_259, %parallel_loop3A_260] {strides = array<i32>} : memref<144x16xf32, #tpu.memory_space<vmem>>, vector<16xf32>,
      %parallel_loop3A_262 = arith.mulf %parallel_loop3A_187, %parallel_loop3A_261 : vector<16xf32>
      %parallel_loop3A_263 = arith.addf %parallel_loop3A_166, %parallel_loop3A_262 : vector<16xf32>
      %parallel_loop3A_264 = arith.mulf %parallel_loop3A_193, %parallel_loop3A_261 : vector<16xf32>
      %parallel_loop3A_265 = arith.addf %parallel_loop3A_167, %parallel_loop3A_264 : vector<16xf32>
      %parallel_loop3A_266 = arith.constant 29 : i32
      %parallel_loop3A_267 = arith.index_cast %parallel_loop3A_266 : i32 to index
      %parallel_loop3A_268 = arith.constant 0 : index
      %parallel_loop3A_269 = tpu.vector_load %arg8[%parallel_loop3A_267, %parallel_loop3A_268] {strides = array<i32>} : memref<144x16xf32, #tpu.memory_space<vmem>>, vector<16xf32>,
      %parallel_loop3A_270 = arith.mulf %parallel_loop3A_187, %parallel_loop3A_269 : vector<16xf32>
      %parallel_loop3A_271 = arith.addf %parallel_loop3A_172, %parallel_loop3A_270 : vector<16xf32>
      %parallel_loop3A_272 = arith.mulf %parallel_loop3A_193, %parallel_loop3A_269 : vector<16xf32>
      %parallel_loop3A_273 = arith.addf %parallel_loop3A_173, %parallel_loop3A_272 : vector<16xf32>
      %parallel_loop3A_274 = arith.constant 2 : i32
      %parallel_loop3A_275 = arith.index_cast %parallel_loop3A_274 : i32 to index
      %parallel_loop3A_276 = arith.constant 0 : index
      %parallel_loop3A_277 = tpu.vector_load %arg8[%parallel_loop3A_275, %parallel_loop3A_276] {strides = array<i32>} : memref<144x16xf32, #tpu.memory_space<vmem>>, vector<16xf32>,
      %parallel_loop3A_278 = arith.constant 133 : i32
      %parallel_loop3A_279 = arith.index_cast %parallel_loop3A_278 : i32 to index
      %parallel_loop3A_280 = arith.constant 0 : index
      %parallel_loop3A_281 = tpu.vector_load %arg8[%parallel_loop3A_279, %parallel_loop3A_280] {strides = array<i32>} : memref<144x16xf32, #tpu.memory_space<vmem>>, vector<16xf32>,
      %parallel_loop3A_282 = arith.mulf %parallel_loop3A_89, %parallel_loop3A_277 : vector<16xf32>
      %parallel_loop3A_283 = arith.addf %parallel_loop3A_282, %parallel_loop3A_34 : vector<16xf32>
      %parallel_loop3A_284 = arith.addf %parallel_loop3A_283, %parallel_loop3A_281 : vector<16xf32>
      %parallel_loop3A_285 = arith.constant 0.000000e+00 : f32
      %parallel_loop3A_286 = vector.broadcast %parallel_loop3A_285 : f32 to vector<16xf32>
      %parallel_loop3A_287 = arith.maximumf %parallel_loop3A_284, %parallel_loop3A_286 : vector<16xf32>
      %parallel_loop3A_288 = arith.mulf %parallel_loop3A_93, %parallel_loop3A_277 : vector<16xf32>
      %parallel_loop3A_289 = arith.addf %parallel_loop3A_288, %parallel_loop3A_64 : vector<16xf32>
      %parallel_loop3A_290 = arith.addf %parallel_loop3A_289, %parallel_loop3A_281 : vector<16xf32>
      %parallel_loop3A_291 = arith.constant 0.000000e+00 : f32
      %parallel_loop3A_292 = vector.broadcast %parallel_loop3A_291 : f32 to vector<16xf32>
      %parallel_loop3A_293 = arith.maximumf %parallel_loop3A_290, %parallel_loop3A_292 : vector<16xf32>
      %parallel_loop3A_294 = arith.constant 30 : i32
      %parallel_loop3A_295 = arith.index_cast %parallel_loop3A_294 : i32 to index
      %parallel_loop3A_296 = arith.constant 0 : index
      %parallel_loop3A_297 = tpu.vector_load %arg8[%parallel_loop3A_295, %parallel_loop3A_296] {strides = array<i32>} : memref<144x16xf32, #tpu.memory_space<vmem>>, vector<16xf32>,
      %parallel_loop3A_298 = arith.mulf %parallel_loop3A_287, %parallel_loop3A_297 : vector<16xf32>
      %parallel_loop3A_299 = arith.addf %parallel_loop3A_199, %parallel_loop3A_298 : vector<16xf32>
      %parallel_loop3A_300 = arith.mulf %parallel_loop3A_293, %parallel_loop3A_297 : vector<16xf32>
      %parallel_loop3A_301 = arith.addf %parallel_loop3A_201, %parallel_loop3A_300 : vector<16xf32>
      %parallel_loop3A_302 = arith.constant 31 : i32
      %parallel_loop3A_303 = arith.index_cast %parallel_loop3A_302 : i32 to index
      %parallel_loop3A_304 = arith.constant 0 : index
      %parallel_loop3A_305 = tpu.vector_load %arg8[%parallel_loop3A_303, %parallel_loop3A_304] {strides = array<i32>} : memref<144x16xf32, #tpu.memory_space<vmem>>, vector<16xf32>,
      %parallel_loop3A_306 = arith.mulf %parallel_loop3A_287, %parallel_loop3A_305 : vector<16xf32>
      %parallel_loop3A_307 = arith.addf %parallel_loop3A_207, %parallel_loop3A_306 : vector<16xf32>
      %parallel_loop3A_308 = arith.mulf %parallel_loop3A_293, %parallel_loop3A_305 : vector<16xf32>
      %parallel_loop3A_309 = arith.addf %parallel_loop3A_209, %parallel_loop3A_308 : vector<16xf32>
      %parallel_loop3A_310 = arith.constant 32 : i32
      %parallel_loop3A_311 = arith.index_cast %parallel_loop3A_310 : i32 to index
      %parallel_loop3A_312 = arith.constant 0 : index
      %parallel_loop3A_313 = tpu.vector_load %arg8[%parallel_loop3A_311, %parallel_loop3A_312] {strides = array<i32>} : memref<144x16xf32, #tpu.memory_space<vmem>>, vector<16xf32>,
      %parallel_loop3A_314 = arith.mulf %parallel_loop3A_287, %parallel_loop3A_313 : vector<16xf32>
      %parallel_loop3A_315 = arith.addf %parallel_loop3A_215, %parallel_loop3A_314 : vector<16xf32>
      %parallel_loop3A_316 = arith.mulf %parallel_loop3A_293, %parallel_loop3A_313 : vector<16xf32>
      %parallel_loop3A_317 = arith.addf %parallel_loop3A_217, %parallel_loop3A_316 : vector<16xf32>
      %parallel_loop3A_318 = arith.constant 33 : i32
      %parallel_loop3A_319 = arith.index_cast %parallel_loop3A_318 : i32 to index
      %parallel_loop3A_320 = arith.constant 0 : index
      %parallel_loop3A_321 = tpu.vector_load %arg8[%parallel_loop3A_319, %parallel_loop3A_320] {strides = array<i32>} : memref<144x16xf32, #tpu.memory_space<vmem>>, vector<16xf32>,
      %parallel_loop3A_322 = arith.mulf %parallel_loop3A_287, %parallel_loop3A_321 : vector<16xf32>
      %parallel_loop3A_323 = arith.addf %parallel_loop3A_223, %parallel_loop3A_322 : vector<16xf32>
      %parallel_loop3A_324 = arith.mulf %parallel_loop3A_293, %parallel_loop3A_321 : vector<16xf32>
      %parallel_loop3A_325 = arith.addf %parallel_loop3A_225, %parallel_loop3A_324 : vector<16xf32>
      %parallel_loop3A_326 = arith.constant 34 : i32
      %parallel_loop3A_327 = arith.index_cast %parallel_loop3A_326 : i32 to index
      %parallel_loop3A_328 = arith.constant 0 : index
      %parallel_loop3A_329 = tpu.vector_load %arg8[%parallel_loop3A_327, %parallel_loop3A_328] {strides = array<i32>} : memref<144x16xf32, #tpu.memory_space<vmem>>, vector<16xf32>,
      %parallel_loop3A_330 = arith.mulf %parallel_loop3A_287, %parallel_loop3A_329 : vector<16xf32>
      %parallel_loop3A_331 = arith.addf %parallel_loop3A_231, %parallel_loop3A_330 : vector<16xf32>
      %parallel_loop3A_332 = arith.mulf %parallel_loop3A_293, %parallel_loop3A_329 : vector<16xf32>
      %parallel_loop3A_333 = arith.addf %parallel_loop3A_233, %parallel_loop3A_332 : vector<16xf32>
      %parallel_loop3A_334 = arith.constant 35 : i32
      %parallel_loop3A_335 = arith.index_cast %parallel_loop3A_334 : i32 to index
      %parallel_loop3A_336 = arith.constant 0 : index
      %parallel_loop3A_337 = tpu.vector_load %arg8[%parallel_loop3A_335, %parallel_loop3A_336] {strides = array<i32>} : memref<144x16xf32, #tpu.memory_space<vmem>>, vector<16xf32>,
      %parallel_loop3A_338 = arith.mulf %parallel_loop3A_287, %parallel_loop3A_337 : vector<16xf32>
      %parallel_loop3A_339 = arith.addf %parallel_loop3A_239, %parallel_loop3A_338 : vector<16xf32>
      %parallel_loop3A_340 = arith.mulf %parallel_loop3A_293, %parallel_loop3A_337 : vector<16xf32>
      %parallel_loop3A_341 = arith.addf %parallel_loop3A_241, %parallel_loop3A_340 : vector<16xf32>
      %parallel_loop3A_342 = arith.constant 36 : i32
      %parallel_loop3A_343 = arith.index_cast %parallel_loop3A_342 : i32 to index
      %parallel_loop3A_344 = arith.constant 0 : index
      %parallel_loop3A_345 = tpu.vector_load %arg8[%parallel_loop3A_343, %parallel_loop3A_344] {strides = array<i32>} : memref<144x16xf32, #tpu.memory_space<vmem>>, vector<16xf32>,
      %parallel_loop3A_346 = arith.mulf %parallel_loop3A_287, %parallel_loop3A_345 : vector<16xf32>
      %parallel_loop3A_347 = arith.addf %parallel_loop3A_247, %parallel_loop3A_346 : vector<16xf32>
      %parallel_loop3A_348 = arith.mulf %parallel_loop3A_293, %parallel_loop3A_345 : vector<16xf32>
      %parallel_loop3A_349 = arith.addf %parallel_loop3A_249, %parallel_loop3A_348 : vector<16xf32>
      %parallel_loop3A_350 = arith.constant 37 : i32
      %parallel_loop3A_351 = arith.index_cast %parallel_loop3A_350 : i32 to index
      %parallel_loop3A_352 = arith.constant 0 : index
      %parallel_loop3A_353 = tpu.vector_load %arg8[%parallel_loop3A_351, %parallel_loop3A_352] {strides = array<i32>} : memref<144x16xf32, #tpu.memory_space<vmem>>, vector<16xf32>,
      %parallel_loop3A_354 = arith.mulf %parallel_loop3A_287, %parallel_loop3A_353 : vector<16xf32>
      %parallel_loop3A_355 = arith.addf %parallel_loop3A_255, %parallel_loop3A_354 : vector<16xf32>
      %parallel_loop3A_356 = arith.mulf %parallel_loop3A_293, %parallel_loop3A_353 : vector<16xf32>
      %parallel_loop3A_357 = arith.addf %parallel_loop3A_257, %parallel_loop3A_356 : vector<16xf32>
      %parallel_loop3A_358 = arith.constant 38 : i32
      %parallel_loop3A_359 = arith.index_cast %parallel_loop3A_358 : i32 to index
      %parallel_loop3A_360 = arith.constant 0 : index
      %parallel_loop3A_361 = tpu.vector_load %arg8[%parallel_loop3A_359, %parallel_loop3A_360] {strides = array<i32>} : memref<144x16xf32, #tpu.memory_space<vmem>>, vector<16xf32>,
      %parallel_loop3A_362 = arith.mulf %parallel_loop3A_287, %parallel_loop3A_361 : vector<16xf32>
      %parallel_loop3A_363 = arith.addf %parallel_loop3A_263, %parallel_loop3A_362 : vector<16xf32>
      %parallel_loop3A_364 = arith.mulf %parallel_loop3A_293, %parallel_loop3A_361 : vector<16xf32>
      %parallel_loop3A_365 = arith.addf %parallel_loop3A_265, %parallel_loop3A_364 : vector<16xf32>
      %parallel_loop3A_366 = arith.constant 39 : i32
      %parallel_loop3A_367 = arith.index_cast %parallel_loop3A_366 : i32 to index
      %parallel_loop3A_368 = arith.constant 0 : index
      %parallel_loop3A_369 = tpu.vector_load %arg8[%parallel_loop3A_367, %parallel_loop3A_368] {strides = array<i32>} : memref<144x16xf32, #tpu.memory_space<vmem>>, vector<16xf32>,
      %parallel_loop3A_370 = arith.mulf %parallel_loop3A_287, %parallel_loop3A_369 : vector<16xf32>
      %parallel_loop3A_371 = arith.addf %parallel_loop3A_271, %parallel_loop3A_370 : vector<16xf32>
      %parallel_loop3A_372 = arith.mulf %parallel_loop3A_293, %parallel_loop3A_369 : vector<16xf32>
      %parallel_loop3A_373 = arith.addf %parallel_loop3A_273, %parallel_loop3A_372 : vector<16xf32>
      %parallel_loop3A_374 = arith.constant 3 : i32
      %parallel_loop3A_375 = arith.index_cast %parallel_loop3A_374 : i32 to index
      %parallel_loop3A_376 = arith.constant 0 : index
      %parallel_loop3A_377 = tpu.vector_load %arg8[%parallel_loop3A_375, %parallel_loop3A_376] {strides = array<i32>} : memref<144x16xf32, #tpu.memory_space<vmem>>, vector<16xf32>,
      %parallel_loop3A_378 = arith.constant 134 : i32
      %parallel_loop3A_379 = arith.index_cast %parallel_loop3A_378 : i32 to index
      %parallel_loop3A_380 = arith.constant 0 : index
      %parallel_loop3A_381 = tpu.vector_load %arg8[%parallel_loop3A_379, %parallel_loop3A_380] {strides = array<i32>} : memref<144x16xf32, #tpu.memory_space<vmem>>, vector<16xf32>,
      %parallel_loop3A_382 = arith.mulf %parallel_loop3A_89, %parallel_loop3A_377 : vector<16xf32>
      %parallel_loop3A_383 = arith.addf %parallel_loop3A_382, %parallel_loop3A_37 : vector<16xf32>
      %parallel_loop3A_384 = arith.addf %parallel_loop3A_383, %parallel_loop3A_381 : vector<16xf32>
      %parallel_loop3A_385 = arith.constant 0.000000e+00 : f32
      %parallel_loop3A_386 = vector.broadcast %parallel_loop3A_385 : f32 to vector<16xf32>
      %parallel_loop3A_387 = arith.maximumf %parallel_loop3A_384, %parallel_loop3A_386 : vector<16xf32>
      %parallel_loop3A_388 = arith.mulf %parallel_loop3A_93, %parallel_loop3A_377 : vector<16xf32>
      %parallel_loop3A_389 = arith.addf %parallel_loop3A_388, %parallel_loop3A_67 : vector<16xf32>
      %parallel_loop3A_390 = arith.addf %parallel_loop3A_389, %parallel_loop3A_381 : vector<16xf32>
      %parallel_loop3A_391 = arith.constant 0.000000e+00 : f32
      %parallel_loop3A_392 = vector.broadcast %parallel_loop3A_391 : f32 to vector<16xf32>
      %parallel_loop3A_393 = arith.maximumf %parallel_loop3A_390, %parallel_loop3A_392 : vector<16xf32>
      %parallel_loop3A_394 = arith.constant 40 : i32
      %parallel_loop3A_395 = arith.index_cast %parallel_loop3A_394 : i32 to index
      %parallel_loop3A_396 = arith.constant 0 : index
      %parallel_loop3A_397 = tpu.vector_load %arg8[%parallel_loop3A_395, %parallel_loop3A_396] {strides = array<i32>} : memref<144x16xf32, #tpu.memory_space<vmem>>, vector<16xf32>,
      %parallel_loop3A_398 = arith.mulf %parallel_loop3A_387, %parallel_loop3A_397 : vector<16xf32>
      %parallel_loop3A_399 = arith.addf %parallel_loop3A_299, %parallel_loop3A_398 : vector<16xf32>
      %parallel_loop3A_400 = arith.mulf %parallel_loop3A_393, %parallel_loop3A_397 : vector<16xf32>
      %parallel_loop3A_401 = arith.addf %parallel_loop3A_301, %parallel_loop3A_400 : vector<16xf32>
      %parallel_loop3A_402 = arith.constant 41 : i32
      %parallel_loop3A_403 = arith.index_cast %parallel_loop3A_402 : i32 to index
      %parallel_loop3A_404 = arith.constant 0 : index
      %parallel_loop3A_405 = tpu.vector_load %arg8[%parallel_loop3A_403, %parallel_loop3A_404] {strides = array<i32>} : memref<144x16xf32, #tpu.memory_space<vmem>>, vector<16xf32>,
      %parallel_loop3A_406 = arith.mulf %parallel_loop3A_387, %parallel_loop3A_405 : vector<16xf32>
      %parallel_loop3A_407 = arith.addf %parallel_loop3A_307, %parallel_loop3A_406 : vector<16xf32>
      %parallel_loop3A_408 = arith.mulf %parallel_loop3A_393, %parallel_loop3A_405 : vector<16xf32>
      %parallel_loop3A_409 = arith.addf %parallel_loop3A_309, %parallel_loop3A_408 : vector<16xf32>
      %parallel_loop3A_410 = arith.constant 42 : i32
      %parallel_loop3A_411 = arith.index_cast %parallel_loop3A_410 : i32 to index
      %parallel_loop3A_412 = arith.constant 0 : index
      %parallel_loop3A_413 = tpu.vector_load %arg8[%parallel_loop3A_411, %parallel_loop3A_412] {strides = array<i32>} : memref<144x16xf32, #tpu.memory_space<vmem>>, vector<16xf32>,
      %parallel_loop3A_414 = arith.mulf %parallel_loop3A_387, %parallel_loop3A_413 : vector<16xf32>
      %parallel_loop3A_415 = arith.addf %parallel_loop3A_315, %parallel_loop3A_414 : vector<16xf32>
      %parallel_loop3A_416 = arith.mulf %parallel_loop3A_393, %parallel_loop3A_413 : vector<16xf32>
      %parallel_loop3A_417 = arith.addf %parallel_loop3A_317, %parallel_loop3A_416 : vector<16xf32>
      %parallel_loop3A_418 = arith.constant 43 : i32
      %parallel_loop3A_419 = arith.index_cast %parallel_loop3A_418 : i32 to index
      %parallel_loop3A_420 = arith.constant 0 : index
      %parallel_loop3A_421 = tpu.vector_load %arg8[%parallel_loop3A_419, %parallel_loop3A_420] {strides = array<i32>} : memref<144x16xf32, #tpu.memory_space<vmem>>, vector<16xf32>,
      %parallel_loop3A_422 = arith.mulf %parallel_loop3A_387, %parallel_loop3A_421 : vector<16xf32>
      %parallel_loop3A_423 = arith.addf %parallel_loop3A_323, %parallel_loop3A_422 : vector<16xf32>
      %parallel_loop3A_424 = arith.mulf %parallel_loop3A_393, %parallel_loop3A_421 : vector<16xf32>
      %parallel_loop3A_425 = arith.addf %parallel_loop3A_325, %parallel_loop3A_424 : vector<16xf32>
      %parallel_loop3A_426 = arith.constant 44 : i32
      %parallel_loop3A_427 = arith.index_cast %parallel_loop3A_426 : i32 to index
      %parallel_loop3A_428 = arith.constant 0 : index
      %parallel_loop3A_429 = tpu.vector_load %arg8[%parallel_loop3A_427, %parallel_loop3A_428] {strides = array<i32>} : memref<144x16xf32, #tpu.memory_space<vmem>>, vector<16xf32>,
      %parallel_loop3A_430 = arith.mulf %parallel_loop3A_387, %parallel_loop3A_429 : vector<16xf32>
      %parallel_loop3A_431 = arith.addf %parallel_loop3A_331, %parallel_loop3A_430 : vector<16xf32>
      %parallel_loop3A_432 = arith.mulf %parallel_loop3A_393, %parallel_loop3A_429 : vector<16xf32>
      %parallel_loop3A_433 = arith.addf %parallel_loop3A_333, %parallel_loop3A_432 : vector<16xf32>
      %parallel_loop3A_434 = arith.constant 45 : i32
      %parallel_loop3A_435 = arith.index_cast %parallel_loop3A_434 : i32 to index
      %parallel_loop3A_436 = arith.constant 0 : index
      %parallel_loop3A_437 = tpu.vector_load %arg8[%parallel_loop3A_435, %parallel_loop3A_436] {strides = array<i32>} : memref<144x16xf32, #tpu.memory_space<vmem>>, vector<16xf32>,
      %parallel_loop3A_438 = arith.mulf %parallel_loop3A_387, %parallel_loop3A_437 : vector<16xf32>
      %parallel_loop3A_439 = arith.addf %parallel_loop3A_339, %parallel_loop3A_438 : vector<16xf32>
      %parallel_loop3A_440 = arith.mulf %parallel_loop3A_393, %parallel_loop3A_437 : vector<16xf32>
      %parallel_loop3A_441 = arith.addf %parallel_loop3A_341, %parallel_loop3A_440 : vector<16xf32>
      %parallel_loop3A_442 = arith.constant 46 : i32
      %parallel_loop3A_443 = arith.index_cast %parallel_loop3A_442 : i32 to index
      %parallel_loop3A_444 = arith.constant 0 : index
      %parallel_loop3A_445 = tpu.vector_load %arg8[%parallel_loop3A_443, %parallel_loop3A_444] {strides = array<i32>} : memref<144x16xf32, #tpu.memory_space<vmem>>, vector<16xf32>,
      %parallel_loop3A_446 = arith.mulf %parallel_loop3A_387, %parallel_loop3A_445 : vector<16xf32>
      %parallel_loop3A_447 = arith.addf %parallel_loop3A_347, %parallel_loop3A_446 : vector<16xf32>
      %parallel_loop3A_448 = arith.mulf %parallel_loop3A_393, %parallel_loop3A_445 : vector<16xf32>
      %parallel_loop3A_449 = arith.addf %parallel_loop3A_349, %parallel_loop3A_448 : vector<16xf32>
      %parallel_loop3A_450 = arith.constant 47 : i32
      %parallel_loop3A_451 = arith.index_cast %parallel_loop3A_450 : i32 to index
      %parallel_loop3A_452 = arith.constant 0 : index
      %parallel_loop3A_453 = tpu.vector_load %arg8[%parallel_loop3A_451, %parallel_loop3A_452] {strides = array<i32>} : memref<144x16xf32, #tpu.memory_space<vmem>>, vector<16xf32>,
      %parallel_loop3A_454 = arith.mulf %parallel_loop3A_387, %parallel_loop3A_453 : vector<16xf32>
      %parallel_loop3A_455 = arith.addf %parallel_loop3A_355, %parallel_loop3A_454 : vector<16xf32>
      %parallel_loop3A_456 = arith.mulf %parallel_loop3A_393, %parallel_loop3A_453 : vector<16xf32>
      %parallel_loop3A_457 = arith.addf %parallel_loop3A_357, %parallel_loop3A_456 : vector<16xf32>
      %parallel_loop3A_458 = arith.constant 48 : i32
      %parallel_loop3A_459 = arith.index_cast %parallel_loop3A_458 : i32 to index
      %parallel_loop3A_460 = arith.constant 0 : index
      %parallel_loop3A_461 = tpu.vector_load %arg8[%parallel_loop3A_459, %parallel_loop3A_460] {strides = array<i32>} : memref<144x16xf32, #tpu.memory_space<vmem>>, vector<16xf32>,
      %parallel_loop3A_462 = arith.mulf %parallel_loop3A_387, %parallel_loop3A_461 : vector<16xf32>
      %parallel_loop3A_463 = arith.addf %parallel_loop3A_363, %parallel_loop3A_462 : vector<16xf32>
      %parallel_loop3A_464 = arith.mulf %parallel_loop3A_393, %parallel_loop3A_461 : vector<16xf32>
      %parallel_loop3A_465 = arith.addf %parallel_loop3A_365, %parallel_loop3A_464 : vector<16xf32>
      %parallel_loop3A_466 = arith.constant 49 : i32
      %parallel_loop3A_467 = arith.index_cast %parallel_loop3A_466 : i32 to index
      %parallel_loop3A_468 = arith.constant 0 : index
      %parallel_loop3A_469 = tpu.vector_load %arg8[%parallel_loop3A_467, %parallel_loop3A_468] {strides = array<i32>} : memref<144x16xf32, #tpu.memory_space<vmem>>, vector<16xf32>,
      %parallel_loop3A_470 = arith.mulf %parallel_loop3A_387, %parallel_loop3A_469 : vector<16xf32>
      %parallel_loop3A_471 = arith.addf %parallel_loop3A_371, %parallel_loop3A_470 : vector<16xf32>
      %parallel_loop3A_472 = arith.mulf %parallel_loop3A_393, %parallel_loop3A_469 : vector<16xf32>
      %parallel_loop3A_473 = arith.addf %parallel_loop3A_373, %parallel_loop3A_472 : vector<16xf32>
      %parallel_loop3A_474 = arith.constant 4 : i32
      %parallel_loop3A_475 = arith.index_cast %parallel_loop3A_474 : i32 to index
      %parallel_loop3A_476 = arith.constant 0 : index
      %parallel_loop3A_477 = tpu.vector_load %arg8[%parallel_loop3A_475, %parallel_loop3A_476] {strides = array<i32>} : memref<144x16xf32, #tpu.memory_space<vmem>>, vector<16xf32>,
      %parallel_loop3A_478 = arith.constant 135 : i32
      %parallel_loop3A_479 = arith.index_cast %parallel_loop3A_478 : i32 to index
      %parallel_loop3A_480 = arith.constant 0 : index
      %parallel_loop3A_481 = tpu.vector_load %arg8[%parallel_loop3A_479, %parallel_loop3A_480] {strides = array<i32>} : memref<144x16xf32, #tpu.memory_space<vmem>>, vector<16xf32>,
      %parallel_loop3A_482 = arith.mulf %parallel_loop3A_89, %parallel_loop3A_477 : vector<16xf32>
      %parallel_loop3A_483 = arith.addf %parallel_loop3A_482, %parallel_loop3A_40 : vector<16xf32>
      %parallel_loop3A_484 = arith.addf %parallel_loop3A_483, %parallel_loop3A_481 : vector<16xf32>
      %parallel_loop3A_485 = arith.constant 0.000000e+00 : f32
      %parallel_loop3A_486 = vector.broadcast %parallel_loop3A_485 : f32 to vector<16xf32>
      %parallel_loop3A_487 = arith.maximumf %parallel_loop3A_484, %parallel_loop3A_486 : vector<16xf32>
      %parallel_loop3A_488 = arith.mulf %parallel_loop3A_93, %parallel_loop3A_477 : vector<16xf32>
      %parallel_loop3A_489 = arith.addf %parallel_loop3A_488, %parallel_loop3A_70 : vector<16xf32>
      %parallel_loop3A_490 = arith.addf %parallel_loop3A_489, %parallel_loop3A_481 : vector<16xf32>
      %parallel_loop3A_491 = arith.constant 0.000000e+00 : f32
      %parallel_loop3A_492 = vector.broadcast %parallel_loop3A_491 : f32 to vector<16xf32>
      %parallel_loop3A_493 = arith.maximumf %parallel_loop3A_490, %parallel_loop3A_492 : vector<16xf32>
      %parallel_loop3A_494 = arith.constant 50 : i32
      %parallel_loop3A_495 = arith.index_cast %parallel_loop3A_494 : i32 to index
      %parallel_loop3A_496 = arith.constant 0 : index
      %parallel_loop3A_497 = tpu.vector_load %arg8[%parallel_loop3A_495, %parallel_loop3A_496] {strides = array<i32>} : memref<144x16xf32, #tpu.memory_space<vmem>>, vector<16xf32>,
      %parallel_loop3A_498 = arith.mulf %parallel_loop3A_487, %parallel_loop3A_497 : vector<16xf32>
      %parallel_loop3A_499 = arith.addf %parallel_loop3A_399, %parallel_loop3A_498 : vector<16xf32>
      %parallel_loop3A_500 = arith.mulf %parallel_loop3A_493, %parallel_loop3A_497 : vector<16xf32>
      %parallel_loop3A_501 = arith.addf %parallel_loop3A_401, %parallel_loop3A_500 : vector<16xf32>
      %parallel_loop3A_502 = arith.constant 51 : i32
      %parallel_loop3A_503 = arith.index_cast %parallel_loop3A_502 : i32 to index
      %parallel_loop3A_504 = arith.constant 0 : index
      %parallel_loop3A_505 = tpu.vector_load %arg8[%parallel_loop3A_503, %parallel_loop3A_504] {strides = array<i32>} : memref<144x16xf32, #tpu.memory_space<vmem>>, vector<16xf32>,
      %parallel_loop3A_506 = arith.mulf %parallel_loop3A_487, %parallel_loop3A_505 : vector<16xf32>
      %parallel_loop3A_507 = arith.addf %parallel_loop3A_407, %parallel_loop3A_506 : vector<16xf32>
      %parallel_loop3A_508 = arith.mulf %parallel_loop3A_493, %parallel_loop3A_505 : vector<16xf32>
      %parallel_loop3A_509 = arith.addf %parallel_loop3A_409, %parallel_loop3A_508 : vector<16xf32>
      %parallel_loop3A_510 = arith.constant 52 : i32
      %parallel_loop3A_511 = arith.index_cast %parallel_loop3A_510 : i32 to index
      %parallel_loop3A_512 = arith.constant 0 : index
      %parallel_loop3A_513 = tpu.vector_load %arg8[%parallel_loop3A_511, %parallel_loop3A_512] {strides = array<i32>} : memref<144x16xf32, #tpu.memory_space<vmem>>, vector<16xf32>,
      %parallel_loop3A_514 = arith.mulf %parallel_loop3A_487, %parallel_loop3A_513 : vector<16xf32>
      %parallel_loop3A_515 = arith.addf %parallel_loop3A_415, %parallel_loop3A_514 : vector<16xf32>
      %parallel_loop3A_516 = arith.mulf %parallel_loop3A_493, %parallel_loop3A_513 : vector<16xf32>
      %parallel_loop3A_517 = arith.addf %parallel_loop3A_417, %parallel_loop3A_516 : vector<16xf32>
      %parallel_loop3A_518 = arith.constant 53 : i32
      %parallel_loop3A_519 = arith.index_cast %parallel_loop3A_518 : i32 to index
      %parallel_loop3A_520 = arith.constant 0 : index
      %parallel_loop3A_521 = tpu.vector_load %arg8[%parallel_loop3A_519, %parallel_loop3A_520] {strides = array<i32>} : memref<144x16xf32, #tpu.memory_space<vmem>>, vector<16xf32>,
      %parallel_loop3A_522 = arith.mulf %parallel_loop3A_487, %parallel_loop3A_521 : vector<16xf32>
      %parallel_loop3A_523 = arith.addf %parallel_loop3A_423, %parallel_loop3A_522 : vector<16xf32>
      %parallel_loop3A_524 = arith.mulf %parallel_loop3A_493, %parallel_loop3A_521 : vector<16xf32>
      %parallel_loop3A_525 = arith.addf %parallel_loop3A_425, %parallel_loop3A_524 : vector<16xf32>
      %parallel_loop3A_526 = arith.constant 54 : i32
      %parallel_loop3A_527 = arith.index_cast %parallel_loop3A_526 : i32 to index
      %parallel_loop3A_528 = arith.constant 0 : index
      %parallel_loop3A_529 = tpu.vector_load %arg8[%parallel_loop3A_527, %parallel_loop3A_528] {strides = array<i32>} : memref<144x16xf32, #tpu.memory_space<vmem>>, vector<16xf32>,
      %parallel_loop3A_530 = arith.mulf %parallel_loop3A_487, %parallel_loop3A_529 : vector<16xf32>
      %parallel_loop3A_531 = arith.addf %parallel_loop3A_431, %parallel_loop3A_530 : vector<16xf32>
      %parallel_loop3A_532 = arith.mulf %parallel_loop3A_493, %parallel_loop3A_529 : vector<16xf32>
      %parallel_loop3A_533 = arith.addf %parallel_loop3A_433, %parallel_loop3A_532 : vector<16xf32>
      %parallel_loop3A_534 = arith.constant 55 : i32
      %parallel_loop3A_535 = arith.index_cast %parallel_loop3A_534 : i32 to index
      %parallel_loop3A_536 = arith.constant 0 : index
      %parallel_loop3A_537 = tpu.vector_load %arg8[%parallel_loop3A_535, %parallel_loop3A_536] {strides = array<i32>} : memref<144x16xf32, #tpu.memory_space<vmem>>, vector<16xf32>,
      %parallel_loop3A_538 = arith.mulf %parallel_loop3A_487, %parallel_loop3A_537 : vector<16xf32>
      %parallel_loop3A_539 = arith.addf %parallel_loop3A_439, %parallel_loop3A_538 : vector<16xf32>
      %parallel_loop3A_540 = arith.mulf %parallel_loop3A_493, %parallel_loop3A_537 : vector<16xf32>
      %parallel_loop3A_541 = arith.addf %parallel_loop3A_441, %parallel_loop3A_540 : vector<16xf32>
      %parallel_loop3A_542 = arith.constant 56 : i32
      %parallel_loop3A_543 = arith.index_cast %parallel_loop3A_542 : i32 to index
      %parallel_loop3A_544 = arith.constant 0 : index
      %parallel_loop3A_545 = tpu.vector_load %arg8[%parallel_loop3A_543, %parallel_loop3A_544] {strides = array<i32>} : memref<144x16xf32, #tpu.memory_space<vmem>>, vector<16xf32>,
      %parallel_loop3A_546 = arith.mulf %parallel_loop3A_487, %parallel_loop3A_545 : vector<16xf32>
      %parallel_loop3A_547 = arith.addf %parallel_loop3A_447, %parallel_loop3A_546 : vector<16xf32>
      %parallel_loop3A_548 = arith.mulf %parallel_loop3A_493, %parallel_loop3A_545 : vector<16xf32>
      %parallel_loop3A_549 = arith.addf %parallel_loop3A_449, %parallel_loop3A_548 : vector<16xf32>
      %parallel_loop3A_550 = arith.constant 57 : i32
      %parallel_loop3A_551 = arith.index_cast %parallel_loop3A_550 : i32 to index
      %parallel_loop3A_552 = arith.constant 0 : index
      %parallel_loop3A_553 = tpu.vector_load %arg8[%parallel_loop3A_551, %parallel_loop3A_552] {strides = array<i32>} : memref<144x16xf32, #tpu.memory_space<vmem>>, vector<16xf32>,
      %parallel_loop3A_554 = arith.mulf %parallel_loop3A_487, %parallel_loop3A_553 : vector<16xf32>
      %parallel_loop3A_555 = arith.addf %parallel_loop3A_455, %parallel_loop3A_554 : vector<16xf32>
      %parallel_loop3A_556 = arith.mulf %parallel_loop3A_493, %parallel_loop3A_553 : vector<16xf32>
      %parallel_loop3A_557 = arith.addf %parallel_loop3A_457, %parallel_loop3A_556 : vector<16xf32>
      %parallel_loop3A_558 = arith.constant 58 : i32
      %parallel_loop3A_559 = arith.index_cast %parallel_loop3A_558 : i32 to index
      %parallel_loop3A_560 = arith.constant 0 : index
      %parallel_loop3A_561 = tpu.vector_load %arg8[%parallel_loop3A_559, %parallel_loop3A_560] {strides = array<i32>} : memref<144x16xf32, #tpu.memory_space<vmem>>, vector<16xf32>,
      %parallel_loop3A_562 = arith.mulf %parallel_loop3A_487, %parallel_loop3A_561 : vector<16xf32>
      %parallel_loop3A_563 = arith.addf %parallel_loop3A_463, %parallel_loop3A_562 : vector<16xf32>
      %parallel_loop3A_564 = arith.mulf %parallel_loop3A_493, %parallel_loop3A_561 : vector<16xf32>
      %parallel_loop3A_565 = arith.addf %parallel_loop3A_465, %parallel_loop3A_564 : vector<16xf32>
      %parallel_loop3A_566 = arith.constant 59 : i32
      %parallel_loop3A_567 = arith.index_cast %parallel_loop3A_566 : i32 to index
      %parallel_loop3A_568 = arith.constant 0 : index
      %parallel_loop3A_569 = tpu.vector_load %arg8[%parallel_loop3A_567, %parallel_loop3A_568] {strides = array<i32>} : memref<144x16xf32, #tpu.memory_space<vmem>>, vector<16xf32>,
      %parallel_loop3A_570 = arith.mulf %parallel_loop3A_487, %parallel_loop3A_569 : vector<16xf32>
      %parallel_loop3A_571 = arith.addf %parallel_loop3A_471, %parallel_loop3A_570 : vector<16xf32>
      %parallel_loop3A_572 = arith.mulf %parallel_loop3A_493, %parallel_loop3A_569 : vector<16xf32>
      %parallel_loop3A_573 = arith.addf %parallel_loop3A_473, %parallel_loop3A_572 : vector<16xf32>
      %parallel_loop3A_574 = arith.constant 5 : i32
      %parallel_loop3A_575 = arith.index_cast %parallel_loop3A_574 : i32 to index
      %parallel_loop3A_576 = arith.constant 0 : index
      %parallel_loop3A_577 = tpu.vector_load %arg8[%parallel_loop3A_575, %parallel_loop3A_576] {strides = array<i32>} : memref<144x16xf32, #tpu.memory_space<vmem>>, vector<16xf32>,
      %parallel_loop3A_578 = arith.constant 136 : i32
      %parallel_loop3A_579 = arith.index_cast %parallel_loop3A_578 : i32 to index
      %parallel_loop3A_580 = arith.constant 0 : index
      %parallel_loop3A_581 = tpu.vector_load %arg8[%parallel_loop3A_579, %parallel_loop3A_580] {strides = array<i32>} : memref<144x16xf32, #tpu.memory_space<vmem>>, vector<16xf32>,
      %parallel_loop3A_582 = arith.mulf %parallel_loop3A_89, %parallel_loop3A_577 : vector<16xf32>
      %parallel_loop3A_583 = arith.addf %parallel_loop3A_582, %parallel_loop3A_43 : vector<16xf32>
      %parallel_loop3A_584 = arith.addf %parallel_loop3A_583, %parallel_loop3A_581 : vector<16xf32>
      %parallel_loop3A_585 = arith.constant 0.000000e+00 : f32
      %parallel_loop3A_586 = vector.broadcast %parallel_loop3A_585 : f32 to vector<16xf32>
      %parallel_loop3A_587 = arith.maximumf %parallel_loop3A_584, %parallel_loop3A_586 : vector<16xf32>
      %parallel_loop3A_588 = arith.mulf %parallel_loop3A_93, %parallel_loop3A_577 : vector<16xf32>
      %parallel_loop3A_589 = arith.addf %parallel_loop3A_588, %parallel_loop3A_73 : vector<16xf32>
      %parallel_loop3A_590 = arith.addf %parallel_loop3A_589, %parallel_loop3A_581 : vector<16xf32>
      %parallel_loop3A_591 = arith.constant 0.000000e+00 : f32
      %parallel_loop3A_592 = vector.broadcast %parallel_loop3A_591 : f32 to vector<16xf32>
      %parallel_loop3A_593 = arith.maximumf %parallel_loop3A_590, %parallel_loop3A_592 : vector<16xf32>
      %parallel_loop3A_594 = arith.constant 60 : i32
      %parallel_loop3A_595 = arith.index_cast %parallel_loop3A_594 : i32 to index
      %parallel_loop3A_596 = arith.constant 0 : index
      %parallel_loop3A_597 = tpu.vector_load %arg8[%parallel_loop3A_595, %parallel_loop3A_596] {strides = array<i32>} : memref<144x16xf32, #tpu.memory_space<vmem>>, vector<16xf32>,
      %parallel_loop3A_598 = arith.mulf %parallel_loop3A_587, %parallel_loop3A_597 : vector<16xf32>
      %parallel_loop3A_599 = arith.addf %parallel_loop3A_499, %parallel_loop3A_598 : vector<16xf32>
      %parallel_loop3A_600 = arith.mulf %parallel_loop3A_593, %parallel_loop3A_597 : vector<16xf32>
      %parallel_loop3A_601 = arith.addf %parallel_loop3A_501, %parallel_loop3A_600 : vector<16xf32>
      %parallel_loop3A_602 = arith.constant 61 : i32
      %parallel_loop3A_603 = arith.index_cast %parallel_loop3A_602 : i32 to index
      %parallel_loop3A_604 = arith.constant 0 : index
      %parallel_loop3A_605 = tpu.vector_load %arg8[%parallel_loop3A_603, %parallel_loop3A_604] {strides = array<i32>} : memref<144x16xf32, #tpu.memory_space<vmem>>, vector<16xf32>,
      %parallel_loop3A_606 = arith.mulf %parallel_loop3A_587, %parallel_loop3A_605 : vector<16xf32>
      %parallel_loop3A_607 = arith.addf %parallel_loop3A_507, %parallel_loop3A_606 : vector<16xf32>
      %parallel_loop3A_608 = arith.mulf %parallel_loop3A_593, %parallel_loop3A_605 : vector<16xf32>
      %parallel_loop3A_609 = arith.addf %parallel_loop3A_509, %parallel_loop3A_608 : vector<16xf32>
      %parallel_loop3A_610 = arith.constant 62 : i32
      %parallel_loop3A_611 = arith.index_cast %parallel_loop3A_610 : i32 to index
      %parallel_loop3A_612 = arith.constant 0 : index
      %parallel_loop3A_613 = tpu.vector_load %arg8[%parallel_loop3A_611, %parallel_loop3A_612] {strides = array<i32>} : memref<144x16xf32, #tpu.memory_space<vmem>>, vector<16xf32>,
      %parallel_loop3A_614 = arith.mulf %parallel_loop3A_587, %parallel_loop3A_613 : vector<16xf32>
      %parallel_loop3A_615 = arith.addf %parallel_loop3A_515, %parallel_loop3A_614 : vector<16xf32>
      %parallel_loop3A_616 = arith.mulf %parallel_loop3A_593, %parallel_loop3A_613 : vector<16xf32>
      %parallel_loop3A_617 = arith.addf %parallel_loop3A_517, %parallel_loop3A_616 : vector<16xf32>
      %parallel_loop3A_618 = arith.constant 63 : i32
      %parallel_loop3A_619 = arith.index_cast %parallel_loop3A_618 : i32 to index
      %parallel_loop3A_620 = arith.constant 0 : index
      %parallel_loop3A_621 = tpu.vector_load %arg8[%parallel_loop3A_619, %parallel_loop3A_620] {strides = array<i32>} : memref<144x16xf32, #tpu.memory_space<vmem>>, vector<16xf32>,
      %parallel_loop3A_622 = arith.mulf %parallel_loop3A_587, %parallel_loop3A_621 : vector<16xf32>
      %parallel_loop3A_623 = arith.addf %parallel_loop3A_523, %parallel_loop3A_622 : vector<16xf32>
      %parallel_loop3A_624 = arith.mulf %parallel_loop3A_593, %parallel_loop3A_621 : vector<16xf32>
      %parallel_loop3A_625 = arith.addf %parallel_loop3A_525, %parallel_loop3A_624 : vector<16xf32>
      %parallel_loop3A_626 = arith.constant 64 : i32
      %parallel_loop3A_627 = arith.index_cast %parallel_loop3A_626 : i32 to index
      %parallel_loop3A_628 = arith.constant 0 : index
      %parallel_loop3A_629 = tpu.vector_load %arg8[%parallel_loop3A_627, %parallel_loop3A_628] {strides = array<i32>} : memref<144x16xf32, #tpu.memory_space<vmem>>, vector<16xf32>,
      %parallel_loop3A_630 = arith.mulf %parallel_loop3A_587, %parallel_loop3A_629 : vector<16xf32>
      %parallel_loop3A_631 = arith.addf %parallel_loop3A_531, %parallel_loop3A_630 : vector<16xf32>
      %parallel_loop3A_632 = arith.mulf %parallel_loop3A_593, %parallel_loop3A_629 : vector<16xf32>
      %parallel_loop3A_633 = arith.addf %parallel_loop3A_533, %parallel_loop3A_632 : vector<16xf32>
      %parallel_loop3A_634 = arith.constant 65 : i32
      %parallel_loop3A_635 = arith.index_cast %parallel_loop3A_634 : i32 to index
      %parallel_loop3A_636 = arith.constant 0 : index
      %parallel_loop3A_637 = tpu.vector_load %arg8[%parallel_loop3A_635, %parallel_loop3A_636] {strides = array<i32>} : memref<144x16xf32, #tpu.memory_space<vmem>>, vector<16xf32>,
      %parallel_loop3A_638 = arith.mulf %parallel_loop3A_587, %parallel_loop3A_637 : vector<16xf32>
      %parallel_loop3A_639 = arith.addf %parallel_loop3A_539, %parallel_loop3A_638 : vector<16xf32>
      %parallel_loop3A_640 = arith.mulf %parallel_loop3A_593, %parallel_loop3A_637 : vector<16xf32>
      %parallel_loop3A_641 = arith.addf %parallel_loop3A_541, %parallel_loop3A_640 : vector<16xf32>
      %parallel_loop3A_642 = arith.constant 66 : i32
      %parallel_loop3A_643 = arith.index_cast %parallel_loop3A_642 : i32 to index
      %parallel_loop3A_644 = arith.constant 0 : index
      %parallel_loop3A_645 = tpu.vector_load %arg8[%parallel_loop3A_643, %parallel_loop3A_644] {strides = array<i32>} : memref<144x16xf32, #tpu.memory_space<vmem>>, vector<16xf32>,
      %parallel_loop3A_646 = arith.mulf %parallel_loop3A_587, %parallel_loop3A_645 : vector<16xf32>
      %parallel_loop3A_647 = arith.addf %parallel_loop3A_547, %parallel_loop3A_646 : vector<16xf32>
      %parallel_loop3A_648 = arith.mulf %parallel_loop3A_593, %parallel_loop3A_645 : vector<16xf32>
      %parallel_loop3A_649 = arith.addf %parallel_loop3A_549, %parallel_loop3A_648 : vector<16xf32>
      %parallel_loop3A_650 = arith.constant 67 : i32
      %parallel_loop3A_651 = arith.index_cast %parallel_loop3A_650 : i32 to index
      %parallel_loop3A_652 = arith.constant 0 : index
      %parallel_loop3A_653 = tpu.vector_load %arg8[%parallel_loop3A_651, %parallel_loop3A_652] {strides = array<i32>} : memref<144x16xf32, #tpu.memory_space<vmem>>, vector<16xf32>,
      %parallel_loop3A_654 = arith.mulf %parallel_loop3A_587, %parallel_loop3A_653 : vector<16xf32>
      %parallel_loop3A_655 = arith.addf %parallel_loop3A_555, %parallel_loop3A_654 : vector<16xf32>
      %parallel_loop3A_656 = arith.mulf %parallel_loop3A_593, %parallel_loop3A_653 : vector<16xf32>
      %parallel_loop3A_657 = arith.addf %parallel_loop3A_557, %parallel_loop3A_656 : vector<16xf32>
      %parallel_loop3A_658 = arith.constant 68 : i32
      %parallel_loop3A_659 = arith.index_cast %parallel_loop3A_658 : i32 to index
      %parallel_loop3A_660 = arith.constant 0 : index
      %parallel_loop3A_661 = tpu.vector_load %arg8[%parallel_loop3A_659, %parallel_loop3A_660] {strides = array<i32>} : memref<144x16xf32, #tpu.memory_space<vmem>>, vector<16xf32>,
      %parallel_loop3A_662 = arith.mulf %parallel_loop3A_587, %parallel_loop3A_661 : vector<16xf32>
      %parallel_loop3A_663 = arith.addf %parallel_loop3A_563, %parallel_loop3A_662 : vector<16xf32>
      %parallel_loop3A_664 = arith.mulf %parallel_loop3A_593, %parallel_loop3A_661 : vector<16xf32>
      %parallel_loop3A_665 = arith.addf %parallel_loop3A_565, %parallel_loop3A_664 : vector<16xf32>
      %parallel_loop3A_666 = arith.constant 69 : i32
      %parallel_loop3A_667 = arith.index_cast %parallel_loop3A_666 : i32 to index
      %parallel_loop3A_668 = arith.constant 0 : index
      %parallel_loop3A_669 = tpu.vector_load %arg8[%parallel_loop3A_667, %parallel_loop3A_668] {strides = array<i32>} : memref<144x16xf32, #tpu.memory_space<vmem>>, vector<16xf32>,
      %parallel_loop3A_670 = arith.mulf %parallel_loop3A_587, %parallel_loop3A_669 : vector<16xf32>
      %parallel_loop3A_671 = arith.addf %parallel_loop3A_571, %parallel_loop3A_670 : vector<16xf32>
      %parallel_loop3A_672 = arith.mulf %parallel_loop3A_593, %parallel_loop3A_669 : vector<16xf32>
      %parallel_loop3A_673 = arith.addf %parallel_loop3A_573, %parallel_loop3A_672 : vector<16xf32>
      %parallel_loop3A_674 = arith.constant 6 : i32
      %parallel_loop3A_675 = arith.index_cast %parallel_loop3A_674 : i32 to index
      %parallel_loop3A_676 = arith.constant 0 : index
      %parallel_loop3A_677 = tpu.vector_load %arg8[%parallel_loop3A_675, %parallel_loop3A_676] {strides = array<i32>} : memref<144x16xf32, #tpu.memory_space<vmem>>, vector<16xf32>,
      %parallel_loop3A_678 = arith.constant 137 : i32
      %parallel_loop3A_679 = arith.index_cast %parallel_loop3A_678 : i32 to index
      %parallel_loop3A_680 = arith.constant 0 : index
      %parallel_loop3A_681 = tpu.vector_load %arg8[%parallel_loop3A_679, %parallel_loop3A_680] {strides = array<i32>} : memref<144x16xf32, #tpu.memory_space<vmem>>, vector<16xf32>,
      %parallel_loop3A_682 = arith.mulf %parallel_loop3A_89, %parallel_loop3A_677 : vector<16xf32>
      %parallel_loop3A_683 = arith.addf %parallel_loop3A_682, %parallel_loop3A_46 : vector<16xf32>
      %parallel_loop3A_684 = arith.addf %parallel_loop3A_683, %parallel_loop3A_681 : vector<16xf32>
      %parallel_loop3A_685 = arith.constant 0.000000e+00 : f32
      %parallel_loop3A_686 = vector.broadcast %parallel_loop3A_685 : f32 to vector<16xf32>
      %parallel_loop3A_687 = arith.maximumf %parallel_loop3A_684, %parallel_loop3A_686 : vector<16xf32>
      %parallel_loop3A_688 = arith.mulf %parallel_loop3A_93, %parallel_loop3A_677 : vector<16xf32>
      %parallel_loop3A_689 = arith.addf %parallel_loop3A_688, %parallel_loop3A_76 : vector<16xf32>
      %parallel_loop3A_690 = arith.addf %parallel_loop3A_689, %parallel_loop3A_681 : vector<16xf32>
      %parallel_loop3A_691 = arith.constant 0.000000e+00 : f32
      %parallel_loop3A_692 = vector.broadcast %parallel_loop3A_691 : f32 to vector<16xf32>
      %parallel_loop3A_693 = arith.maximumf %parallel_loop3A_690, %parallel_loop3A_692 : vector<16xf32>
      %parallel_loop3A_694 = arith.constant 70 : i32
      %parallel_loop3A_695 = arith.index_cast %parallel_loop3A_694 : i32 to index
      %parallel_loop3A_696 = arith.constant 0 : index
      %parallel_loop3A_697 = tpu.vector_load %arg8[%parallel_loop3A_695, %parallel_loop3A_696] {strides = array<i32>} : memref<144x16xf32, #tpu.memory_space<vmem>>, vector<16xf32>,
      %parallel_loop3A_698 = arith.mulf %parallel_loop3A_687, %parallel_loop3A_697 : vector<16xf32>
      %parallel_loop3A_699 = arith.addf %parallel_loop3A_599, %parallel_loop3A_698 : vector<16xf32>
      %parallel_loop3A_700 = arith.mulf %parallel_loop3A_693, %parallel_loop3A_697 : vector<16xf32>
      %parallel_loop3A_701 = arith.addf %parallel_loop3A_601, %parallel_loop3A_700 : vector<16xf32>
      %parallel_loop3A_702 = arith.constant 71 : i32
      %parallel_loop3A_703 = arith.index_cast %parallel_loop3A_702 : i32 to index
      %parallel_loop3A_704 = arith.constant 0 : index
      %parallel_loop3A_705 = tpu.vector_load %arg8[%parallel_loop3A_703, %parallel_loop3A_704] {strides = array<i32>} : memref<144x16xf32, #tpu.memory_space<vmem>>, vector<16xf32>,
      %parallel_loop3A_706 = arith.mulf %parallel_loop3A_687, %parallel_loop3A_705 : vector<16xf32>
      %parallel_loop3A_707 = arith.addf %parallel_loop3A_607, %parallel_loop3A_706 : vector<16xf32>
      %parallel_loop3A_708 = arith.mulf %parallel_loop3A_693, %parallel_loop3A_705 : vector<16xf32>
      %parallel_loop3A_709 = arith.addf %parallel_loop3A_609, %parallel_loop3A_708 : vector<16xf32>
      %parallel_loop3A_710 = arith.constant 72 : i32
      %parallel_loop3A_711 = arith.index_cast %parallel_loop3A_710 : i32 to index
      %parallel_loop3A_712 = arith.constant 0 : index
      %parallel_loop3A_713 = tpu.vector_load %arg8[%parallel_loop3A_711, %parallel_loop3A_712] {strides = array<i32>} : memref<144x16xf32, #tpu.memory_space<vmem>>, vector<16xf32>,
      %parallel_loop3A_714 = arith.mulf %parallel_loop3A_687, %parallel_loop3A_713 : vector<16xf32>
      %parallel_loop3A_715 = arith.addf %parallel_loop3A_615, %parallel_loop3A_714 : vector<16xf32>
      %parallel_loop3A_716 = arith.mulf %parallel_loop3A_693, %parallel_loop3A_713 : vector<16xf32>
      %parallel_loop3A_717 = arith.addf %parallel_loop3A_617, %parallel_loop3A_716 : vector<16xf32>
      %parallel_loop3A_718 = arith.constant 73 : i32
      %parallel_loop3A_719 = arith.index_cast %parallel_loop3A_718 : i32 to index
      %parallel_loop3A_720 = arith.constant 0 : index
      %parallel_loop3A_721 = tpu.vector_load %arg8[%parallel_loop3A_719, %parallel_loop3A_720] {strides = array<i32>} : memref<144x16xf32, #tpu.memory_space<vmem>>, vector<16xf32>,
      %parallel_loop3A_722 = arith.mulf %parallel_loop3A_687, %parallel_loop3A_721 : vector<16xf32>
      %parallel_loop3A_723 = arith.addf %parallel_loop3A_623, %parallel_loop3A_722 : vector<16xf32>
      %parallel_loop3A_724 = arith.mulf %parallel_loop3A_693, %parallel_loop3A_721 : vector<16xf32>
      %parallel_loop3A_725 = arith.addf %parallel_loop3A_625, %parallel_loop3A_724 : vector<16xf32>
      %parallel_loop3A_726 = arith.constant 74 : i32
      %parallel_loop3A_727 = arith.index_cast %parallel_loop3A_726 : i32 to index
      %parallel_loop3A_728 = arith.constant 0 : index
      %parallel_loop3A_729 = tpu.vector_load %arg8[%parallel_loop3A_727, %parallel_loop3A_728] {strides = array<i32>} : memref<144x16xf32, #tpu.memory_space<vmem>>, vector<16xf32>,
      %parallel_loop3A_730 = arith.mulf %parallel_loop3A_687, %parallel_loop3A_729 : vector<16xf32>
      %parallel_loop3A_731 = arith.addf %parallel_loop3A_631, %parallel_loop3A_730 : vector<16xf32>
      %parallel_loop3A_732 = arith.mulf %parallel_loop3A_693, %parallel_loop3A_729 : vector<16xf32>
      %parallel_loop3A_733 = arith.addf %parallel_loop3A_633, %parallel_loop3A_732 : vector<16xf32>
      %parallel_loop3A_734 = arith.constant 75 : i32
      %parallel_loop3A_735 = arith.index_cast %parallel_loop3A_734 : i32 to index
      %parallel_loop3A_736 = arith.constant 0 : index
      %parallel_loop3A_737 = tpu.vector_load %arg8[%parallel_loop3A_735, %parallel_loop3A_736] {strides = array<i32>} : memref<144x16xf32, #tpu.memory_space<vmem>>, vector<16xf32>,
      %parallel_loop3A_738 = arith.mulf %parallel_loop3A_687, %parallel_loop3A_737 : vector<16xf32>
      %parallel_loop3A_739 = arith.addf %parallel_loop3A_639, %parallel_loop3A_738 : vector<16xf32>
      %parallel_loop3A_740 = arith.mulf %parallel_loop3A_693, %parallel_loop3A_737 : vector<16xf32>
      %parallel_loop3A_741 = arith.addf %parallel_loop3A_641, %parallel_loop3A_740 : vector<16xf32>
      %parallel_loop3A_742 = arith.constant 76 : i32
      %parallel_loop3A_743 = arith.index_cast %parallel_loop3A_742 : i32 to index
      %parallel_loop3A_744 = arith.constant 0 : index
      %parallel_loop3A_745 = tpu.vector_load %arg8[%parallel_loop3A_743, %parallel_loop3A_744] {strides = array<i32>} : memref<144x16xf32, #tpu.memory_space<vmem>>, vector<16xf32>,
      %parallel_loop3A_746 = arith.mulf %parallel_loop3A_687, %parallel_loop3A_745 : vector<16xf32>
      %parallel_loop3A_747 = arith.addf %parallel_loop3A_647, %parallel_loop3A_746 : vector<16xf32>
      %parallel_loop3A_748 = arith.mulf %parallel_loop3A_693, %parallel_loop3A_745 : vector<16xf32>
      %parallel_loop3A_749 = arith.addf %parallel_loop3A_649, %parallel_loop3A_748 : vector<16xf32>
      %parallel_loop3A_750 = arith.constant 77 : i32
      %parallel_loop3A_751 = arith.index_cast %parallel_loop3A_750 : i32 to index
      %parallel_loop3A_752 = arith.constant 0 : index
      %parallel_loop3A_753 = tpu.vector_load %arg8[%parallel_loop3A_751, %parallel_loop3A_752] {strides = array<i32>} : memref<144x16xf32, #tpu.memory_space<vmem>>, vector<16xf32>,
      %parallel_loop3A_754 = arith.mulf %parallel_loop3A_687, %parallel_loop3A_753 : vector<16xf32>
      %parallel_loop3A_755 = arith.addf %parallel_loop3A_655, %parallel_loop3A_754 : vector<16xf32>
      %parallel_loop3A_756 = arith.mulf %parallel_loop3A_693, %parallel_loop3A_753 : vector<16xf32>
      %parallel_loop3A_757 = arith.addf %parallel_loop3A_657, %parallel_loop3A_756 : vector<16xf32>
      %parallel_loop3A_758 = arith.constant 78 : i32
      %parallel_loop3A_759 = arith.index_cast %parallel_loop3A_758 : i32 to index
      %parallel_loop3A_760 = arith.constant 0 : index
      %parallel_loop3A_761 = tpu.vector_load %arg8[%parallel_loop3A_759, %parallel_loop3A_760] {strides = array<i32>} : memref<144x16xf32, #tpu.memory_space<vmem>>, vector<16xf32>,
      %parallel_loop3A_762 = arith.mulf %parallel_loop3A_687, %parallel_loop3A_761 : vector<16xf32>
      %parallel_loop3A_763 = arith.addf %parallel_loop3A_663, %parallel_loop3A_762 : vector<16xf32>
      %parallel_loop3A_764 = arith.mulf %parallel_loop3A_693, %parallel_loop3A_761 : vector<16xf32>
      %parallel_loop3A_765 = arith.addf %parallel_loop3A_665, %parallel_loop3A_764 : vector<16xf32>
      %parallel_loop3A_766 = arith.constant 79 : i32
      %parallel_loop3A_767 = arith.index_cast %parallel_loop3A_766 : i32 to index
      %parallel_loop3A_768 = arith.constant 0 : index
      %parallel_loop3A_769 = tpu.vector_load %arg8[%parallel_loop3A_767, %parallel_loop3A_768] {strides = array<i32>} : memref<144x16xf32, #tpu.memory_space<vmem>>, vector<16xf32>,
      %parallel_loop3A_770 = arith.mulf %parallel_loop3A_687, %parallel_loop3A_769 : vector<16xf32>
      %parallel_loop3A_771 = arith.addf %parallel_loop3A_671, %parallel_loop3A_770 : vector<16xf32>
      %parallel_loop3A_772 = arith.mulf %parallel_loop3A_693, %parallel_loop3A_769 : vector<16xf32>
      %parallel_loop3A_773 = arith.addf %parallel_loop3A_673, %parallel_loop3A_772 : vector<16xf32>
      %parallel_loop3A_774 = arith.constant 7 : i32
      %parallel_loop3A_775 = arith.index_cast %parallel_loop3A_774 : i32 to index
      %parallel_loop3A_776 = arith.constant 0 : index
      %parallel_loop3A_777 = tpu.vector_load %arg8[%parallel_loop3A_775, %parallel_loop3A_776] {strides = array<i32>} : memref<144x16xf32, #tpu.memory_space<vmem>>, vector<16xf32>,
      %parallel_loop3A_778 = arith.constant 138 : i32
      %parallel_loop3A_779 = arith.index_cast %parallel_loop3A_778 : i32 to index
      %parallel_loop3A_780 = arith.constant 0 : index
      %parallel_loop3A_781 = tpu.vector_load %arg8[%parallel_loop3A_779, %parallel_loop3A_780] {strides = array<i32>} : memref<144x16xf32, #tpu.memory_space<vmem>>, vector<16xf32>,
      %parallel_loop3A_782 = arith.mulf %parallel_loop3A_89, %parallel_loop3A_777 : vector<16xf32>
      %parallel_loop3A_783 = arith.addf %parallel_loop3A_782, %parallel_loop3A_49 : vector<16xf32>
      %parallel_loop3A_784 = arith.addf %parallel_loop3A_783, %parallel_loop3A_781 : vector<16xf32>
      %parallel_loop3A_785 = arith.constant 0.000000e+00 : f32
      %parallel_loop3A_786 = vector.broadcast %parallel_loop3A_785 : f32 to vector<16xf32>
      %parallel_loop3A_787 = arith.maximumf %parallel_loop3A_784, %parallel_loop3A_786 : vector<16xf32>
      %parallel_loop3A_788 = arith.mulf %parallel_loop3A_93, %parallel_loop3A_777 : vector<16xf32>
      %parallel_loop3A_789 = arith.addf %parallel_loop3A_788, %parallel_loop3A_79 : vector<16xf32>
      %parallel_loop3A_790 = arith.addf %parallel_loop3A_789, %parallel_loop3A_781 : vector<16xf32>
      %parallel_loop3A_791 = arith.constant 0.000000e+00 : f32
      %parallel_loop3A_792 = vector.broadcast %parallel_loop3A_791 : f32 to vector<16xf32>
      %parallel_loop3A_793 = arith.maximumf %parallel_loop3A_790, %parallel_loop3A_792 : vector<16xf32>
      %parallel_loop3A_794 = arith.constant 80 : i32
      %parallel_loop3A_795 = arith.index_cast %parallel_loop3A_794 : i32 to index
      %parallel_loop3A_796 = arith.constant 0 : index
      %parallel_loop3A_797 = tpu.vector_load %arg8[%parallel_loop3A_795, %parallel_loop3A_796] {strides = array<i32>} : memref<144x16xf32, #tpu.memory_space<vmem>>, vector<16xf32>,
      %parallel_loop3A_798 = arith.mulf %parallel_loop3A_787, %parallel_loop3A_797 : vector<16xf32>
      %parallel_loop3A_799 = arith.addf %parallel_loop3A_699, %parallel_loop3A_798 : vector<16xf32>
      %parallel_loop3A_800 = arith.mulf %parallel_loop3A_793, %parallel_loop3A_797 : vector<16xf32>
      %parallel_loop3A_801 = arith.addf %parallel_loop3A_701, %parallel_loop3A_800 : vector<16xf32>
      %parallel_loop3A_802 = arith.constant 81 : i32
      %parallel_loop3A_803 = arith.index_cast %parallel_loop3A_802 : i32 to index
      %parallel_loop3A_804 = arith.constant 0 : index
      %parallel_loop3A_805 = tpu.vector_load %arg8[%parallel_loop3A_803, %parallel_loop3A_804] {strides = array<i32>} : memref<144x16xf32, #tpu.memory_space<vmem>>, vector<16xf32>,
      %parallel_loop3A_806 = arith.mulf %parallel_loop3A_787, %parallel_loop3A_805 : vector<16xf32>
      %parallel_loop3A_807 = arith.addf %parallel_loop3A_707, %parallel_loop3A_806 : vector<16xf32>
      %parallel_loop3A_808 = arith.mulf %parallel_loop3A_793, %parallel_loop3A_805 : vector<16xf32>
      %parallel_loop3A_809 = arith.addf %parallel_loop3A_709, %parallel_loop3A_808 : vector<16xf32>
      %parallel_loop3A_810 = arith.constant 82 : i32
      %parallel_loop3A_811 = arith.index_cast %parallel_loop3A_810 : i32 to index
      %parallel_loop3A_812 = arith.constant 0 : index
      %parallel_loop3A_813 = tpu.vector_load %arg8[%parallel_loop3A_811, %parallel_loop3A_812] {strides = array<i32>} : memref<144x16xf32, #tpu.memory_space<vmem>>, vector<16xf32>,
      %parallel_loop3A_814 = arith.mulf %parallel_loop3A_787, %parallel_loop3A_813 : vector<16xf32>
      %parallel_loop3A_815 = arith.addf %parallel_loop3A_715, %parallel_loop3A_814 : vector<16xf32>
      %parallel_loop3A_816 = arith.mulf %parallel_loop3A_793, %parallel_loop3A_813 : vector<16xf32>
      %parallel_loop3A_817 = arith.addf %parallel_loop3A_717, %parallel_loop3A_816 : vector<16xf32>
      %parallel_loop3A_818 = arith.constant 83 : i32
      %parallel_loop3A_819 = arith.index_cast %parallel_loop3A_818 : i32 to index
      %parallel_loop3A_820 = arith.constant 0 : index
      %parallel_loop3A_821 = tpu.vector_load %arg8[%parallel_loop3A_819, %parallel_loop3A_820] {strides = array<i32>} : memref<144x16xf32, #tpu.memory_space<vmem>>, vector<16xf32>,
      %parallel_loop3A_822 = arith.mulf %parallel_loop3A_787, %parallel_loop3A_821 : vector<16xf32>
      %parallel_loop3A_823 = arith.addf %parallel_loop3A_723, %parallel_loop3A_822 : vector<16xf32>
      %parallel_loop3A_824 = arith.mulf %parallel_loop3A_793, %parallel_loop3A_821 : vector<16xf32>
      %parallel_loop3A_825 = arith.addf %parallel_loop3A_725, %parallel_loop3A_824 : vector<16xf32>
      %parallel_loop3A_826 = arith.constant 84 : i32
      %parallel_loop3A_827 = arith.index_cast %parallel_loop3A_826 : i32 to index
      %parallel_loop3A_828 = arith.constant 0 : index
      %parallel_loop3A_829 = tpu.vector_load %arg8[%parallel_loop3A_827, %parallel_loop3A_828] {strides = array<i32>} : memref<144x16xf32, #tpu.memory_space<vmem>>, vector<16xf32>,
      %parallel_loop3A_830 = arith.mulf %parallel_loop3A_787, %parallel_loop3A_829 : vector<16xf32>
      %parallel_loop3A_831 = arith.addf %parallel_loop3A_731, %parallel_loop3A_830 : vector<16xf32>
      %parallel_loop3A_832 = arith.mulf %parallel_loop3A_793, %parallel_loop3A_829 : vector<16xf32>
      %parallel_loop3A_833 = arith.addf %parallel_loop3A_733, %parallel_loop3A_832 : vector<16xf32>
      %parallel_loop3A_834 = arith.constant 85 : i32
      %parallel_loop3A_835 = arith.index_cast %parallel_loop3A_834 : i32 to index
      %parallel_loop3A_836 = arith.constant 0 : index
      %parallel_loop3A_837 = tpu.vector_load %arg8[%parallel_loop3A_835, %parallel_loop3A_836] {strides = array<i32>} : memref<144x16xf32, #tpu.memory_space<vmem>>, vector<16xf32>,
      %parallel_loop3A_838 = arith.mulf %parallel_loop3A_787, %parallel_loop3A_837 : vector<16xf32>
      %parallel_loop3A_839 = arith.addf %parallel_loop3A_739, %parallel_loop3A_838 : vector<16xf32>
      %parallel_loop3A_840 = arith.mulf %parallel_loop3A_793, %parallel_loop3A_837 : vector<16xf32>
      %parallel_loop3A_841 = arith.addf %parallel_loop3A_741, %parallel_loop3A_840 : vector<16xf32>
      %parallel_loop3A_842 = arith.constant 86 : i32
      %parallel_loop3A_843 = arith.index_cast %parallel_loop3A_842 : i32 to index
      %parallel_loop3A_844 = arith.constant 0 : index
      %parallel_loop3A_845 = tpu.vector_load %arg8[%parallel_loop3A_843, %parallel_loop3A_844] {strides = array<i32>} : memref<144x16xf32, #tpu.memory_space<vmem>>, vector<16xf32>,
      %parallel_loop3A_846 = arith.mulf %parallel_loop3A_787, %parallel_loop3A_845 : vector<16xf32>
      %parallel_loop3A_847 = arith.addf %parallel_loop3A_747, %parallel_loop3A_846 : vector<16xf32>
      %parallel_loop3A_848 = arith.mulf %parallel_loop3A_793, %parallel_loop3A_845 : vector<16xf32>
      %parallel_loop3A_849 = arith.addf %parallel_loop3A_749, %parallel_loop3A_848 : vector<16xf32>
      %parallel_loop3A_850 = arith.constant 87 : i32
      %parallel_loop3A_851 = arith.index_cast %parallel_loop3A_850 : i32 to index
      %parallel_loop3A_852 = arith.constant 0 : index
      %parallel_loop3A_853 = tpu.vector_load %arg8[%parallel_loop3A_851, %parallel_loop3A_852] {strides = array<i32>} : memref<144x16xf32, #tpu.memory_space<vmem>>, vector<16xf32>,
      %parallel_loop3A_854 = arith.mulf %parallel_loop3A_787, %parallel_loop3A_853 : vector<16xf32>
      %parallel_loop3A_855 = arith.addf %parallel_loop3A_755, %parallel_loop3A_854 : vector<16xf32>
      %parallel_loop3A_856 = arith.mulf %parallel_loop3A_793, %parallel_loop3A_853 : vector<16xf32>
      %parallel_loop3A_857 = arith.addf %parallel_loop3A_757, %parallel_loop3A_856 : vector<16xf32>
      %parallel_loop3A_858 = arith.constant 88 : i32
      %parallel_loop3A_859 = arith.index_cast %parallel_loop3A_858 : i32 to index
      %parallel_loop3A_860 = arith.constant 0 : index
      %parallel_loop3A_861 = tpu.vector_load %arg8[%parallel_loop3A_859, %parallel_loop3A_860] {strides = array<i32>} : memref<144x16xf32, #tpu.memory_space<vmem>>, vector<16xf32>,
      %parallel_loop3A_862 = arith.mulf %parallel_loop3A_787, %parallel_loop3A_861 : vector<16xf32>
      %parallel_loop3A_863 = arith.addf %parallel_loop3A_763, %parallel_loop3A_862 : vector<16xf32>
      %parallel_loop3A_864 = arith.mulf %parallel_loop3A_793, %parallel_loop3A_861 : vector<16xf32>
      %parallel_loop3A_865 = arith.addf %parallel_loop3A_765, %parallel_loop3A_864 : vector<16xf32>
      %parallel_loop3A_866 = arith.constant 89 : i32
      %parallel_loop3A_867 = arith.index_cast %parallel_loop3A_866 : i32 to index
      %parallel_loop3A_868 = arith.constant 0 : index
      %parallel_loop3A_869 = tpu.vector_load %arg8[%parallel_loop3A_867, %parallel_loop3A_868] {strides = array<i32>} : memref<144x16xf32, #tpu.memory_space<vmem>>, vector<16xf32>,
      %parallel_loop3A_870 = arith.mulf %parallel_loop3A_787, %parallel_loop3A_869 : vector<16xf32>
      %parallel_loop3A_871 = arith.addf %parallel_loop3A_771, %parallel_loop3A_870 : vector<16xf32>
      %parallel_loop3A_872 = arith.mulf %parallel_loop3A_793, %parallel_loop3A_869 : vector<16xf32>
      %parallel_loop3A_873 = arith.addf %parallel_loop3A_773, %parallel_loop3A_872 : vector<16xf32>
      %parallel_loop3A_874 = arith.constant 8 : i32
      %parallel_loop3A_875 = arith.index_cast %parallel_loop3A_874 : i32 to index
      %parallel_loop3A_876 = arith.constant 0 : index
      %parallel_loop3A_877 = tpu.vector_load %arg8[%parallel_loop3A_875, %parallel_loop3A_876] {strides = array<i32>} : memref<144x16xf32, #tpu.memory_space<vmem>>, vector<16xf32>,
      %parallel_loop3A_878 = arith.constant 139 : i32
      %parallel_loop3A_879 = arith.index_cast %parallel_loop3A_878 : i32 to index
      %parallel_loop3A_880 = arith.constant 0 : index
      %parallel_loop3A_881 = tpu.vector_load %arg8[%parallel_loop3A_879, %parallel_loop3A_880] {strides = array<i32>} : memref<144x16xf32, #tpu.memory_space<vmem>>, vector<16xf32>,
      %parallel_loop3A_882 = arith.mulf %parallel_loop3A_89, %parallel_loop3A_877 : vector<16xf32>
      %parallel_loop3A_883 = arith.addf %parallel_loop3A_882, %parallel_loop3A_52 : vector<16xf32>
      %parallel_loop3A_884 = arith.addf %parallel_loop3A_883, %parallel_loop3A_881 : vector<16xf32>
      %parallel_loop3A_885 = arith.constant 0.000000e+00 : f32
      %parallel_loop3A_886 = vector.broadcast %parallel_loop3A_885 : f32 to vector<16xf32>
      %parallel_loop3A_887 = arith.maximumf %parallel_loop3A_884, %parallel_loop3A_886 : vector<16xf32>
      %parallel_loop3A_888 = arith.mulf %parallel_loop3A_93, %parallel_loop3A_877 : vector<16xf32>
      %parallel_loop3A_889 = arith.addf %parallel_loop3A_888, %parallel_loop3A_82 : vector<16xf32>
      %parallel_loop3A_890 = arith.addf %parallel_loop3A_889, %parallel_loop3A_881 : vector<16xf32>
      %parallel_loop3A_891 = arith.constant 0.000000e+00 : f32
      %parallel_loop3A_892 = vector.broadcast %parallel_loop3A_891 : f32 to vector<16xf32>
      %parallel_loop3A_893 = arith.maximumf %parallel_loop3A_890, %parallel_loop3A_892 : vector<16xf32>
      %parallel_loop3A_894 = arith.constant 90 : i32
      %parallel_loop3A_895 = arith.index_cast %parallel_loop3A_894 : i32 to index
      %parallel_loop3A_896 = arith.constant 0 : index
      %parallel_loop3A_897 = tpu.vector_load %arg8[%parallel_loop3A_895, %parallel_loop3A_896] {strides = array<i32>} : memref<144x16xf32, #tpu.memory_space<vmem>>, vector<16xf32>,
      %parallel_loop3A_898 = arith.mulf %parallel_loop3A_887, %parallel_loop3A_897 : vector<16xf32>
      %parallel_loop3A_899 = arith.addf %parallel_loop3A_799, %parallel_loop3A_898 : vector<16xf32>
      %parallel_loop3A_900 = arith.mulf %parallel_loop3A_893, %parallel_loop3A_897 : vector<16xf32>
      %parallel_loop3A_901 = arith.addf %parallel_loop3A_801, %parallel_loop3A_900 : vector<16xf32>
      %parallel_loop3A_902 = arith.constant 91 : i32
      %parallel_loop3A_903 = arith.index_cast %parallel_loop3A_902 : i32 to index
      %parallel_loop3A_904 = arith.constant 0 : index
      %parallel_loop3A_905 = tpu.vector_load %arg8[%parallel_loop3A_903, %parallel_loop3A_904] {strides = array<i32>} : memref<144x16xf32, #tpu.memory_space<vmem>>, vector<16xf32>,
      %parallel_loop3A_906 = arith.mulf %parallel_loop3A_887, %parallel_loop3A_905 : vector<16xf32>
      %parallel_loop3A_907 = arith.addf %parallel_loop3A_807, %parallel_loop3A_906 : vector<16xf32>
      %parallel_loop3A_908 = arith.mulf %parallel_loop3A_893, %parallel_loop3A_905 : vector<16xf32>
      %parallel_loop3A_909 = arith.addf %parallel_loop3A_809, %parallel_loop3A_908 : vector<16xf32>
      %parallel_loop3A_910 = arith.constant 92 : i32
      %parallel_loop3A_911 = arith.index_cast %parallel_loop3A_910 : i32 to index
      %parallel_loop3A_912 = arith.constant 0 : index
      %parallel_loop3A_913 = tpu.vector_load %arg8[%parallel_loop3A_911, %parallel_loop3A_912] {strides = array<i32>} : memref<144x16xf32, #tpu.memory_space<vmem>>, vector<16xf32>,
      %parallel_loop3A_914 = arith.mulf %parallel_loop3A_887, %parallel_loop3A_913 : vector<16xf32>
      %parallel_loop3A_915 = arith.addf %parallel_loop3A_815, %parallel_loop3A_914 : vector<16xf32>
      %parallel_loop3A_916 = arith.mulf %parallel_loop3A_893, %parallel_loop3A_913 : vector<16xf32>
      %parallel_loop3A_917 = arith.addf %parallel_loop3A_817, %parallel_loop3A_916 : vector<16xf32>
      %parallel_loop3A_918 = arith.constant 93 : i32
      %parallel_loop3A_919 = arith.index_cast %parallel_loop3A_918 : i32 to index
      %parallel_loop3A_920 = arith.constant 0 : index
      %parallel_loop3A_921 = tpu.vector_load %arg8[%parallel_loop3A_919, %parallel_loop3A_920] {strides = array<i32>} : memref<144x16xf32, #tpu.memory_space<vmem>>, vector<16xf32>,
      %parallel_loop3A_922 = arith.mulf %parallel_loop3A_887, %parallel_loop3A_921 : vector<16xf32>
      %parallel_loop3A_923 = arith.addf %parallel_loop3A_823, %parallel_loop3A_922 : vector<16xf32>
      %parallel_loop3A_924 = arith.mulf %parallel_loop3A_893, %parallel_loop3A_921 : vector<16xf32>
      %parallel_loop3A_925 = arith.addf %parallel_loop3A_825, %parallel_loop3A_924 : vector<16xf32>
      %parallel_loop3A_926 = arith.constant 94 : i32
      %parallel_loop3A_927 = arith.index_cast %parallel_loop3A_926 : i32 to index
      %parallel_loop3A_928 = arith.constant 0 : index
      %parallel_loop3A_929 = tpu.vector_load %arg8[%parallel_loop3A_927, %parallel_loop3A_928] {strides = array<i32>} : memref<144x16xf32, #tpu.memory_space<vmem>>, vector<16xf32>,
      %parallel_loop3A_930 = arith.mulf %parallel_loop3A_887, %parallel_loop3A_929 : vector<16xf32>
      %parallel_loop3A_931 = arith.addf %parallel_loop3A_831, %parallel_loop3A_930 : vector<16xf32>
      %parallel_loop3A_932 = arith.mulf %parallel_loop3A_893, %parallel_loop3A_929 : vector<16xf32>
      %parallel_loop3A_933 = arith.addf %parallel_loop3A_833, %parallel_loop3A_932 : vector<16xf32>
      %parallel_loop3A_934 = arith.constant 95 : i32
      %parallel_loop3A_935 = arith.index_cast %parallel_loop3A_934 : i32 to index
      %parallel_loop3A_936 = arith.constant 0 : index
      %parallel_loop3A_937 = tpu.vector_load %arg8[%parallel_loop3A_935, %parallel_loop3A_936] {strides = array<i32>} : memref<144x16xf32, #tpu.memory_space<vmem>>, vector<16xf32>,
      %parallel_loop3A_938 = arith.mulf %parallel_loop3A_887, %parallel_loop3A_937 : vector<16xf32>
      %parallel_loop3A_939 = arith.addf %parallel_loop3A_839, %parallel_loop3A_938 : vector<16xf32>
      %parallel_loop3A_940 = arith.mulf %parallel_loop3A_893, %parallel_loop3A_937 : vector<16xf32>
      %parallel_loop3A_941 = arith.addf %parallel_loop3A_841, %parallel_loop3A_940 : vector<16xf32>
      %parallel_loop3A_942 = arith.constant 96 : i32
      %parallel_loop3A_943 = arith.index_cast %parallel_loop3A_942 : i32 to index
      %parallel_loop3A_944 = arith.constant 0 : index
      %parallel_loop3A_945 = tpu.vector_load %arg8[%parallel_loop3A_943, %parallel_loop3A_944] {strides = array<i32>} : memref<144x16xf32, #tpu.memory_space<vmem>>, vector<16xf32>,
      %parallel_loop3A_946 = arith.mulf %parallel_loop3A_887, %parallel_loop3A_945 : vector<16xf32>
      %parallel_loop3A_947 = arith.addf %parallel_loop3A_847, %parallel_loop3A_946 : vector<16xf32>
      %parallel_loop3A_948 = arith.mulf %parallel_loop3A_893, %parallel_loop3A_945 : vector<16xf32>
      %parallel_loop3A_949 = arith.addf %parallel_loop3A_849, %parallel_loop3A_948 : vector<16xf32>
      %parallel_loop3A_950 = arith.constant 97 : i32
      %parallel_loop3A_951 = arith.index_cast %parallel_loop3A_950 : i32 to index
      %parallel_loop3A_952 = arith.constant 0 : index
      %parallel_loop3A_953 = tpu.vector_load %arg8[%parallel_loop3A_951, %parallel_loop3A_952] {strides = array<i32>} : memref<144x16xf32, #tpu.memory_space<vmem>>, vector<16xf32>,
      %parallel_loop3A_954 = arith.mulf %parallel_loop3A_887, %parallel_loop3A_953 : vector<16xf32>
      %parallel_loop3A_955 = arith.addf %parallel_loop3A_855, %parallel_loop3A_954 : vector<16xf32>
      %parallel_loop3A_956 = arith.mulf %parallel_loop3A_893, %parallel_loop3A_953 : vector<16xf32>
      %parallel_loop3A_957 = arith.addf %parallel_loop3A_857, %parallel_loop3A_956 : vector<16xf32>
      %parallel_loop3A_958 = arith.constant 98 : i32
      %parallel_loop3A_959 = arith.index_cast %parallel_loop3A_958 : i32 to index
      %parallel_loop3A_960 = arith.constant 0 : index
      %parallel_loop3A_961 = tpu.vector_load %arg8[%parallel_loop3A_959, %parallel_loop3A_960] {strides = array<i32>} : memref<144x16xf32, #tpu.memory_space<vmem>>, vector<16xf32>,
      %parallel_loop3A_962 = arith.mulf %parallel_loop3A_887, %parallel_loop3A_961 : vector<16xf32>
      %parallel_loop3A_963 = arith.addf %parallel_loop3A_863, %parallel_loop3A_962 : vector<16xf32>
      %parallel_loop3A_964 = arith.mulf %parallel_loop3A_893, %parallel_loop3A_961 : vector<16xf32>
      %parallel_loop3A_965 = arith.addf %parallel_loop3A_865, %parallel_loop3A_964 : vector<16xf32>
      %parallel_loop3A_966 = arith.constant 99 : i32
      %parallel_loop3A_967 = arith.index_cast %parallel_loop3A_966 : i32 to index
      %parallel_loop3A_968 = arith.constant 0 : index
      %parallel_loop3A_969 = tpu.vector_load %arg8[%parallel_loop3A_967, %parallel_loop3A_968] {strides = array<i32>} : memref<144x16xf32, #tpu.memory_space<vmem>>, vector<16xf32>,
      %parallel_loop3A_970 = arith.mulf %parallel_loop3A_887, %parallel_loop3A_969 : vector<16xf32>
      %parallel_loop3A_971 = arith.addf %parallel_loop3A_871, %parallel_loop3A_970 : vector<16xf32>
      %parallel_loop3A_972 = arith.mulf %parallel_loop3A_893, %parallel_loop3A_969 : vector<16xf32>
      %parallel_loop3A_973 = arith.addf %parallel_loop3A_873, %parallel_loop3A_972 : vector<16xf32>
      %parallel_loop3A_974 = arith.constant 9 : i32
      %parallel_loop3A_975 = arith.index_cast %parallel_loop3A_974 : i32 to index
      %parallel_loop3A_976 = arith.constant 0 : index
      %parallel_loop3A_977 = tpu.vector_load %arg8[%parallel_loop3A_975, %parallel_loop3A_976] {strides = array<i32>} : memref<144x16xf32, #tpu.memory_space<vmem>>, vector<16xf32>,
      %parallel_loop3A_978 = arith.constant 140 : i32
      %parallel_loop3A_979 = arith.index_cast %parallel_loop3A_978 : i32 to index
      %parallel_loop3A_980 = arith.constant 0 : index
      %parallel_loop3A_981 = tpu.vector_load %arg8[%parallel_loop3A_979, %parallel_loop3A_980] {strides = array<i32>} : memref<144x16xf32, #tpu.memory_space<vmem>>, vector<16xf32>,
      %parallel_loop3A_982 = arith.mulf %parallel_loop3A_89, %parallel_loop3A_977 : vector<16xf32>
      %parallel_loop3A_983 = arith.addf %parallel_loop3A_982, %parallel_loop3A_55 : vector<16xf32>
      %parallel_loop3A_984 = arith.addf %parallel_loop3A_983, %parallel_loop3A_981 : vector<16xf32>
      %parallel_loop3A_985 = arith.constant 0.000000e+00 : f32
      %parallel_loop3A_986 = vector.broadcast %parallel_loop3A_985 : f32 to vector<16xf32>
      %parallel_loop3A_987 = arith.maximumf %parallel_loop3A_984, %parallel_loop3A_986 : vector<16xf32>
      %parallel_loop3A_988 = arith.mulf %parallel_loop3A_93, %parallel_loop3A_977 : vector<16xf32>
      %parallel_loop3A_989 = arith.addf %parallel_loop3A_988, %parallel_loop3A_85 : vector<16xf32>
      %parallel_loop3A_990 = arith.addf %parallel_loop3A_989, %parallel_loop3A_981 : vector<16xf32>
      %parallel_loop3A_991 = arith.constant 0.000000e+00 : f32
      %parallel_loop3A_992 = vector.broadcast %parallel_loop3A_991 : f32 to vector<16xf32>
      %parallel_loop3A_993 = arith.maximumf %parallel_loop3A_990, %parallel_loop3A_992 : vector<16xf32>
      %parallel_loop3A_994 = arith.constant 100 : i32
      %parallel_loop3A_995 = arith.index_cast %parallel_loop3A_994 : i32 to index
      %parallel_loop3A_996 = arith.constant 0 : index
      %parallel_loop3A_997 = tpu.vector_load %arg8[%parallel_loop3A_995, %parallel_loop3A_996] {strides = array<i32>} : memref<144x16xf32, #tpu.memory_space<vmem>>, vector<16xf32>,
      %parallel_loop3A_998 = arith.mulf %parallel_loop3A_987, %parallel_loop3A_997 : vector<16xf32>
      %parallel_loop3A_999 = arith.addf %parallel_loop3A_899, %parallel_loop3A_998 : vector<16xf32>
      %parallel_loop3A_1000 = arith.mulf %parallel_loop3A_993, %parallel_loop3A_997 : vector<16xf32>
      %parallel_loop3A_1001 = arith.addf %parallel_loop3A_901, %parallel_loop3A_1000 : vector<16xf32>
      %parallel_loop3A_1002 = arith.constant 101 : i32
      %parallel_loop3A_1003 = arith.index_cast %parallel_loop3A_1002 : i32 to index
      %parallel_loop3A_1004 = arith.constant 0 : index
      %parallel_loop3A_1005 = tpu.vector_load %arg8[%parallel_loop3A_1003, %parallel_loop3A_1004] {strides = array<i32>} : memref<144x16xf32, #tpu.memory_space<vmem>>, vector<16xf32>,
      %parallel_loop3A_1006 = arith.mulf %parallel_loop3A_987, %parallel_loop3A_1005 : vector<16xf32>
      %parallel_loop3A_1007 = arith.addf %parallel_loop3A_907, %parallel_loop3A_1006 : vector<16xf32>
      %parallel_loop3A_1008 = arith.mulf %parallel_loop3A_993, %parallel_loop3A_1005 : vector<16xf32>
      %parallel_loop3A_1009 = arith.addf %parallel_loop3A_909, %parallel_loop3A_1008 : vector<16xf32>
      %parallel_loop3A_1010 = arith.constant 102 : i32
      %parallel_loop3A_1011 = arith.index_cast %parallel_loop3A_1010 : i32 to index
      %parallel_loop3A_1012 = arith.constant 0 : index
      %parallel_loop3A_1013 = tpu.vector_load %arg8[%parallel_loop3A_1011, %parallel_loop3A_1012] {strides = array<i32>} : memref<144x16xf32, #tpu.memory_space<vmem>>, vector<16xf32>,
      %parallel_loop3A_1014 = arith.mulf %parallel_loop3A_987, %parallel_loop3A_1013 : vector<16xf32>
      %parallel_loop3A_1015 = arith.addf %parallel_loop3A_915, %parallel_loop3A_1014 : vector<16xf32>
      %parallel_loop3A_1016 = arith.mulf %parallel_loop3A_993, %parallel_loop3A_1013 : vector<16xf32>
      %parallel_loop3A_1017 = arith.addf %parallel_loop3A_917, %parallel_loop3A_1016 : vector<16xf32>
      %parallel_loop3A_1018 = arith.constant 103 : i32
      %parallel_loop3A_1019 = arith.index_cast %parallel_loop3A_1018 : i32 to index
      %parallel_loop3A_1020 = arith.constant 0 : index
      %parallel_loop3A_1021 = tpu.vector_load %arg8[%parallel_loop3A_1019, %parallel_loop3A_1020] {strides = array<i32>} : memref<144x16xf32, #tpu.memory_space<vmem>>, vector<16xf32>,
      %parallel_loop3A_1022 = arith.mulf %parallel_loop3A_987, %parallel_loop3A_1021 : vector<16xf32>
      %parallel_loop3A_1023 = arith.addf %parallel_loop3A_923, %parallel_loop3A_1022 : vector<16xf32>
      %parallel_loop3A_1024 = arith.mulf %parallel_loop3A_993, %parallel_loop3A_1021 : vector<16xf32>
      %parallel_loop3A_1025 = arith.addf %parallel_loop3A_925, %parallel_loop3A_1024 : vector<16xf32>
      %parallel_loop3A_1026 = arith.constant 104 : i32
      %parallel_loop3A_1027 = arith.index_cast %parallel_loop3A_1026 : i32 to index
      %parallel_loop3A_1028 = arith.constant 0 : index
      %parallel_loop3A_1029 = tpu.vector_load %arg8[%parallel_loop3A_1027, %parallel_loop3A_1028] {strides = array<i32>} : memref<144x16xf32, #tpu.memory_space<vmem>>, vector<16xf32>,
      %parallel_loop3A_1030 = arith.mulf %parallel_loop3A_987, %parallel_loop3A_1029 : vector<16xf32>
      %parallel_loop3A_1031 = arith.addf %parallel_loop3A_931, %parallel_loop3A_1030 : vector<16xf32>
      %parallel_loop3A_1032 = arith.mulf %parallel_loop3A_993, %parallel_loop3A_1029 : vector<16xf32>
      %parallel_loop3A_1033 = arith.addf %parallel_loop3A_933, %parallel_loop3A_1032 : vector<16xf32>
      %parallel_loop3A_1034 = arith.constant 105 : i32
      %parallel_loop3A_1035 = arith.index_cast %parallel_loop3A_1034 : i32 to index
      %parallel_loop3A_1036 = arith.constant 0 : index
      %parallel_loop3A_1037 = tpu.vector_load %arg8[%parallel_loop3A_1035, %parallel_loop3A_1036] {strides = array<i32>} : memref<144x16xf32, #tpu.memory_space<vmem>>, vector<16xf32>,
      %parallel_loop3A_1038 = arith.mulf %parallel_loop3A_987, %parallel_loop3A_1037 : vector<16xf32>
      %parallel_loop3A_1039 = arith.addf %parallel_loop3A_939, %parallel_loop3A_1038 : vector<16xf32>
      %parallel_loop3A_1040 = arith.mulf %parallel_loop3A_993, %parallel_loop3A_1037 : vector<16xf32>
      %parallel_loop3A_1041 = arith.addf %parallel_loop3A_941, %parallel_loop3A_1040 : vector<16xf32>
      %parallel_loop3A_1042 = arith.constant 106 : i32
      %parallel_loop3A_1043 = arith.index_cast %parallel_loop3A_1042 : i32 to index
      %parallel_loop3A_1044 = arith.constant 0 : index
      %parallel_loop3A_1045 = tpu.vector_load %arg8[%parallel_loop3A_1043, %parallel_loop3A_1044] {strides = array<i32>} : memref<144x16xf32, #tpu.memory_space<vmem>>, vector<16xf32>,
      %parallel_loop3A_1046 = arith.mulf %parallel_loop3A_987, %parallel_loop3A_1045 : vector<16xf32>
      %parallel_loop3A_1047 = arith.addf %parallel_loop3A_947, %parallel_loop3A_1046 : vector<16xf32>
      %parallel_loop3A_1048 = arith.mulf %parallel_loop3A_993, %parallel_loop3A_1045 : vector<16xf32>
      %parallel_loop3A_1049 = arith.addf %parallel_loop3A_949, %parallel_loop3A_1048 : vector<16xf32>
      %parallel_loop3A_1050 = arith.constant 107 : i32
      %parallel_loop3A_1051 = arith.index_cast %parallel_loop3A_1050 : i32 to index
      %parallel_loop3A_1052 = arith.constant 0 : index
      %parallel_loop3A_1053 = tpu.vector_load %arg8[%parallel_loop3A_1051, %parallel_loop3A_1052] {strides = array<i32>} : memref<144x16xf32, #tpu.memory_space<vmem>>, vector<16xf32>,
      %parallel_loop3A_1054 = arith.mulf %parallel_loop3A_987, %parallel_loop3A_1053 : vector<16xf32>
      %parallel_loop3A_1055 = arith.addf %parallel_loop3A_955, %parallel_loop3A_1054 : vector<16xf32>
      %parallel_loop3A_1056 = arith.mulf %parallel_loop3A_993, %parallel_loop3A_1053 : vector<16xf32>
      %parallel_loop3A_1057 = arith.addf %parallel_loop3A_957, %parallel_loop3A_1056 : vector<16xf32>
      %parallel_loop3A_1058 = arith.constant 108 : i32
      %parallel_loop3A_1059 = arith.index_cast %parallel_loop3A_1058 : i32 to index
      %parallel_loop3A_1060 = arith.constant 0 : index
      %parallel_loop3A_1061 = tpu.vector_load %arg8[%parallel_loop3A_1059, %parallel_loop3A_1060] {strides = array<i32>} : memref<144x16xf32, #tpu.memory_space<vmem>>, vector<16xf32>,
      %parallel_loop3A_1062 = arith.mulf %parallel_loop3A_987, %parallel_loop3A_1061 : vector<16xf32>
      %parallel_loop3A_1063 = arith.addf %parallel_loop3A_963, %parallel_loop3A_1062 : vector<16xf32>
      %parallel_loop3A_1064 = arith.mulf %parallel_loop3A_993, %parallel_loop3A_1061 : vector<16xf32>
      %parallel_loop3A_1065 = arith.addf %parallel_loop3A_965, %parallel_loop3A_1064 : vector<16xf32>
      %parallel_loop3A_1066 = arith.constant 109 : i32
      %parallel_loop3A_1067 = arith.index_cast %parallel_loop3A_1066 : i32 to index
      %parallel_loop3A_1068 = arith.constant 0 : index
      %parallel_loop3A_1069 = tpu.vector_load %arg8[%parallel_loop3A_1067, %parallel_loop3A_1068] {strides = array<i32>} : memref<144x16xf32, #tpu.memory_space<vmem>>, vector<16xf32>,
      %parallel_loop3A_1070 = arith.mulf %parallel_loop3A_987, %parallel_loop3A_1069 : vector<16xf32>
      %parallel_loop3A_1071 = arith.addf %parallel_loop3A_971, %parallel_loop3A_1070 : vector<16xf32>
      %parallel_loop3A_1072 = arith.mulf %parallel_loop3A_993, %parallel_loop3A_1069 : vector<16xf32>
      %parallel_loop3A_1073 = arith.addf %parallel_loop3A_973, %parallel_loop3A_1072 : vector<16xf32>
      %parallel_loop3A_1074 = arith.constant 130 : i32
      %parallel_loop3A_1075 = arith.index_cast %parallel_loop3A_1074 : i32 to index
      %parallel_loop3A_1076 = arith.constant 0 : index
      %parallel_loop3A_1077 = tpu.vector_load %arg8[%parallel_loop3A_1075, %parallel_loop3A_1076] {strides = array<i32>} : memref<144x16xf32, #tpu.memory_space<vmem>>, vector<16xf32>,
      %parallel_loop3A_1078 = arith.constant 130 : i32
      %parallel_loop3A_1079 = arith.index_cast %parallel_loop3A_1078 : i32 to index
      %parallel_loop3A_1080 = arith.constant 0 : index
      %parallel_loop3A_1081 = tpu.vector_load %arg8[%parallel_loop3A_1079, %parallel_loop3A_1080] {strides = array<i32>} : memref<144x16xf32, #tpu.memory_space<vmem>>, vector<16xf32>,
      %parallel_loop3A_1082 = arith.constant 110 : i32
      %parallel_loop3A_1083 = arith.index_cast %parallel_loop3A_1082 : i32 to index
      %parallel_loop3A_1084 = arith.constant 0 : index
      %parallel_loop3A_1085 = tpu.vector_load %arg8[%parallel_loop3A_1083, %parallel_loop3A_1084] {strides = array<i32>} : memref<144x16xf32, #tpu.memory_space<vmem>>, vector<16xf32>,
      %parallel_loop3A_1086 = arith.constant 120 : i32
      %parallel_loop3A_1087 = arith.index_cast %parallel_loop3A_1086 : i32 to index
      %parallel_loop3A_1088 = arith.constant 0 : index
      %parallel_loop3A_1089 = tpu.vector_load %arg8[%parallel_loop3A_1087, %parallel_loop3A_1088] {strides = array<i32>} : memref<144x16xf32, #tpu.memory_space<vmem>>, vector<16xf32>,
      %parallel_loop3A_1090 = arith.addf %parallel_loop3A_999, %parallel_loop3A_1085 : vector<16xf32>
      %parallel_loop3A_1091 = arith.constant 0.000000e+00 : f32
      %parallel_loop3A_1092 = vector.broadcast %parallel_loop3A_1091 : f32 to vector<16xf32>
      %parallel_loop3A_1093 = arith.maximumf %parallel_loop3A_1090, %parallel_loop3A_1092 : vector<16xf32>
      %parallel_loop3A_1094 = arith.mulf %parallel_loop3A_1093, %parallel_loop3A_1089 : vector<16xf32>
      %parallel_loop3A_1095 = arith.addf %parallel_loop3A_1077, %parallel_loop3A_1094 : vector<16xf32>
      %parallel_loop3A_1096 = arith.addf %parallel_loop3A_1001, %parallel_loop3A_1085 : vector<16xf32>
      %parallel_loop3A_1097 = arith.constant 0.000000e+00 : f32
      %parallel_loop3A_1098 = vector.broadcast %parallel_loop3A_1097 : f32 to vector<16xf32>
      %parallel_loop3A_1099 = arith.maximumf %parallel_loop3A_1096, %parallel_loop3A_1098 : vector<16xf32>
      %parallel_loop3A_1100 = arith.mulf %parallel_loop3A_1099, %parallel_loop3A_1089 : vector<16xf32>
      %parallel_loop3A_1101 = arith.addf %parallel_loop3A_1081, %parallel_loop3A_1100 : vector<16xf32>
      %parallel_loop3A_1102 = arith.constant 111 : i32
      %parallel_loop3A_1103 = arith.index_cast %parallel_loop3A_1102 : i32 to index
      %parallel_loop3A_1104 = arith.constant 0 : index
      %parallel_loop3A_1105 = tpu.vector_load %arg8[%parallel_loop3A_1103, %parallel_loop3A_1104] {strides = array<i32>} : memref<144x16xf32, #tpu.memory_space<vmem>>, vector<16xf32>,
      %parallel_loop3A_1106 = arith.constant 121 : i32
      %parallel_loop3A_1107 = arith.index_cast %parallel_loop3A_1106 : i32 to index
      %parallel_loop3A_1108 = arith.constant 0 : index
      %parallel_loop3A_1109 = tpu.vector_load %arg8[%parallel_loop3A_1107, %parallel_loop3A_1108] {strides = array<i32>} : memref<144x16xf32, #tpu.memory_space<vmem>>, vector<16xf32>,
      %parallel_loop3A_1110 = arith.addf %parallel_loop3A_1007, %parallel_loop3A_1105 : vector<16xf32>
      %parallel_loop3A_1111 = arith.constant 0.000000e+00 : f32
      %parallel_loop3A_1112 = vector.broadcast %parallel_loop3A_1111 : f32 to vector<16xf32>
      %parallel_loop3A_1113 = arith.maximumf %parallel_loop3A_1110, %parallel_loop3A_1112 : vector<16xf32>
      %parallel_loop3A_1114 = arith.mulf %parallel_loop3A_1113, %parallel_loop3A_1109 : vector<16xf32>
      %parallel_loop3A_1115 = arith.addf %parallel_loop3A_1095, %parallel_loop3A_1114 : vector<16xf32>
      %parallel_loop3A_1116 = arith.addf %parallel_loop3A_1009, %parallel_loop3A_1105 : vector<16xf32>
      %parallel_loop3A_1117 = arith.constant 0.000000e+00 : f32
      %parallel_loop3A_1118 = vector.broadcast %parallel_loop3A_1117 : f32 to vector<16xf32>
      %parallel_loop3A_1119 = arith.maximumf %parallel_loop3A_1116, %parallel_loop3A_1118 : vector<16xf32>
      %parallel_loop3A_1120 = arith.mulf %parallel_loop3A_1119, %parallel_loop3A_1109 : vector<16xf32>
      %parallel_loop3A_1121 = arith.addf %parallel_loop3A_1101, %parallel_loop3A_1120 : vector<16xf32>
      %parallel_loop3A_1122 = arith.constant 112 : i32
      %parallel_loop3A_1123 = arith.index_cast %parallel_loop3A_1122 : i32 to index
      %parallel_loop3A_1124 = arith.constant 0 : index
      %parallel_loop3A_1125 = tpu.vector_load %arg8[%parallel_loop3A_1123, %parallel_loop3A_1124] {strides = array<i32>} : memref<144x16xf32, #tpu.memory_space<vmem>>, vector<16xf32>,
      %parallel_loop3A_1126 = arith.constant 122 : i32
      %parallel_loop3A_1127 = arith.index_cast %parallel_loop3A_1126 : i32 to index
      %parallel_loop3A_1128 = arith.constant 0 : index
      %parallel_loop3A_1129 = tpu.vector_load %arg8[%parallel_loop3A_1127, %parallel_loop3A_1128] {strides = array<i32>} : memref<144x16xf32, #tpu.memory_space<vmem>>, vector<16xf32>,
      %parallel_loop3A_1130 = arith.addf %parallel_loop3A_1015, %parallel_loop3A_1125 : vector<16xf32>
      %parallel_loop3A_1131 = arith.constant 0.000000e+00 : f32
      %parallel_loop3A_1132 = vector.broadcast %parallel_loop3A_1131 : f32 to vector<16xf32>
      %parallel_loop3A_1133 = arith.maximumf %parallel_loop3A_1130, %parallel_loop3A_1132 : vector<16xf32>
      %parallel_loop3A_1134 = arith.mulf %parallel_loop3A_1133, %parallel_loop3A_1129 : vector<16xf32>
      %parallel_loop3A_1135 = arith.addf %parallel_loop3A_1115, %parallel_loop3A_1134 : vector<16xf32>
      %parallel_loop3A_1136 = arith.addf %parallel_loop3A_1017, %parallel_loop3A_1125 : vector<16xf32>
      %parallel_loop3A_1137 = arith.constant 0.000000e+00 : f32
      %parallel_loop3A_1138 = vector.broadcast %parallel_loop3A_1137 : f32 to vector<16xf32>
      %parallel_loop3A_1139 = arith.maximumf %parallel_loop3A_1136, %parallel_loop3A_1138 : vector<16xf32>
      %parallel_loop3A_1140 = arith.mulf %parallel_loop3A_1139, %parallel_loop3A_1129 : vector<16xf32>
      %parallel_loop3A_1141 = arith.addf %parallel_loop3A_1121, %parallel_loop3A_1140 : vector<16xf32>
      %parallel_loop3A_1142 = arith.constant 113 : i32
      %parallel_loop3A_1143 = arith.index_cast %parallel_loop3A_1142 : i32 to index
      %parallel_loop3A_1144 = arith.constant 0 : index
      %parallel_loop3A_1145 = tpu.vector_load %arg8[%parallel_loop3A_1143, %parallel_loop3A_1144] {strides = array<i32>} : memref<144x16xf32, #tpu.memory_space<vmem>>, vector<16xf32>,
      %parallel_loop3A_1146 = arith.constant 123 : i32
      %parallel_loop3A_1147 = arith.index_cast %parallel_loop3A_1146 : i32 to index
      %parallel_loop3A_1148 = arith.constant 0 : index
      %parallel_loop3A_1149 = tpu.vector_load %arg8[%parallel_loop3A_1147, %parallel_loop3A_1148] {strides = array<i32>} : memref<144x16xf32, #tpu.memory_space<vmem>>, vector<16xf32>,
      %parallel_loop3A_1150 = arith.addf %parallel_loop3A_1023, %parallel_loop3A_1145 : vector<16xf32>
      %parallel_loop3A_1151 = arith.constant 0.000000e+00 : f32
      %parallel_loop3A_1152 = vector.broadcast %parallel_loop3A_1151 : f32 to vector<16xf32>
      %parallel_loop3A_1153 = arith.maximumf %parallel_loop3A_1150, %parallel_loop3A_1152 : vector<16xf32>
      %parallel_loop3A_1154 = arith.mulf %parallel_loop3A_1153, %parallel_loop3A_1149 : vector<16xf32>
      %parallel_loop3A_1155 = arith.addf %parallel_loop3A_1135, %parallel_loop3A_1154 : vector<16xf32>
      %parallel_loop3A_1156 = arith.addf %parallel_loop3A_1025, %parallel_loop3A_1145 : vector<16xf32>
      %parallel_loop3A_1157 = arith.constant 0.000000e+00 : f32
      %parallel_loop3A_1158 = vector.broadcast %parallel_loop3A_1157 : f32 to vector<16xf32>
      %parallel_loop3A_1159 = arith.maximumf %parallel_loop3A_1156, %parallel_loop3A_1158 : vector<16xf32>
      %parallel_loop3A_1160 = arith.mulf %parallel_loop3A_1159, %parallel_loop3A_1149 : vector<16xf32>
      %parallel_loop3A_1161 = arith.addf %parallel_loop3A_1141, %parallel_loop3A_1160 : vector<16xf32>
      %parallel_loop3A_1162 = arith.constant 114 : i32
      %parallel_loop3A_1163 = arith.index_cast %parallel_loop3A_1162 : i32 to index
      %parallel_loop3A_1164 = arith.constant 0 : index
      %parallel_loop3A_1165 = tpu.vector_load %arg8[%parallel_loop3A_1163, %parallel_loop3A_1164] {strides = array<i32>} : memref<144x16xf32, #tpu.memory_space<vmem>>, vector<16xf32>,
      %parallel_loop3A_1166 = arith.constant 124 : i32
      %parallel_loop3A_1167 = arith.index_cast %parallel_loop3A_1166 : i32 to index
      %parallel_loop3A_1168 = arith.constant 0 : index
      %parallel_loop3A_1169 = tpu.vector_load %arg8[%parallel_loop3A_1167, %parallel_loop3A_1168] {strides = array<i32>} : memref<144x16xf32, #tpu.memory_space<vmem>>, vector<16xf32>,
      %parallel_loop3A_1170 = arith.addf %parallel_loop3A_1031, %parallel_loop3A_1165 : vector<16xf32>
      %parallel_loop3A_1171 = arith.constant 0.000000e+00 : f32
      %parallel_loop3A_1172 = vector.broadcast %parallel_loop3A_1171 : f32 to vector<16xf32>
      %parallel_loop3A_1173 = arith.maximumf %parallel_loop3A_1170, %parallel_loop3A_1172 : vector<16xf32>
      %parallel_loop3A_1174 = arith.mulf %parallel_loop3A_1173, %parallel_loop3A_1169 : vector<16xf32>
      %parallel_loop3A_1175 = arith.addf %parallel_loop3A_1155, %parallel_loop3A_1174 : vector<16xf32>
      %parallel_loop3A_1176 = arith.addf %parallel_loop3A_1033, %parallel_loop3A_1165 : vector<16xf32>
      %parallel_loop3A_1177 = arith.constant 0.000000e+00 : f32
      %parallel_loop3A_1178 = vector.broadcast %parallel_loop3A_1177 : f32 to vector<16xf32>
      %parallel_loop3A_1179 = arith.maximumf %parallel_loop3A_1176, %parallel_loop3A_1178 : vector<16xf32>
      %parallel_loop3A_1180 = arith.mulf %parallel_loop3A_1179, %parallel_loop3A_1169 : vector<16xf32>
      %parallel_loop3A_1181 = arith.addf %parallel_loop3A_1161, %parallel_loop3A_1180 : vector<16xf32>
      %parallel_loop3A_1182 = arith.constant 115 : i32
      %parallel_loop3A_1183 = arith.index_cast %parallel_loop3A_1182 : i32 to index
      %parallel_loop3A_1184 = arith.constant 0 : index
      %parallel_loop3A_1185 = tpu.vector_load %arg8[%parallel_loop3A_1183, %parallel_loop3A_1184] {strides = array<i32>} : memref<144x16xf32, #tpu.memory_space<vmem>>, vector<16xf32>,
      %parallel_loop3A_1186 = arith.constant 125 : i32
      %parallel_loop3A_1187 = arith.index_cast %parallel_loop3A_1186 : i32 to index
      %parallel_loop3A_1188 = arith.constant 0 : index
      %parallel_loop3A_1189 = tpu.vector_load %arg8[%parallel_loop3A_1187, %parallel_loop3A_1188] {strides = array<i32>} : memref<144x16xf32, #tpu.memory_space<vmem>>, vector<16xf32>,
      %parallel_loop3A_1190 = arith.addf %parallel_loop3A_1039, %parallel_loop3A_1185 : vector<16xf32>
      %parallel_loop3A_1191 = arith.constant 0.000000e+00 : f32
      %parallel_loop3A_1192 = vector.broadcast %parallel_loop3A_1191 : f32 to vector<16xf32>
      %parallel_loop3A_1193 = arith.maximumf %parallel_loop3A_1190, %parallel_loop3A_1192 : vector<16xf32>
      %parallel_loop3A_1194 = arith.mulf %parallel_loop3A_1193, %parallel_loop3A_1189 : vector<16xf32>
      %parallel_loop3A_1195 = arith.addf %parallel_loop3A_1175, %parallel_loop3A_1194 : vector<16xf32>
      %parallel_loop3A_1196 = arith.addf %parallel_loop3A_1041, %parallel_loop3A_1185 : vector<16xf32>
      %parallel_loop3A_1197 = arith.constant 0.000000e+00 : f32
      %parallel_loop3A_1198 = vector.broadcast %parallel_loop3A_1197 : f32 to vector<16xf32>
      %parallel_loop3A_1199 = arith.maximumf %parallel_loop3A_1196, %parallel_loop3A_1198 : vector<16xf32>
      %parallel_loop3A_1200 = arith.mulf %parallel_loop3A_1199, %parallel_loop3A_1189 : vector<16xf32>
      %parallel_loop3A_1201 = arith.addf %parallel_loop3A_1181, %parallel_loop3A_1200 : vector<16xf32>
      %parallel_loop3A_1202 = arith.constant 116 : i32
      %parallel_loop3A_1203 = arith.index_cast %parallel_loop3A_1202 : i32 to index
      %parallel_loop3A_1204 = arith.constant 0 : index
      %parallel_loop3A_1205 = tpu.vector_load %arg8[%parallel_loop3A_1203, %parallel_loop3A_1204] {strides = array<i32>} : memref<144x16xf32, #tpu.memory_space<vmem>>, vector<16xf32>,
      %parallel_loop3A_1206 = arith.constant 126 : i32
      %parallel_loop3A_1207 = arith.index_cast %parallel_loop3A_1206 : i32 to index
      %parallel_loop3A_1208 = arith.constant 0 : index
      %parallel_loop3A_1209 = tpu.vector_load %arg8[%parallel_loop3A_1207, %parallel_loop3A_1208] {strides = array<i32>} : memref<144x16xf32, #tpu.memory_space<vmem>>, vector<16xf32>,
      %parallel_loop3A_1210 = arith.addf %parallel_loop3A_1047, %parallel_loop3A_1205 : vector<16xf32>
      %parallel_loop3A_1211 = arith.constant 0.000000e+00 : f32
      %parallel_loop3A_1212 = vector.broadcast %parallel_loop3A_1211 : f32 to vector<16xf32>
      %parallel_loop3A_1213 = arith.maximumf %parallel_loop3A_1210, %parallel_loop3A_1212 : vector<16xf32>
      %parallel_loop3A_1214 = arith.mulf %parallel_loop3A_1213, %parallel_loop3A_1209 : vector<16xf32>
      %parallel_loop3A_1215 = arith.addf %parallel_loop3A_1195, %parallel_loop3A_1214 : vector<16xf32>
      %parallel_loop3A_1216 = arith.addf %parallel_loop3A_1049, %parallel_loop3A_1205 : vector<16xf32>
      %parallel_loop3A_1217 = arith.constant 0.000000e+00 : f32
      %parallel_loop3A_1218 = vector.broadcast %parallel_loop3A_1217 : f32 to vector<16xf32>
      %parallel_loop3A_1219 = arith.maximumf %parallel_loop3A_1216, %parallel_loop3A_1218 : vector<16xf32>
      %parallel_loop3A_1220 = arith.mulf %parallel_loop3A_1219, %parallel_loop3A_1209 : vector<16xf32>
      %parallel_loop3A_1221 = arith.addf %parallel_loop3A_1201, %parallel_loop3A_1220 : vector<16xf32>
      %parallel_loop3A_1222 = arith.constant 117 : i32
      %parallel_loop3A_1223 = arith.index_cast %parallel_loop3A_1222 : i32 to index
      %parallel_loop3A_1224 = arith.constant 0 : index
      %parallel_loop3A_1225 = tpu.vector_load %arg8[%parallel_loop3A_1223, %parallel_loop3A_1224] {strides = array<i32>} : memref<144x16xf32, #tpu.memory_space<vmem>>, vector<16xf32>,
      %parallel_loop3A_1226 = arith.constant 127 : i32
      %parallel_loop3A_1227 = arith.index_cast %parallel_loop3A_1226 : i32 to index
      %parallel_loop3A_1228 = arith.constant 0 : index
      %parallel_loop3A_1229 = tpu.vector_load %arg8[%parallel_loop3A_1227, %parallel_loop3A_1228] {strides = array<i32>} : memref<144x16xf32, #tpu.memory_space<vmem>>, vector<16xf32>,
      %parallel_loop3A_1230 = arith.addf %parallel_loop3A_1055, %parallel_loop3A_1225 : vector<16xf32>
      %parallel_loop3A_1231 = arith.constant 0.000000e+00 : f32
      %parallel_loop3A_1232 = vector.broadcast %parallel_loop3A_1231 : f32 to vector<16xf32>
      %parallel_loop3A_1233 = arith.maximumf %parallel_loop3A_1230, %parallel_loop3A_1232 : vector<16xf32>
      %parallel_loop3A_1234 = arith.mulf %parallel_loop3A_1233, %parallel_loop3A_1229 : vector<16xf32>
      %parallel_loop3A_1235 = arith.addf %parallel_loop3A_1215, %parallel_loop3A_1234 : vector<16xf32>
      %parallel_loop3A_1236 = arith.addf %parallel_loop3A_1057, %parallel_loop3A_1225 : vector<16xf32>
      %parallel_loop3A_1237 = arith.constant 0.000000e+00 : f32
      %parallel_loop3A_1238 = vector.broadcast %parallel_loop3A_1237 : f32 to vector<16xf32>
      %parallel_loop3A_1239 = arith.maximumf %parallel_loop3A_1236, %parallel_loop3A_1238 : vector<16xf32>
      %parallel_loop3A_1240 = arith.mulf %parallel_loop3A_1239, %parallel_loop3A_1229 : vector<16xf32>
      %parallel_loop3A_1241 = arith.addf %parallel_loop3A_1221, %parallel_loop3A_1240 : vector<16xf32>
      %parallel_loop3A_1242 = arith.constant 118 : i32
      %parallel_loop3A_1243 = arith.index_cast %parallel_loop3A_1242 : i32 to index
      %parallel_loop3A_1244 = arith.constant 0 : index
      %parallel_loop3A_1245 = tpu.vector_load %arg8[%parallel_loop3A_1243, %parallel_loop3A_1244] {strides = array<i32>} : memref<144x16xf32, #tpu.memory_space<vmem>>, vector<16xf32>,
      %parallel_loop3A_1246 = arith.constant 128 : i32
      %parallel_loop3A_1247 = arith.index_cast %parallel_loop3A_1246 : i32 to index
      %parallel_loop3A_1248 = arith.constant 0 : index
      %parallel_loop3A_1249 = tpu.vector_load %arg8[%parallel_loop3A_1247, %parallel_loop3A_1248] {strides = array<i32>} : memref<144x16xf32, #tpu.memory_space<vmem>>, vector<16xf32>,
      %parallel_loop3A_1250 = arith.addf %parallel_loop3A_1063, %parallel_loop3A_1245 : vector<16xf32>
      %parallel_loop3A_1251 = arith.constant 0.000000e+00 : f32
      %parallel_loop3A_1252 = vector.broadcast %parallel_loop3A_1251 : f32 to vector<16xf32>
      %parallel_loop3A_1253 = arith.maximumf %parallel_loop3A_1250, %parallel_loop3A_1252 : vector<16xf32>
      %parallel_loop3A_1254 = arith.mulf %parallel_loop3A_1253, %parallel_loop3A_1249 : vector<16xf32>
      %parallel_loop3A_1255 = arith.addf %parallel_loop3A_1235, %parallel_loop3A_1254 : vector<16xf32>
      %parallel_loop3A_1256 = arith.addf %parallel_loop3A_1065, %parallel_loop3A_1245 : vector<16xf32>
      %parallel_loop3A_1257 = arith.constant 0.000000e+00 : f32
      %parallel_loop3A_1258 = vector.broadcast %parallel_loop3A_1257 : f32 to vector<16xf32>
      %parallel_loop3A_1259 = arith.maximumf %parallel_loop3A_1256, %parallel_loop3A_1258 : vector<16xf32>
      %parallel_loop3A_1260 = arith.mulf %parallel_loop3A_1259, %parallel_loop3A_1249 : vector<16xf32>
      %parallel_loop3A_1261 = arith.addf %parallel_loop3A_1241, %parallel_loop3A_1260 : vector<16xf32>
      %parallel_loop3A_1262 = arith.constant 119 : i32
      %parallel_loop3A_1263 = arith.index_cast %parallel_loop3A_1262 : i32 to index
      %parallel_loop3A_1264 = arith.constant 0 : index
      %parallel_loop3A_1265 = tpu.vector_load %arg8[%parallel_loop3A_1263, %parallel_loop3A_1264] {strides = array<i32>} : memref<144x16xf32, #tpu.memory_space<vmem>>, vector<16xf32>,
      %parallel_loop3A_1266 = arith.constant 129 : i32
      %parallel_loop3A_1267 = arith.index_cast %parallel_loop3A_1266 : i32 to index
      %parallel_loop3A_1268 = arith.constant 0 : index
      %parallel_loop3A_1269 = tpu.vector_load %arg8[%parallel_loop3A_1267, %parallel_loop3A_1268] {strides = array<i32>} : memref<144x16xf32, #tpu.memory_space<vmem>>, vector<16xf32>,
      %parallel_loop3A_1270 = arith.addf %parallel_loop3A_1071, %parallel_loop3A_1265 : vector<16xf32>
      %parallel_loop3A_1271 = arith.constant 0.000000e+00 : f32
      %parallel_loop3A_1272 = vector.broadcast %parallel_loop3A_1271 : f32 to vector<16xf32>
      %parallel_loop3A_1273 = arith.maximumf %parallel_loop3A_1270, %parallel_loop3A_1272 : vector<16xf32>
      %parallel_loop3A_1274 = arith.mulf %parallel_loop3A_1273, %parallel_loop3A_1269 : vector<16xf32>
      %parallel_loop3A_1275 = arith.addf %parallel_loop3A_1255, %parallel_loop3A_1274 : vector<16xf32>
      %parallel_loop3A_1276 = arith.addf %parallel_loop3A_1073, %parallel_loop3A_1265 : vector<16xf32>
      %parallel_loop3A_1277 = arith.constant 0.000000e+00 : f32
      %parallel_loop3A_1278 = vector.broadcast %parallel_loop3A_1277 : f32 to vector<16xf32>
      %parallel_loop3A_1279 = arith.maximumf %parallel_loop3A_1276, %parallel_loop3A_1278 : vector<16xf32>
      %parallel_loop3A_1280 = arith.mulf %parallel_loop3A_1279, %parallel_loop3A_1269 : vector<16xf32>
      %parallel_loop3A_1281 = arith.addf %parallel_loop3A_1261, %parallel_loop3A_1280 : vector<16xf32>
      %parallel_loop3A_1282 = arith.constant 0.000000e+00 : f32
      %parallel_loop3A_1283 = vector.broadcast %parallel_loop3A_1282 : f32 to vector<16xf32>
      %parallel_loop3A_1284 = arith.subf %parallel_loop3A_1283, %parallel_loop3A_1275 : vector<16xf32>
      %parallel_loop3A_1285 = math.exp %parallel_loop3A_1284 : vector<16xf32>
      %parallel_loop3A_1286 = arith.constant 1.000000e+00 : f32
      %parallel_loop3A_1287 = vector.broadcast %parallel_loop3A_1286 : f32 to vector<16xf32>
      %parallel_loop3A_1288 = arith.addf %parallel_loop3A_1287, %parallel_loop3A_1285 : vector<16xf32>
      %parallel_loop3A_1289 = arith.constant 1.000000e+00 : f32
      %parallel_loop3A_1290 = vector.broadcast %parallel_loop3A_1289 : f32 to vector<16xf32>
      %parallel_loop3A_1291 = arith.divf %parallel_loop3A_1290, %parallel_loop3A_1288 : vector<16xf32>
      %parallel_loop3A_1292 = arith.index_cast %parallel_loop3A_11 : i32 to index
      %parallel_loop3A_1293 = tpu.vector_load %arg10[%parallel_loop3A_1292] {strides = array<i32>} : memref<512xf32, #tpu.memory_space<vmem>>, vector<16xf32>,
      tpu.vector_store %arg10[%parallel_loop3A_1292], %parallel_loop3A_1291 {strides = array<i32>} : memref<512xf32, #tpu.memory_space<vmem>>, vector<16xf32>,
      %parallel_loop3A_1294 = arith.constant 0.000000e+00 : f32
      %parallel_loop3A_1295 = vector.broadcast %parallel_loop3A_1294 : f32 to vector<16xf32>
      %parallel_loop3A_1296 = arith.subf %parallel_loop3A_1295, %parallel_loop3A_1281 : vector<16xf32>
      %parallel_loop3A_1297 = math.exp %parallel_loop3A_1296 : vector<16xf32>
      %parallel_loop3A_1298 = arith.constant 1.000000e+00 : f32
      %parallel_loop3A_1299 = vector.broadcast %parallel_loop3A_1298 : f32 to vector<16xf32>
      %parallel_loop3A_1300 = arith.addf %parallel_loop3A_1299, %parallel_loop3A_1297 : vector<16xf32>
      %parallel_loop3A_1301 = arith.constant 1.000000e+00 : f32
      %parallel_loop3A_1302 = vector.broadcast %parallel_loop3A_1301 : f32 to vector<16xf32>
      %parallel_loop3A_1303 = arith.divf %parallel_loop3A_1302, %parallel_loop3A_1300 : vector<16xf32>
      %parallel_loop3A_1304 = arith.index_cast %parallel_loop3A_15 : i32 to index
      %parallel_loop3A_1305 = tpu.vector_load %arg10[%parallel_loop3A_1304] {strides = array<i32>} : memref<512xf32, #tpu.memory_space<vmem>>, vector<16xf32>,
      tpu.vector_store %arg10[%parallel_loop3A_1304], %parallel_loop3A_1303 {strides = array<i32>} : memref<512xf32, #tpu.memory_space<vmem>>, vector<16xf32>,
    } {sc.loop_unroll_factor = 4 : i64, sc.parallel_access}
    "tpu.region"() ({
      %run_scoped3A = tpu.sem_alloc : memref<!tpu.dma_semaphore, #tpu.memory_space<semaphore_mem>>
      %dma_start3A = tpu.memref_slice %arg5[%mul3A_2] : memref<16384xf32, #tpu.memory_space<hbm>> -> memref<512xf32, #tpu.memory_space<hbm>>
      %dma_start3A_7 = tpu.memref_slice %arg5[%mul3A_2] : memref<16384xf32, #tpu.memory_space<hbm>> -> memref<512xf32, #tpu.memory_space<hbm>>
      tpu.enqueue_dma source(%arg10 : memref<512xf32, #tpu.memory_space<vmem>>) target(%dma_start3A_7 : memref<512xf32, #tpu.memory_space<hbm>>) target_semaphore(%run_scoped3A : memref<!tpu.dma_semaphore, #tpu.memory_space<semaphore_mem>>)
      %dma_wait3A = tpu.memref_slice %arg5[%mul3A_2] : memref<16384xf32, #tpu.memory_space<hbm>> -> memref<512xf32, #tpu.memory_space<hbm>>
      %dma_wait3A_8 = tpu.memref_slice %arg5[%mul3A_2] : memref<16384xf32, #tpu.memory_space<hbm>> -> memref<512xf32, #tpu.memory_space<hbm>>
      tpu.wait_dma2 semaphore(%run_scoped3A : memref<!tpu.dma_semaphore, #tpu.memory_space<semaphore_mem>>) src(%arg10 : memref<512xf32, #tpu.memory_space<vmem>>) dst(%dma_wait3A_8 : memref<512xf32, #tpu.memory_space<hbm>>)
      tpu.yield
    }) : () -> ()
    return
  }
}

module attributes {stable_mosaic.version = 14 : i64} {
  func.func @_prep_body(%arg0: memref<1000x100xf32, #tpu.memory_space<vmem>>, %arg1: memref<101x10xf32, #tpu.memory_space<vmem>>, %arg2: memref<16x1024xf32, #tpu.memory_space<vmem>>) attributes {dimension_semantics = [], scalar_prefetch = 0 : i64, scratch_operands = 0 : i64, tpu.core_type = #tpu.core_type<tc>} {
    %get3A = arith.constant 1 : index
    %get3A_0 = arith.constant 0 : index
    %get3A_1 = vector.load %arg1[%get3A, %get3A_0] : memref<101x10xf32, #tpu.memory_space<vmem>>, vector<100x10xf32>
    %get3A_2 = arith.constant 0 : index
    %get3A_3 = arith.constant 0 : index
    %get3A_4 = vector.load %arg0[%get3A_2, %get3A_3] : memref<1000x100xf32, #tpu.memory_space<vmem>>, vector<1000x100xf32>
    %dot_general3A = arith.constant dense<0.000000e+00> : vector<10x1000xf32>
    %dot_general3A_5 = tpu.matmul %get3A_1, %get3A_4, %dot_general3A {dimension_numbers = #tpu.dot_dimension_numbers<[0], [1], [1], [0], [0, 1, 1, 0], [], []>, precision = #tpu.contract_precision<fp32>, transpose_lhs_hint = false} : vector<100x10xf32>, vector<1000x100xf32>, vector<10x1000xf32> -> vector<10x1000xf32>
    %broadcast_in_dim3A = arith.constant 0.000000e+00 : f32
    %broadcast_in_dim3A_6 = vector.broadcast %broadcast_in_dim3A : f32 to vector<6x1000xf32>
    %concatenate3A = tpu.concatenate %dot_general3A_5, %broadcast_in_dim3A_6 in 0 : vector<10x1000xf32>, vector<6x1000xf32> -> vector<16x1000xf32>
    %broadcast_in_dim3A_7 = arith.constant 0.000000e+00 : f32
    %broadcast_in_dim3A_8 = vector.broadcast %broadcast_in_dim3A_7 : f32 to vector<16x24xf32>
    %concatenate3A_9 = tpu.concatenate %concatenate3A, %broadcast_in_dim3A_8 in 1 : vector<16x1000xf32>, vector<16x24xf32> -> vector<16x1024xf32>
    %swap3A = arith.constant 0 : index
    %swap3A_10 = arith.constant 0 : index
    %swap3A_11 = vector.load %arg2[%swap3A, %swap3A_10] : memref<16x1024xf32, #tpu.memory_space<vmem>>, vector<16x1024xf32>
    tpu.vector_store %arg2[%swap3A, %swap3A_10], %concatenate3A_9 {strides = array<i32>} : memref<16x1024xf32, #tpu.memory_space<vmem>>, vector<16x1024xf32>,
    return
  }
}

</mosaic_0001>

<sc_bundles>
// kernel: kernel.4.cloned.1.call-start
scs
__scs_entry_jumppad:
0x0: {  	(pc) =	sbr.rel $0x88, $3  }
0x1: {  	(tag) =	ssettag $0x0;
	lr =	simm.s32 $0x1  }
0x2: {  	[smem:$0x3F98] =	sst lr;
	_ =	strace $0xD0000000  }
0x3: {  	_ = 	snop  }
0x4: {  	_ = 	snop  }
0x5: {  	_ = 	snop  }
0x6: {  	_ = 	snop  }
0x7: {  	_ = 	snop  }
__scs_overlays_trampoline_lowered:
0x8: {  	[smem:$0x3FA7] =	sst s0  }
0x9: {  	[smem:$0x3FA8] =	sst s1  }
0xa: {  	[smem:$0x3FA9] =	sst s2  }
0xb: {  	[smem:$0x3FAA] =	sst s3  }
0xc: {  	[smem:$0x3FAB] =	sst s4  }
0xd: {  	[smem:$0x3FAC] =	sst s5  }
0xe: {  	[smem:$0x3FAD] =	sst s6  }
0xf: {  	[smem:$0x3FAE] =	sst s7  }
0x10: {  	[smem:$0x3FAF] =	sst s8  }
0x11: {  	[smem:$0x3FB0] =	sst s9;
	s0 =	simm.s32 @!p0 $0x0  }
0x12: {  	s1 =	sld [smem:$0x3F96];
	s0 =	simm.s32 @p0 $0x1  }
0x13: {  	[smem:$0x3FB1] =	sst s0;
	s0 =	simm.s32 @!p1 $0x0  }
0x14: {  	s2 =	sld [smem:$0x3F95];
	s0 =	simm.s32 @p1 $0x1  }
0x15: {  	[smem:$0x3FB2] =	sst s0;
	s0 =	simm.s32 @!p2 $0x0  }
0x16: {  	s3 =	sld [smem:$0x3FDB];
	s0 =	simm.s32 @p2 $0x1  }
0x17: {  	s4 =	simm.s32 $0x1BF5;
	[smem:$0x3FB4] =	sst s0  }
0x18: {  	s0 =	sld [smem:$0x3F97];
	_ =	swait.ge [sflag:s4], $0x0  }
0x19: {  	s7 =	sld [smem:$0x3F98]  }
0x1a: {  	s8 =	sadd.s32 $0xFFFFE003, lr  }
0x1b: {  	s9 =	sadd.s32 $0xFFFFFEF7, lr;
	s5 =	simm.s32 $0xFFFFFFFF;
	p2 =	slt.u32 s8, $0xFFFFF086  }
0x1c: {  	p1 =	slt.u32 s9, $0xF7A;
	s5 =	simm.s32 @!p2 $0x0  }
0x1d: {  	s5 =	simm.s32 @p1 $0x1;
	p0 =	seq.s32 s7, s2  }
0x1e: {  	s7 =	smul.u32 @!p0 $0xF7A, s2;
	p2 =	seq.s32 @!p0 s5, $0x0  }
0x1f: {  	s9 =	smul.u32 $0xF7A, s1;
	s8 =	simm.s32 @!p0 $0x1BF5;
	p2 =	por !p2, p0  }
0x20: {  	[sflag:s8] =	ssyncset.s32 @!p0 $0xFFFFF086;
	s6 =	sadd.s32 @!p0 s3, s7;
	s7 =	simm.s32 @!p0 $0x108  }
0x21: {  	s3 =	sadd.s32 s3, s9;
	s6 =	sadd.s32 @!p0 $0x88, s6;
	s7 =	simm.s32 @p2 $0x1082  }
0x22: {  	[simem:s7], [sflag:s8] =	dma.local @!p0 [hbm:s6], $0xF7A  }
0x23: {  	s9 =	sor.u32 $0xD0000000, s2;
	s6 =	simm.s32 $0x108;
	_ =	swait.ge @!p0 [sflag:s8], $0x0  }
0x24: {  	s3 =	sadd.s32 $0x88, s3;
	s6 =	simm.s32 @!p1 $0x1082;
	[sflag:s4] =	ssyncset.s32 $0xFFFFF086  }
0x25: {  	[simem:s6], [sflag:s4] =	dma.local [hbm:s3], $0xF7A  }
0x26: {  	[smem:$0x3F98] =	sst s1;
	(tag) =	ssettag s2;
	_ =	strace s9  }
0x27: {  	s1 =	sld [smem:$0x3FA8]  }
0x28: {  	s2 =	sld [smem:$0x3FA9]  }
0x29: {  	s4 =	sld [smem:$0x3FAB]  }
0x2a: {  	p0 =	seq.s32 s5, $0x0;
	s5 =	sld [smem:$0x3FAC]  }
0x2b: {  	s6 =	sld [smem:$0x3FAD]  }
0x2c: {  	s7 =	sld [smem:$0x3FAE]  }
0x2d: {  	s3 =	simm.s32 $0x108;
	s8 =	sld [smem:$0x3FAF]  }
0x2e: {  	s3 =	simm.s32 @!p0 $0x1082;
	s9 =	sld [smem:$0x3FB0]  }
0x2f: {  	lr =	sadd.s32 s0, s3;
	s0 =	sld [smem:$0x3FA7]  }
0x30: {  	s3 =	sld [smem:$0x3FAA]  }
0x31: {  	[smem:$0x3FB3] =	sst s10  }
0x32: {  	s10 =	sld [smem:$0x3FB1];
	_ =	sdelay $0x3  }
0x33: {  	p0 =	seq.s32 s10, $0x1;
	s10 =	sld [smem:$0x3FB3];
	_ =	sdelay $0x3  }
0x34: {  	[smem:$0x3FB3] =	sst s10  }
0x35: {  	s10 =	sld [smem:$0x3FB2];
	_ =	sdelay $0x3  }
0x36: {  	p1 =	seq.s32 s10, $0x1;
	s10 =	sld [smem:$0x3FB3];
	_ =	sdelay $0x3  }
0x37: {  	[smem:$0x3FB3] =	sst s10  }
0x38: {  	s10 =	sld [smem:$0x3FB4]  }
0x39: {  	_ = 	snop;
	(pc) =	sbr.ind lr, $3  }
0x3a: {  	_ = 	snop  }
0x3b: {  	_ = 	snop  }
0x3c: {  	p2 =	seq.s32 s10, $0x1;
	s10 =	sld [smem:$0x3FB3]  }
0x3d: {  	_ =	shalt  }
0x3e: {  	_ =	shalt  }
0x3f: {  	_ =	shalt  }
0x40: {  	_ =	shalt  }
0x41: {  	_ =	shalt  }
0x42: {  	_ =	shalt  }
0x43: {  	_ =	shalt  }
0x44: {  	_ =	shalt  }
0x45: {  	_ =	shalt  }
0x46: {  	_ =	shalt  }
0x47: {  	_ =	shalt  }
0x48: {  	_ =	shalt  }
0x49: {  	_ =	shalt  }
0x4a: {  	_ =	shalt  }
0x4b: {  	_ =	shalt  }
0x4c: {  	_ =	shalt  }
0x4d: {  	_ =	shalt  }
0x4e: {  	_ =	shalt  }
0x4f: {  	_ =	shalt  }
0x50: {  	_ =	shalt  }
0x51: {  	_ =	shalt  }
0x52: {  	_ =	shalt  }
0x53: {  	_ =	shalt  }
0x54: {  	_ =	shalt  }
0x55: {  	_ =	shalt  }
0x56: {  	_ =	shalt  }
0x57: {  	_ =	shalt  }
0x58: {  	_ =	shalt  }
0x59: {  	_ =	shalt  }
0x5a: {  	_ =	shalt  }
0x5b: {  	_ =	shalt  }
0x5c: {  	_ =	shalt  }
0x5d: {  	_ =	shalt  }
0x5e: {  	_ =	shalt  }
0x5f: {  	_ =	shalt  }
0x60: {  	_ =	shalt  }
0x61: {  	_ =	shalt  }
0x62: {  	_ =	shalt  }
0x63: {  	_ =	shalt  }
0x64: {  	_ =	shalt  }
0x65: {  	_ =	shalt  }
0x66: {  	_ =	shalt  }
0x67: {  	_ =	shalt  }
0x68: {  	_ =	shalt  }
0x69: {  	_ =	shalt  }
0x6a: {  	_ =	shalt  }
0x6b: {  	_ =	shalt  }
0x6c: {  	_ =	shalt  }
0x6d: {  	_ =	shalt  }
0x6e: {  	_ =	shalt  }
0x6f: {  	_ =	shalt  }
0x70: {  	_ =	shalt  }
0x71: {  	_ =	shalt  }
0x72: {  	_ =	shalt  }
0x73: {  	_ =	shalt  }
0x74: {  	_ =	shalt  }
0x75: {  	_ =	shalt  }
0x76: {  	_ =	shalt  }
0x77: {  	_ =	shalt  }
0x78: {  	_ =	shalt  }
0x79: {  	_ =	shalt  }
0x7a: {  	_ =	shalt  }
0x7b: {  	_ =	shalt  }
0x7c: {  	_ =	shalt  }
0x7d: {  	_ =	shalt  }
0x7e: {  	_ =	shalt  }
0x7f: {  	_ =	shalt  }
0x80: {  	_ =	shalt  }
0x81: {  	_ =	shalt  }
0x82: {  	_ =	shalt  }
0x83: {  	_ =	shalt  }
0x84: {  	_ =	shalt  }
0x85: {  	_ =	shalt  }
0x86: {  	_ =	shalt  }
0x87: {  	_ =	shalt  }
.Lfunc_end0:
.L_simem_size_0:
called_computation_lowered:
.L_overlay_start_0:
0x88: {  	s2 =	sld [smem:$0x3FD9]  }
0x89: {  	s3 =	sld [smem:$0x3FFE];
	_ =	sdelay $0x1  }
0x8a: {  	s1 =	srdreg.scid  }
0x8b: {  	s0 =	sand.u32 $0x1, s1  }
0x8c: {  	s17 =	sshll.u32 s0, $0xA;
	s2 =	sadd.s32 s3, s2  }
0x8d: {  	s2 =	sadd.s32 s2, s17  }
0x8e: {  	[smem:$0x3FBF] =	sst s2  }
0x8f: {  	_ = 	snop  }
0x90: {  	s2 =	sld [smem:$0x3FD0];
	(tm) =	ssettm $0x1  }
0x91: {  	s18 =	sld [smem:$0x3FFB];
	_ =	sdelay $0x3  }
0x92: {  	_ =	strace s18  }
0x93: {  	s3 =	sld [smem:$0x3FFC];
	_ =	sdelay $0x3  }
0x94: {  	_ =	strace s3  }
0x95: {  	s3 =	sld [smem:$0x3FFD];
	_ =	sdelay $0x3  }
0x96: {  	_ =	strace s3  }
0x97: {  	_ =	strace $0x8FFFFFFF  }
0x98: {  	s19 =	sld [smem:$0x3FDB];
	_ =	sdelay $0x1  }
0x99: {  	s4 =	simm.s32 $_scs_section_size  }
0x9a: {  	s5 =	simm.s32 $_size__tile_overlayer_lowered;
	s6 =	simm.s32 $_tile_overlayer_lowered  }
0x9b: {  	s22 =	simm.s32 $0x1BFF;
	s21 =	sshll.u32 s6, $0x1;
	s3 =	sadd.s32 s4, s19  }
0x9c: {  	s7 =	simm.s32 $0x0;
	s20 =	sshll.u32 s5, $0x1;
	s5 =	sadd.s32 s21, s3  }
0x9d: {  	[timem:s7], [sflag:s22] =	dma.local [hbm:s5], s20  }
0x9e: {  	_ =	swait.ge [sflag:s22], s20  }
0x9f: {  	s4 =	ssub.s32 $0x0, s20;
	[sflag:s22] =	ssyncset.done $0x0  }
0xa0: {  	[sflag:s22] =	ssyncadd.s32 s4;
	_ =	sdelay $0x1  }
0xa1: {  	s23 =	simm.s32 $0x1B8B  }
0xa2: {  	_ =	swait.ge [sflag:s23], $0x1  }
0xa3: {  	[sflag:s23] =	ssyncset.done $0x0  }
0xa4: {  	s25 =	simm.s32 $0x1B8E;
	s24 =	sld [smem:$0x3FFE];
	[sflag:s23] =	ssyncadd.s32 $0xFFFFFFFF  }
0xa5: {  	s26 =	simm.s32 $execute0_lowered;
	[smem:$0x3FD2] =	sst s25  }
0xa6: {  	s5 =	sshll.u32 s26, $0x1;
	_ =	strace $0x80000046;
	[dreg:$0x1] =	wrdreg $0xFFFFFFFF  }
0xa7: {  	s28 =	simm.s32 $_size_execute0_lowered;
	s3 =	sadd.s32 s3, s5;
	[dreg:$0x0] =	wrdreg $0x0  }
0xa8: {  	s5 =	sshll.u32 s28, $0x1;
	[dreg:$0x2] =	wrdreg s3  }
0xa9: {  	[dreg:$0x3] =	wrdreg s5  }
0xaa: {  	[dreg:$0x4] =	wrdreg $0xC0  }
0xab: {  	_ =	task [dreg:s7], $0x5FFFF  }
0xac: {  	[dreg:$0x1] =	wrdreg $0xFFFFFFFF  }
0xad: {  	[dreg:$0x0] =	wrdreg $0x60  }
0xae: {  	[dreg:$0x2] =	wrdreg s24  }
0xaf: {  	[dreg:$0x3] =	wrdreg s2  }
0xb0: {  	[dreg:$0x4] =	wrdreg $0x0  }
0xb1: {  	[dreg:$0x5] =	wrdreg $0x9  }
0xb2: {  	_ =	task.clear_ibuf [dreg:s7], $0x6FFFF;
	_ =	strace $0x90000046  }
0xb3: {  	s29 =	simm.s32 $0x9;
	_ =	strace $0x80000048  }
0xb4: {  	_ =	swait.ge [sflag:s29], $0x1  }
0xb5: {  	[sflag:s29] =	ssyncadd.s32 $0xFFFFFFFF  }
0xb6: {  	_ =	strace $0x90000048  }
0xb7: {  	_ =	sfence  }
0xb8: {  	s30 =	sld [smem:$0x0];
	_ =	sdelay $0x2  }
0xb9: {  	s31 =	sshll.u32 s1, $0xD;
	s1 =	sshrl.u32 s1, $0x2  }
0xba: {  	s3 =	sand.u32 $0x4000, s31;
	s1 =	sadd.s32 s1, s30  }
0xbb: {  	s0 =	sor.u32 s3, s0;
	s1 =	sshll.u32 s1, $0x11  }
0xbc: {  	s0 =	sor.u32 s1, s0  }
0xbd: {  	s0 =	sadd.s32 $0x8F2B, s0  }
0xbe: {  	[sflag:s0] =	ssyncadd.remote.s32 $0x1  }
0xbf: {  	_ =	sfence.sel $0xFFFF  }
0xc0: {  	[dreg:$0x0] =	wrdreg $0xFFFFFFFF;
	(pc) =	sbr.abs _section_cstart, $3  }
0xc1: {  	[dreg:$0x1] =	wrdreg $0xFFFFFFFF  }
0xc2: {  	_ =	task.clear_ibuf [dreg:s7], $0x2FFFF;
	_ =	strace $0x9FFFFFFF  }
0xc3: {  	(tm) =	ssettm $0x7FFFFFFF  }
tec
execute0_lowered:
.L_overlay_start_1:
0x0: {  	(tag) =	ssettag $0x1  }
0x1: {  	s5 =	rddreg [dreg:$0x0]  }
0x2: {  	s6 =	rddreg [dreg:$0x1]  }
0x3: {  	s1 =	rddreg [dreg:$0x2]  }
0x4: {  	s0 =	rddreg [dreg:$0x3];
	s2 =	simm.s32 $0x0;
	s3 =	srdreg.scid  }
0x5: {  	s7 =	stileid.u32;
	s11 =	simm.s32 $0x8C00;
	s12 =	simm.s32 $0x400  }
0x6: {  	s13 =	simm.s32 $0x8E00;
	s14 =	simm.s32 $0x0;
	[smem:$0x7FF] =	sst s2  }
0x7: {  	s4 =	sand.u32 $0x1, s3;
	s8 =	sshll.u32 s7, $0x7;
	s3 =	sadd.s32 $0x1000, s5  }
0x8: {  	p0 =	sne.s32 s7, $0x0;
	s9 =	sshll.u32 s4, $0x6;
	s31 =	ssub.s32 $0x2, s4  }
0x9: {  	_ =	strace $0x80000047;
	s8 =	sor.u32 s9, s8;
	s10 =	sshrl.u32 s31, $0x1  }
0xa: {  	s4 =	sadd.s32 $0x2000, s5;
	s5 =	sadd.s32 s8, s5;
	s9 =	ssub.s32 s31, s10  }
0xb: {  	s6 =	sadd.s32 s6, s8;
	s8 =	sshrl.u32 @!p0 s1, $0x3;
	s10 =	simm.s32 $0x1  }
0xc: {  	s5 =	sadd.s32 $0x1800, s5;
	s7 =	smax.u32 s9, $0x1;
	s9 =	simm.s32 $0x4400  }
.LBB2_1:
0xd: {  	s15 =	simm.s32 @!p0 $0x1C01  }
0xe: {  	[spmem:s8], [sflag:s15] =	dma.local @!p0 [hbm:s3], $0x800  }
0xf: {  	s15 =	simm.s32 @!p0 $0x1  }
0x10: {  	_ =	swait.ge @!p0 [sflag:s15], $0x800  }
0x11: {  	[sflag:s15] =	ssyncset.done @!p0 $0x0  }
0x12: {  	[sflag:s15] =	ssyncadd.s32 @!p0 $0xFFFFF800  }
0x13: {  	[tilespmem:s9], [sflag:$0x1] =	stream.linear.gather [hbm4b:s4+s2], $0x4800, $0x38;
	[tilespmem:$0x9000] =	vst v63  }
0x14: {  	_ =	swait.ge [sflag:s10], $0x4800  }
0x15: {  	[sflag:s10] =	ssyncset.done $0x0  }
0x16: {  	[sflag:s10] =	ssyncadd.s32 $0xFFFFB800  }
0x17: {  	[tilespmem:s11], [sflag:$0x1] =	stream.linear.gather [hbm4b:s5+s2], $0x200, $0x38;
	[tilespmem:$0x9000] =	vst v63  }
0x18: {  	_ =	swait.ge [sflag:s10], $0x200  }
0x19: {  	[sflag:s10] =	ssyncset.done $0x0  }
0x1a: {  	[sflag:s10] =	ssyncadd.s32 $0xFFFFFE00  }
0x1b: {  	[bflag:$0x0] =	sbarrier.arrive $0xFFFF  }
0x1c: {  	[tilespmem:s12], [sflag:$0x1] =	stream.linear.gather [spmem:s1], $0x4000, $0x38;
	[tilespmem:$0x9000] =	vst v63  }
0x1d: {  	_ =	swait.ge [sflag:s10], $0x4000  }
0x1e: {  	s16 =	simm.s32 $0x8C40;
	[sflag:s10] =	ssyncset.done $0x0  }
0x1f: {  	s17 =	simm.s32 $0x8E40;
	s15 =	simm.s32 $0xFFFFFFF8;
	[sflag:s10] =	ssyncadd.s32 $0xFFFFC000  }
.LBB2_2:
0x20: {  	v0 =	vld [tilespmem:s16+$0xFFFFFFC0];
	_ =	sdelay $0x2  }
0x21: {  	v4 =	vld [tilespmem:s16+$0xFFFFFFD0];
	_ =	sdelay $0x1  }
0x22: {  	v1 =	vshra.s32 v0, $0x7  }
0x23: {  	v2 =	vshll.u32 v1, $0x3  }
0x24: {  	v34 =	vld [tilespmem:$0x4400];
	v1 =	vand.u32 $0x7F, v1;
	v2 =	vand.u32 $0xFFFFFC00, v2  }
0x25: {  	v11 =	vld [tilespmem:$0x8580];
	v5 =	vshra.s32 v4, $0x7;
	v3 =	vor.u32 v1, v2  }
0x26: {  	v10 =	vld [tilespmem:$0x4900];
	v45 =	vshll.u32 v5, $0x3  }
0x27: {  	v12 =	vld [tilespmem:$0x4980];
	v46 =	vand.u32 $0x7F, v5;
	v1 =	vand.u32 $0xFFFFFC00, v45  }
0x28: {  	v14 =	vld [tilespmem:$0x4A00];
	v2 =	vor.u32 v46, v1  }
0x29: {  	v17 =	vld [tilespmem:$0x4A80]  }
0x2a: {  	v0 =	vand.u32 $0x7F, v0;
	v7 =	vld.idx.msk [tilespmem:v3+s12+$0x0], $0xffff  }
0x2b: {  	v22 =	vld [tilespmem:$0x4B00];
	v1 =	vcvt.s32.f32 v0  }
0x2c: {  	v35 =	vld [tilespmem:$0x4480]  }
0x2d: {  	v48 =	vand.u32 $0x7F, v4;
	v50 =	vmul.f32 v1, v34;
	v8 =	vld.idx.msk [tilespmem:v2+s12+$0x0], $0xffff  }
0x2e: {  	v24 =	vld [tilespmem:$0x4B80];
	v0 =	vcvt.s32.f32 v48  }
0x2f: {  	v25 =	vld [tilespmem:$0x4C00];
	v6 =	vor.u32 $0x80, v3;
	v5 =	vadd.f32 v50, v7  }
0x30: {  	v27 =	vld [tilespmem:$0x4C80];
	v9 =	vmul.f32 v0, v34  }
0x31: {  	v36 =	vld [tilespmem:$0x8600];
	v5 =	vadd.f32 v5, v11  }
0x32: {  	v28 =	vld [tilespmem:$0x4D00];
	v47 =	vor.u32 $0x80, v2;
	v51 =	vadd.f32 v9, v8  }
0x33: {  	v29 =	vld [tilespmem:$0x4D80];
	v18 =	vmul.f32 v1, v35;
	v5 =	vmax.f32 v5, $0.0e+00  }
0x34: {  	v21 =	vmul.f32 v0, v35;
	v6 =	vld.idx.msk [tilespmem:v6+s12+$0x0], $0xffff;
	v7 =	vadd.f32 v51, v11;
	v52 =	vmul.f32 v5, v10  }
0x35: {  	v37 =	vld [tilespmem:$0x4E00];
	v54 =	vmul.f32 v5, v12;
	v56 =	vmul.f32 v14, v5  }
0x36: {  	v42 =	vld [tilespmem:$0x4E80];
	v7 =	vmax.f32 v7, $0.0e+00;
	v15 =	vmul.f32 v17, v5;
	v20 =	vmul.f32 v22, v5  }
0x37: {  	[tilespmem:$0x1F6D0] =	vst v14;
	v49 =	vld.idx.msk [tilespmem:v47+s12+$0x0], $0xffff;
	v23 =	vmul.f32 v24, v5;
	v53 =	vmul.f32 v7, v10  }
0x38: {  	v43 =	vld [tilespmem:$0x4F80];
	[tilespmem:$0x1F930] =	vst v17;
	v55 =	vmul.f32 v7, v12;
	v14 =	vmul.f32 v14, v7  }
0x39: {  	v44 =	vld [tilespmem:$0x5000];
	[tilespmem:$0x1F7A0] =	vst v22;
	v6 =	vadd.f32 v18, v6;
	v17 =	vmul.f32 v17, v7;
	v22 =	vmul.f32 v22, v7  }
0x3a: {  	[tilespmem:$0x1F6E0] =	vst v24;
	v46 =	vld [tilespmem:$0x4F00];
	v18 =	vmul.f32 v24, v7;
	v24 =	vmul.f32 v25, v5  }
0x3b: {  	v39 =	vld [tilespmem:$0x5080];
	[tilespmem:$0x1F7B0] =	vst v25;
	v6 =	vadd.f32 v6, v36;
	v57 =	vmul.f32 v25, v7;
	v25 =	vmul.f32 v27, v5  }
0x3c: {  	v41 =	vld [tilespmem:$0x5100];
	[tilespmem:$0x1F970] =	vst v27;
	v4 =	vadd.f32 v21, v49;
	v26 =	vmul.f32 v27, v7;
	v27 =	vmul.f32 v28, v5  }
0x3d: {  	[tilespmem:$0x1F7C0] =	vst v28;
	v6 =	vmax.f32 v6, $0.0e+00;
	v28 =	vmul.f32 v28, v7;
	v5 =	vmul.f32 v29, v5  }
0x3e: {  	v13 =	vor.u32 $0x100, v3;
	v7 =	vmul.f32 v29, v7;
	v58 =	vmul.f32 v6, v37  }
0x3f: {  	v4 =	vadd.f32 v4, v36;
	v32 =	vmul.f32 v6, v42;
	v33 =	vmul.f32 v46, v6  }
0x40: {  	v19 =	vor.u32 $0x100, v2;
	v61 =	vmul.f32 v43, v6;
	v63 =	vmul.f32 v44, v6  }
0x41: {  	v38 =	vld [tilespmem:$0x4500];
	[tilespmem:$0x1F900] =	vst v10;
	v4 =	vmax.f32 v4, $0.0e+00;
	v45 =	vmul.f32 v39, v6;
	v50 =	vmul.f32 v41, v6  }
0x42: {  	v40 =	vld [tilespmem:$0x5180];
	[tilespmem:$0x1F780] =	vst v12;
	v16 =	vor.u32 $0x180, v3;
	v31 =	vmul.f32 v4, v37;
	v59 =	vmul.f32 v4, v42  }
0x43: {  	[tilespmem:$0x1F950] =	vst v44;
	v48 =	vld [tilespmem:$0x5200];
	v30 =	vor.u32 $0x180, v2;
	v60 =	vmul.f32 v46, v4;
	v62 =	vmul.f32 v43, v4  }
0x44: {  	v13 =	vld.idx.msk [tilespmem:v13+s12+$0x0], $0xffff;
	v44 =	vmul.f32 v44, v4;
	v8 =	vadd.f32 v58, v52;
	v10 =	vadd.f32 v32, v54  }
0x45: {  	v19 =	vld.idx.msk [tilespmem:v19+s12+$0x0], $0xffff;
	v47 =	vmul.f32 v39, v4;
	v12 =	vadd.f32 v33, v56;
	v15 =	vadd.f32 v61, v15  }
0x46: {  	v51 =	vmul.f32 v41, v4;
	v20 =	vadd.f32 v63, v20;
	v23 =	vadd.f32 v45, v23;
	v52 =	vld [tilespmem:$0x5280]  }
0x47: {  	[tilespmem:$0x1F8E0] =	vst v11;
	v9 =	vadd.f32 v31, v53;
	v11 =	vadd.f32 v59, v55;
	v55 =	vld [tilespmem:$0x8680];
	v53 =	vmul.f32 v1, v38  }
0x48: {  	v24 =	vadd.f32 v50, v24;
	v54 =	vmul.f32 v40, v6;
	v58 =	vld [tilespmem:$0x5300];
	v14 =	vadd.f32 v60, v14  }
0x49: {  	v56 =	vmul.f32 v0, v38;
	v17 =	vadd.f32 v62, v17;
	v13 =	vadd.f32 v53, v13;
	v53 =	vld [tilespmem:$0x4580]  }
0x4a: {  	v61 =	vmul.f32 v48, v4;
	v63 =	vld [tilespmem:$0x5480];
	v22 =	vadd.f32 v44, v22;
	v18 =	vadd.f32 v47, v18  }
0x4b: {  	v21 =	vadd.f32 v51, v57;
	v57 =	vmul.f32 v40, v4;
	v60 =	vld [tilespmem:$0x5380];
	v19 =	vadd.f32 v56, v19  }
0x4c: {  	v59 =	vmul.f32 v48, v6;
	v62 =	vld [tilespmem:$0x5400];
	v6 =	vmul.f32 v52, v6;
	v13 =	vadd.f32 v13, v55  }
0x4d: {  	v16 =	vld.idx.msk [tilespmem:v16+s12+$0x0], $0xffff;
	v25 =	vadd.f32 v54, v25;
	v4 =	vmul.f32 v52, v4;
	v19 =	vadd.f32 v19, v55  }
0x4e: {  	v47 =	vld [tilespmem:$0x5500];
	v5 =	vadd.f32 v6, v5;
	v13 =	vmax.f32 v13, $0.0e+00;
	v51 =	vmul.f32 v1, v53  }
0x4f: {  	[tilespmem:$0x1F9A0] =	vst v52;
	v44 =	vmovc v58;
	v6 =	vmax.f32 v19, $0.0e+00;
	v52 =	vmul.f32 v0, v53;
	v45 =	vmul.f32 v13, v58  }
0x50: {  	v26 =	vadd.f32 v57, v26;
	v57 =	vld [tilespmem:$0x5580];
	[tilespmem:$0x1F710] =	vst v58;
	v54 =	vmul.f32 v6, v44;
	v56 =	vmul.f32 v13, v60  }
0x51: {  	v27 =	vadd.f32 v59, v27;
	[tilespmem:$0x1F9C0] =	vst v63;
	v58 =	vmul.f32 v6, v60;
	v59 =	vmul.f32 v62, v13  }
0x52: {  	v49 =	vld [tilespmem:$0x5600];
	v28 =	vadd.f32 v61, v28;
	[tilespmem:$0x1F9B0] =	vst v60;
	v60 =	vmul.f32 v62, v6;
	v61 =	vmul.f32 v63, v13  }
0x53: {  	[tilespmem:$0x1F7F0] =	vst v62;
	v4 =	vadd.f32 v4, v7;
	v62 =	vmul.f32 v63, v6;
	v63 =	vmul.f32 v47, v13  }
0x54: {  	[tilespmem:$0x1F960] =	vst v39;
	v32 =	vld [tilespmem:$0x5680];
	v33 =	vmul.f32 v47, v6;
	v16 =	vadd.f32 v51, v16;
	v8 =	vadd.f32 v45, v8  }
0x55: {  	[tilespmem:$0x1F700] =	vst v38;
	v50 =	vld [tilespmem:$0x5780];
	v38 =	vmul.f32 v57, v13;
	v7 =	vadd.f32 v54, v9;
	v9 =	vadd.f32 v56, v10  }
0x56: {  	v19 =	vld.idx.msk [tilespmem:v30+s12+$0x0], $0xffff;
	v39 =	vmul.f32 v57, v6;
	v11 =	vadd.f32 v58, v11;
	v12 =	vadd.f32 v59, v12  }
0x57: {  	[tilespmem:$0x1F980] =	vst v40;
	v40 =	vmul.f32 v49, v13;
	v10 =	vadd.f32 v60, v14;
	v15 =	vadd.f32 v61, v15;
	v45 =	vld [tilespmem:$0x5700]  }
0x58: {  	[tilespmem:$0x1F6F0] =	vst v41;
	v41 =	vmul.f32 v49, v6;
	v14 =	vadd.f32 v62, v17;
	v17 =	vadd.f32 v63, v20;
	v63 =	vld [tilespmem:$0x8700]  }
0x59: {  	v44 =	vmul.f32 v32, v13;
	v22 =	vadd.f32 v33, v22;
	v23 =	vadd.f32 v38, v23  }
0x5a: {  	[tilespmem:$0x1F9D0] =	vst v47;
	v47 =	vmul.f32 v32, v6;
	v51 =	vld [tilespmem:$0x5900];
	v18 =	vadd.f32 v39, v18;
	v24 =	vadd.f32 v40, v24  }
0x5b: {  	v20 =	vadd.f32 v41, v21;
	v21 =	vadd.f32 v44, v25;
	v56 =	vld [tilespmem:$0x5800]  }
0x5c: {  	v26 =	vadd.f32 v47, v26;
	v59 =	vld [tilespmem:$0x5880];
	v44 =	vor.u32 $0x200, v3;
	v19 =	vadd.f32 v52, v19  }
0x5d: {  	v52 =	vld [tilespmem:$0x5980];
	v58 =	vmul.f32 v45, v13;
	v13 =	vmul.f32 v50, v13;
	v16 =	vadd.f32 v16, v63  }
0x5e: {  	v47 =	vmul.f32 v45, v6;
	v6 =	vmul.f32 v50, v6;
	v19 =	vadd.f32 v19, v63  }
0x5f: {  	v60 =	vld [tilespmem:$0x5A00];
	v25 =	vadd.f32 v58, v27;
	v5 =	vadd.f32 v13, v5;
	v13 =	vmax.f32 v16, $0.0e+00  }
0x60: {  	v40 =	vld [tilespmem:$0x5B00];
	v4 =	vadd.f32 v6, v4;
	v6 =	vmax.f32 v19, $0.0e+00;
	v16 =	vmul.f32 v13, v56  }
0x61: {  	[tilespmem:$0x1F9E0] =	vst v57;
	v27 =	vadd.f32 v47, v28;
	v54 =	vmul.f32 v6, v56;
	v57 =	vmul.f32 v13, v59  }
0x62: {  	v38 =	vld [tilespmem:$0x5A80];
	[tilespmem:$0x1FA70] =	vst v59;
	v19 =	vor.u32 $0x200, v2;
	v62 =	vmovc v52;
	v58 =	vmul.f32 v6, v59;
	v59 =	vmul.f32 v51, v13  }
0x63: {  	v61 =	vmul.f32 v51, v6;
	v33 =	vmul.f32 v52, v13;
	v8 =	vadd.f32 v16, v8;
	v16 =	vld.idx.msk [tilespmem:v44+s12+$0x0], $0xffff  }
0x64: {  	[tilespmem:$0x1FA80] =	vst v51;
	v47 =	vmul.f32 v62, v6;
	v51 =	vmul.f32 v60, v13;
	v7 =	vadd.f32 v54, v7;
	v44 =	vld [tilespmem:$0x5B80]  }
0x65: {  	v62 =	vmul.f32 v40, v6;
	v9 =	vadd.f32 v57, v9;
	v11 =	vadd.f32 v58, v11;
	v54 =	vld [tilespmem:$0x4600]  }
0x66: {  	v12 =	vadd.f32 v59, v12;
	v15 =	vadd.f32 v33, v15;
	v57 =	vmul.f32 v60, v6;
	v33 =	vld [tilespmem:$0x5C00]  }
0x67: {  	[tilespmem:$0x1FAB0] =	vst v38;
	v10 =	vadd.f32 v61, v10;
	v58 =	vmul.f32 v38, v13;
	v59 =	vmul.f32 v38, v6;
	v38 =	vld [tilespmem:$0x5C80]  }
0x68: {  	v14 =	vadd.f32 v47, v14;
	v17 =	vadd.f32 v51, v17;
	v61 =	vmul.f32 v40, v13;
	v19 =	vld.idx.msk [tilespmem:v19+s12+$0x0], $0xffff  }
0x69: {  	[tilespmem:$0x1FAC0] =	vst v40;
	v20 =	vadd.f32 v62, v20;
	v23 =	vadd.f32 v58, v23;
	v58 =	vld [tilespmem:$0x8780];
	v40 =	vmul.f32 v44, v13  }
0x6a: {  	v22 =	vadd.f32 v57, v22;
	[tilespmem:$0x1FAD0] =	vst v44;
	v41 =	vmul.f32 v44, v6;
	v44 =	vmul.f32 v1, v54  }
0x6b: {  	v51 =	vld [tilespmem:$0x5D00];
	v18 =	vadd.f32 v59, v18;
	v24 =	vadd.f32 v61, v24;
	v47 =	vmul.f32 v0, v54  }
0x6c: {  	[tilespmem:$0x1FA90] =	vst v52;
	v57 =	vld [tilespmem:$0x5D80];
	v59 =	vor.u32 $0x280, v3;
	v52 =	vmul.f32 v33, v13;
	v16 =	vadd.f32 v44, v16  }
0x6d: {  	v62 =	vld [tilespmem:$0x5E00];
	v13 =	vmul.f32 v38, v13;
	v21 =	vadd.f32 v40, v21;
	v19 =	vadd.f32 v47, v19  }
0x6e: {  	[tilespmem:$0x1FB00] =	vst v33;
	v26 =	vadd.f32 v41, v26;
	v41 =	vmul.f32 v33, v6;
	v33 =	vld [tilespmem:$0x5E80];
	v16 =	vadd.f32 v16, v58  }
0x6f: {  	[tilespmem:$0x1FB20] =	vst v38;
	v25 =	vadd.f32 v52, v25;
	v6 =	vmul.f32 v38, v6;
	v38 =	vld [tilespmem:$0x5F00];
	v19 =	vadd.f32 v19, v58  }
0x70: {  	v5 =	vadd.f32 v13, v5;
	v27 =	vadd.f32 v41, v27;
	v13 =	vmax.f32 v16, $0.0e+00  }
0x71: {  	v39 =	vld [tilespmem:$0x5F80];
	v4 =	vadd.f32 v6, v4;
	v47 =	vmovc v57;
	v6 =	vmax.f32 v19, $0.0e+00;
	v16 =	vmul.f32 v13, v51  }
0x72: {  	[tilespmem:$0x1FB30] =	vst v51;
	v40 =	vld [tilespmem:$0x6000];
	v19 =	vor.u32 $0x280, v2;
	v44 =	vmul.f32 v6, v51;
	v51 =	vmul.f32 v13, v57  }
0x73: {  	[tilespmem:$0x1FB40] =	vst v57;
	v41 =	vld [tilespmem:$0x6080];
	v52 =	vmul.f32 v6, v47;
	v57 =	vmul.f32 v62, v13;
	v8 =	vadd.f32 v16, v8  }
0x74: {  	v61 =	vmul.f32 v33, v13;
	v47 =	vmovc v38;
	v7 =	vadd.f32 v44, v7;
	v9 =	vadd.f32 v51, v9  }
0x75: {  	v16 =	vld.idx.msk [tilespmem:v59+s12+$0x0], $0xffff;
	v59 =	vmul.f32 v62, v6;
	v11 =	vadd.f32 v52, v11;
	v44 =	vmul.f32 v33, v6  }
0x76: {  	[tilespmem:$0x1FB70] =	vst v38;
	v12 =	vadd.f32 v57, v12;
	v51 =	vmul.f32 v38, v13;
	v38 =	vld [tilespmem:$0x4680];
	v52 =	vmul.f32 v47, v6  }
0x77: {  	[tilespmem:$0x1FB60] =	vst v33;
	v15 =	vadd.f32 v61, v15;
	v57 =	vmul.f32 v39, v13;
	v33 =	vld [tilespmem:$0x6100];
	v61 =	vmul.f32 v40, v13  }
0x78: {  	v47 =	vmul.f32 v41, v13;
	v10 =	vadd.f32 v59, v10;
	v19 =	vld.idx.msk [tilespmem:v19+s12+$0x0], $0xffff;
	v14 =	vadd.f32 v44, v14  }
0x79: {  	[tilespmem:$0x1FB80] =	vst v39;
	v17 =	vadd.f32 v51, v17;
	v59 =	vmul.f32 v39, v6;
	v22 =	vadd.f32 v52, v22;
	v39 =	vld [tilespmem:$0x6180]  }
0x7a: {  	[tilespmem:$0x1FB90] =	vst v40;
	v23 =	vadd.f32 v57, v23;
	v44 =	vmul.f32 v40, v6;
	v40 =	vld [tilespmem:$0x8800];
	v24 =	vadd.f32 v61, v24  }
0x7b: {  	v51 =	vmul.f32 v41, v6;
	v21 =	vadd.f32 v47, v21;
	v52 =	vmul.f32 v1, v38  }
0x7c: {  	v18 =	vadd.f32 v59, v18;
	v20 =	vadd.f32 v44, v20;
	v57 =	vmul.f32 v0, v38  }
0x7d: {  	[tilespmem:$0x1FBA0] =	vst v41;
	v26 =	vadd.f32 v51, v26;
	v59 =	vld [tilespmem:$0x6200];
	v16 =	vadd.f32 v52, v16  }
0x7e: {  	v51 =	vld [tilespmem:$0x6280];
	[tilespmem:$0x1FBB0] =	vst v38;
	v61 =	vmov v33;
	v44 =	vmul.f32 v33, v13;
	v19 =	vadd.f32 v57, v19  }
0x7f: {  	v30 =	vmul.f32 v61, v6;
	v47 =	vmovc v39;
	v13 =	vmul.f32 v39, v13;
	v57 =	vld [tilespmem:$0x6300];
	v16 =	vadd.f32 v16, v40  }
0x80: {  	v41 =	vld [tilespmem:$0x6400];
	[tilespmem:$0x1FBD0] =	vst v40;
	v52 =	vor.u32 $0x300, v3;
	v6 =	vmul.f32 v47, v6;
	v19 =	vadd.f32 v19, v40  }
0x81: {  	[tilespmem:$0x1FBE0] =	vst v39;
	v25 =	vadd.f32 v44, v25;
	v5 =	vadd.f32 v13, v5;
	v13 =	vmax.f32 v16, $0.0e+00  }
0x82: {  	v40 =	vld [tilespmem:$0x6380];
	[tilespmem:$0x1FBF0] =	vst v59;
	v4 =	vadd.f32 v6, v4;
	v6 =	vmax.f32 v19, $0.0e+00;
	v16 =	vmul.f32 v13, v59  }
0x83: {  	v38 =	vld [tilespmem:$0x6480];
	v27 =	vadd.f32 v30, v27;
	[tilespmem:$0x1FC00] =	vst v51;
	v59 =	vmul.f32 v6, v59;
	v61 =	vmul.f32 v13, v51  }
0x84: {  	v39 =	vmul.f32 v6, v51;
	v51 =	vmov v57;
	[tilespmem:$0x1FC10] =	vst v57;
	v31 =	vmul.f32 v57, v13;
	v57 =	vld [tilespmem:$0x6500]  }
0x85: {  	[tilespmem:$0x1FBC0] =	vst v33;
	v19 =	vor.u32 $0x300, v2;
	v33 =	vmul.f32 v41, v13;
	v8 =	vadd.f32 v16, v8;
	v16 =	vld.idx.msk [tilespmem:v52+s12+$0x0], $0xffff  }
0x86: {  	[tilespmem:$0x1FC30] =	vst v41;
	v41 =	vmul.f32 v41, v6;
	v7 =	vadd.f32 v59, v7;
	v11 =	vadd.f32 v39, v11;
	v39 =	vld [tilespmem:$0x6580]  }
0x87: {  	v9 =	vadd.f32 v61, v9;
	[tilespmem:$0x1FC20] =	vst v40;
	v59 =	vmul.f32 v40, v13;
	v61 =	vmul.f32 v40, v6;
	v40 =	vld [tilespmem:$0x4700]  }
0x88: {  	v47 =	vmul.f32 v38, v13;
	v52 =	vmul.f32 v51, v6;
	v17 =	vadd.f32 v33, v17;
	v33 =	vld [tilespmem:$0x6600]  }
0x89: {  	[tilespmem:$0x1FC50] =	vst v38;
	v12 =	vadd.f32 v31, v12;
	v51 =	vmul.f32 v38, v6;
	v22 =	vadd.f32 v41, v22;
	v38 =	vld [tilespmem:$0x6680]  }
0x8a: {  	v23 =	vadd.f32 v47, v23;
	v10 =	vadd.f32 v52, v10;
	v19 =	vld.idx.msk [tilespmem:v19+s12+$0x0], $0xffff  }
0x8b: {  	v15 =	vadd.f32 v59, v15;
	[tilespmem:$0x1FC60] =	vst v57;
	v52 =	vmul.f32 v57, v13;
	v57 =	vmul.f32 v57, v6  }
0x8c: {  	v41 =	vld [tilespmem:$0x8880];
	v14 =	vadd.f32 v61, v14;
	v59 =	vmul.f32 v39, v13;
	v61 =	vmul.f32 v39, v6  }
0x8d: {  	v47 =	vld [tilespmem:$0x6700];
	v18 =	vadd.f32 v51, v18;
	[tilespmem:$0x1FC70] =	vst v39;
	v39 =	vmul.f32 v1, v40;
	v44 =	vmul.f32 v0, v40  }
0x8e: {  	v24 =	vadd.f32 v52, v24;
	v20 =	vadd.f32 v57, v20;
	v51 =	vmul.f32 v33, v13;
	v52 =	vld [tilespmem:$0x6780]  }
0x8f: {  	[tilespmem:$0x1FC80] =	vst v40;
	v13 =	vmul.f32 v38, v13;
	v40 =	vld [tilespmem:$0x6900];
	v16 =	vadd.f32 v39, v16;
	v19 =	vadd.f32 v44, v19  }
0x90: {  	[tilespmem:$0x1FCB0] =	vst v38;
	v21 =	vadd.f32 v59, v21;
	v26 =	vadd.f32 v61, v26;
	v59 =	vmul.f32 v33, v6;
	v61 =	vld [tilespmem:$0x6800]  }
0x91: {  	[tilespmem:$0x1FCA0] =	vst v41;
	v6 =	vmul.f32 v38, v6;
	v38 =	vld [tilespmem:$0x6880];
	v16 =	vadd.f32 v16, v41;
	v19 =	vadd.f32 v19, v41  }
0x92: {  	[tilespmem:$0x1FC90] =	vst v33;
	v57 =	vor.u32 $0x380, v3;
	v25 =	vadd.f32 v51, v25;
	v5 =	vadd.f32 v13, v5  }
0x93: {  	[tilespmem:$0x1FCC0] =	vst v47;
	v4 =	vadd.f32 v6, v4;
	v13 =	vmax.f32 v16, $0.0e+00;
	v6 =	vmax.f32 v19, $0.0e+00  }
0x94: {  	v39 =	vld [tilespmem:$0x6980];
	v27 =	vadd.f32 v59, v27;
	[tilespmem:$0x1FCD0] =	vst v52;
	v16 =	vmul.f32 v13, v47;
	v44 =	vmul.f32 v6, v47  }
0x95: {  	v41 =	vld [tilespmem:$0x6A00];
	[tilespmem:$0x1FD00] =	vst v40;
	v47 =	vmov v52;
	v51 =	vmul.f32 v13, v52;
	v59 =	vmul.f32 v61, v6  }
0x96: {  	v19 =	vor.u32 $0x380, v2;
	[tilespmem:$0x1FCE0] =	vst v61;
	v33 =	vmul.f32 v38, v13;
	v52 =	vmul.f32 v6, v47  }
0x97: {  	v8 =	vadd.f32 v16, v8;
	v16 =	vld.idx.msk [tilespmem:v57+s12+$0x0], $0xffff;
	v57 =	vmul.f32 v61, v13;
	v7 =	vadd.f32 v44, v7  }
0x98: {  	[tilespmem:$0x1FCF0] =	vst v38;
	v9 =	vadd.f32 v51, v9;
	v10 =	vadd.f32 v59, v10;
	v51 =	vmul.f32 v40, v13  }
0x99: {  	v61 =	vmovc v38;
	v38 =	vld [tilespmem:$0x6A80];
	v15 =	vadd.f32 v33, v15;
	v59 =	vmul.f32 v39, v6;
	v11 =	vadd.f32 v52, v11  }
0x9a: {  	v44 =	vmul.f32 v61, v6;
	v47 =	vmovc v40;
	v40 =	vld [tilespmem:$0x4780];
	v61 =	vmul.f32 v41, v13;
	v12 =	vadd.f32 v57, v12  }
0x9b: {  	[tilespmem:$0x1FD10] =	vst v39;
	v52 =	vmul.f32 v47, v6;
	v57 =	vmul.f32 v39, v13;
	v17 =	vadd.f32 v51, v17;
	v39 =	vld [tilespmem:$0x6B00]  }
0x9c: {  	v33 =	vld [tilespmem:$0x6B80];
	v18 =	vadd.f32 v59, v18;
	v14 =	vadd.f32 v44, v14  }
0x9d: {  	v19 =	vld.idx.msk [tilespmem:v19+s12+$0x0], $0xffff;
	v44 =	vmul.f32 v41, v6;
	v24 =	vadd.f32 v61, v24;
	v22 =	vadd.f32 v52, v22  }
0x9e: {  	[tilespmem:$0x1FD20] =	vst v41;
	v41 =	vld [tilespmem:$0x8900];
	v23 =	vadd.f32 v57, v23;
	v47 =	vmul.f32 v38, v13;
	v51 =	vmul.f32 v38, v6  }
0x9f: {  	[tilespmem:$0x1F7D0] =	vst v29;
	v20 =	vadd.f32 v44, v20;
	v52 =	vmul.f32 v1, v40;
	v57 =	vmul.f32 v0, v40  }
0xa0: {  	[tilespmem:$0x1F720] =	vst v38;
	v44 =	vld [tilespmem:$0x6C80];
	v21 =	vadd.f32 v47, v21;
	v29 =	vadd.f32 v51, v26;
	v59 =	vmul.f32 v39, v13  }
0xa1: {  	[tilespmem:$0x1FD30] =	vst v40;
	v40 =	vld [tilespmem:$0x6C00];
	v47 =	vadd.s32 $0x2000, v3;
	v3 =	vadd.s32 $0x2080, v3;
	v16 =	vadd.f32 v52, v16  }
0xa2: {  	v61 =	vmovc v33;
	v38 =	vld [tilespmem:$0x6F80];
	v13 =	vmul.f32 v33, v13;
	v51 =	vmul.f32 v39, v6;
	v19 =	vadd.f32 v57, v19  }
0xa3: {  	[tilespmem:$0x1F730] =	vst v33;
	v6 =	vmul.f32 v61, v6;
	v33 =	vld [tilespmem:$0x6E80];
	v25 =	vadd.f32 v59, v25;
	v16 =	vadd.f32 v16, v41  }
0xa4: {  	v52 =	vld [tilespmem:$0x6D00];
	v27 =	vadd.f32 v51, v27;
	v19 =	vadd.f32 v19, v41  }
0xa5: {  	[tilespmem:$0x1FD50] =	vst v41;
	v57 =	vld [tilespmem:$0x6D80];
	v5 =	vadd.f32 v13, v5;
	v4 =	vadd.f32 v6, v4;
	v13 =	vmax.f32 v16, $0.0e+00  }
0xa6: {  	[tilespmem:$0x1FD70] =	vst v44;
	v6 =	vmax.f32 v19, $0.0e+00;
	v19 =	vadd.s32 $0x2000, v2;
	v3 =	vld.idx.msk [tilespmem:v3+s12+$0x0], $0xffff;
	v16 =	vmul.f32 v13, v40  }
0xa7: {  	v61 =	vmovc v44;
	v59 =	vmov v40;
	[tilespmem:$0x1FD60] =	vst v40;
	v2 =	vadd.s32 $0x2080, v2;
	v40 =	vld [tilespmem:$0x6E00];
	v41 =	vmul.f32 v13, v44  }
0xa8: {  	v26 =	vmul.f32 v6, v59;
	v44 =	vmul.f32 v6, v61;
	v8 =	vadd.f32 v16, v8;
	v16 =	vld.idx.msk [tilespmem:v47+s12+$0x0], $0xffff  }
0xa9: {  	[tilespmem:$0x1FD80] =	vst v52;
	v51 =	vmul.f32 v52, v6;
	v47 =	vmul.f32 v52, v13;
	v9 =	vadd.f32 v41, v9;
	v41 =	vld [tilespmem:$0x6F00]  }
0xaa: {  	[tilespmem:$0x1FD90] =	vst v57;
	v7 =	vadd.f32 v26, v7;
	v11 =	vadd.f32 v44, v11;
	v52 =	vmul.f32 v57, v13;
	v26 =	vld [tilespmem:$0x7100]  }
0xab: {  	v10 =	vadd.f32 v51, v10;
	v57 =	vmul.f32 v57, v6;
	v51 =	vmul.f32 v33, v6;
	v19 =	vld.idx.msk [tilespmem:v19+s12+$0x0], $0xffff  }
0xac: {  	[tilespmem:$0x1FDC0] =	vst v38;
	v12 =	vadd.f32 v47, v12;
	v15 =	vadd.f32 v52, v15;
	v47 =	vmul.f32 v33, v13;
	v52 =	vld [tilespmem:$0x7000]  }
0xad: {  	v14 =	vadd.f32 v57, v14;
	v59 =	vmov v40;
	[tilespmem:$0x1F800] =	vst v40;
	v61 =	vmul.f32 v40, v13;
	v40 =	vld [tilespmem:$0x4800]  }
0xae: {  	[tilespmem:$0x1F740] =	vst v33;
	v18 =	vadd.f32 v51, v18;
	v51 =	vld [tilespmem:$0x8980];
	v44 =	vmul.f32 v59, v6;
	v30 =	vadd.f32 v47, v23  }
0xaf: {  	v23 =	vld [tilespmem:$0x4880];
	v17 =	vadd.f32 v61, v17;
	v57 =	vmovc v41;
	v59 =	vmul.f32 v41, v13;
	v61 =	vmul.f32 v38, v13  }
0xb0: {  	[tilespmem:$0x1FDA0] =	vst v41;
	v41 =	vld [tilespmem:$0x7080];
	v22 =	vadd.f32 v44, v22;
	v28 =	vmul.f32 v57, v6;
	v57 =	vmul.f32 v38, v6  }
0xb1: {  	v2 =	vld.idx.msk [tilespmem:v2+s12+$0x0], $0xffff;
	v33 =	vadd.f32 v59, v24;
	v21 =	vadd.f32 v61, v21;
	v38 =	vmul.f32 v52, v13  }
0xb2: {  	[tilespmem:$0x1F820] =	vst v52;
	v59 =	vmul.f32 v1, v40;
	v20 =	vadd.f32 v28, v20;
	v61 =	vmul.f32 v0, v40  }
0xb3: {  	v47 =	vld [tilespmem:$0x7180];
	v52 =	vmul.f32 v52, v6;
	[tilespmem:$0x1F810] =	vst v40;
	v40 =	vadd.f32 v57, v29;
	v38 =	vadd.f32 v38, v25  }
0xb4: {  	v57 =	vld [tilespmem:$0x7200];
	v16 =	vadd.f32 v59, v16;
	v19 =	vadd.f32 v61, v19  }
0xb5: {  	[tilespmem:$0x1FD40] =	vst v39;
	v39 =	vadd.f32 v52, v27;
	v27 =	vld [tilespmem:$0x8A00];
	v1 =	vmul.f32 v1, v23;
	v13 =	vmul.f32 v41, v13  }
0xb6: {  	[tilespmem:$0x1FDE0] =	vst v26;
	v6 =	vmul.f32 v41, v6;
	v59 =	vld [tilespmem:$0x7280];
	v16 =	vadd.f32 v16, v51;
	v19 =	vadd.f32 v19, v51  }
0xb7: {  	[tilespmem:$0x1F830] =	vst v51;
	v24 =	vld [tilespmem:$0x7300];
	v0 =	vmul.f32 v0, v23;
	v1 =	vadd.f32 v1, v3;
	v61 =	vadd.f32 v13, v5  }
0xb8: {  	[tilespmem:$0x1FDF0] =	vst v47;
	v51 =	vadd.f32 v6, v4;
	v13 =	vmax.f32 v16, $0.0e+00;
	v6 =	vmax.f32 v19, $0.0e+00  }
0xb9: {  	[tilespmem:$0x1FDD0] =	vst v41;
	v0 =	vadd.f32 v0, v2;
	v16 =	vmul.f32 v13, v26;
	v19 =	vmul.f32 v6, v26  }
0xba: {  	v5 =	vld [tilespmem:$0x7380];
	v44 =	vmov v57;
	[tilespmem:$0x1FE00] =	vst v57;
	v26 =	vmul.f32 v13, v47;
	v41 =	vmul.f32 v6, v47  }
0xbb: {  	v1 =	vadd.f32 v1, v27;
	v28 =	vmul.f32 v57, v13;
	v47 =	vmul.f32 v44, v6;
	[tilespmem:$0x1FE10] =	vst v59  }
0xbc: {  	v4 =	vld [tilespmem:$0x7500];
	v52 =	vmul.f32 v59, v13;
	v57 =	vmul.f32 v59, v6;
	v59 =	vmovc v24;
	v8 =	vadd.f32 v16, v8  }
0xbd: {  	v29 =	vmul.f32 v59, v6;
	v7 =	vadd.f32 v19, v7;
	v9 =	vadd.f32 v26, v9;
	v26 =	vld [tilespmem:$0x7400]  }
0xbe: {  	[tilespmem:$0x1FE20] =	vst v24;
	v11 =	vadd.f32 v41, v11;
	v41 =	vadd.f32 v28, v12;
	v28 =	vmul.f32 v24, v13;
	v24 =	vld [tilespmem:$0x7480]  }
0xbf: {  	v10 =	vadd.f32 v47, v10;
	v44 =	vadd.f32 v52, v15;
	v31 =	vmul.f32 v5, v13  }
0xc0: {  	v47 =	vadd.f32 v57, v14;
	v19 =	vmul.f32 v5, v6;
	v57 =	vadd.f32 v29, v22  }
0xc1: {  	[tilespmem:$0x1FE50] =	vst v23;
	v23 =	vmul.f32 v4, v13;
	v52 =	vadd.f32 v28, v17;
	v30 =	vadd.f32 v31, v30  }
0xc2: {  	v59 =	vadd.f32 v19, v18;
	v17 =	vld [tilespmem:$0x7580];
	v25 =	vmul.f32 v26, v13;
	v29 =	vmul.f32 v26, v6  }
0xc3: {  	v14 =	vld [tilespmem:$0x7600];
	[tilespmem:$0x1FE60] =	vst v24;
	v31 =	vmul.f32 v24, v13;
	v22 =	vmul.f32 v24, v6;
	v24 =	vmov v27  }
0xc4: {  	v16 =	vld [tilespmem:$0x7680];
	v15 =	vadd.f32 v23, v38;
	v0 =	vadd.f32 v0, v24  }
0xc5: {  	[tilespmem:$0x1FE70] =	vst v27;
	v33 =	vadd.f32 v25, v33;
	v20 =	vadd.f32 v29, v20  }
0xc6: {  	[tilespmem:$0x1FE40] =	vst v26;
	v26 =	vld [tilespmem:$0x7700];
	v31 =	vadd.f32 v31, v21;
	v3 =	vadd.f32 v22, v40  }
0xc7: {  	[tilespmem:$0x1F750] =	vst v4;
	v27 =	vld [tilespmem:$0x7780];
	v25 =	vmul.f32 v4, v6;
	v13 =	vmul.f32 v17, v13;
	v4 =	vmax.f32 v1, $0.0e+00  }
0xc8: {  	v6 =	vmul.f32 v17, v6;
	v1 =	vmax.f32 v0, $0.0e+00;
	v28 =	vmul.f32 v4, v14  }
0xc9: {  	v29 =	vld [tilespmem:$0x7800];
	v40 =	vmul.f32 v4, v16;
	v38 =	vadd.f32 v25, v39;
	v18 =	vadd.f32 v13, v61  }
0xca: {  	v22 =	vld [tilespmem:$0x7B00];
	v39 =	vmul.f32 v1, v14;
	v19 =	vadd.f32 v6, v51;
	v61 =	vmul.f32 v1, v16  }
0xcb: {  	v21 =	vld [tilespmem:$0x7A00];
	v0 =	vadd.f32 v28, v8;
	v9 =	vadd.f32 v40, v9;
	v2 =	vmul.f32 v26, v4  }
0xcc: {  	[tilespmem:$0x1FE30] =	vst v5;
	v51 =	vld [tilespmem:$0x7880];
	v6 =	vmul.f32 v26, v1;
	v24 =	vmul.f32 v27, v4;
	v7 =	vadd.f32 v39, v7  }
0xcd: {  	[tilespmem:$0x1FEB0] =	vst v26;
	v40 =	vld [tilespmem:$0x7900];
	v25 =	vmul.f32 v27, v1;
	v8 =	vadd.f32 v61, v11;
	v12 =	vadd.f32 v2, v41  }
0xce: {  	[tilespmem:$0x1FEC0] =	vst v27;
	v27 =	vld [tilespmem:$0x7980];
	v26 =	vmul.f32 v29, v4;
	v10 =	vadd.f32 v6, v10;
	v11 =	vadd.f32 v24, v44  }
0xcf: {  	[tilespmem:$0x1FE90] =	vst v14;
	v61 =	vld [tilespmem:$0x7B80];
	v13 =	vmul.f32 v29, v1;
	v2 =	vadd.f32 v25, v47;
	v0 =	vadd.f32 v22, v0  }
0xd0: {  	v23 =	vld [tilespmem:$0x8000];
	[tilespmem:$0x1FEE0] =	vst v29;
	v28 =	vmul.f32 v21, v1;
	v29 =	vadd.f32 v22, v7;
	v5 =	vadd.f32 v26, v52  }
0xd1: {  	[tilespmem:$0x1FE80] =	vst v17;
	v14 =	vmul.f32 v51, v4;
	v57 =	vadd.f32 v13, v57;
	v17 =	vmul.f32 v51, v1  }
0xd2: {  	v41 =	vld [tilespmem:$0x7C00];
	v0 =	vmax.f32 v0, $0.0e+00;
	v24 =	vmul.f32 v40, v4;
	v25 =	vmul.f32 v40, v1  }
0xd3: {  	v44 =	vld [tilespmem:$0x7D80];
	v26 =	vmul.f32 v27, v4;
	v6 =	vadd.f32 v14, v30;
	v13 =	vadd.f32 v17, v59  }
0xd4: {  	v52 =	vld [tilespmem:$0x8500];
	[tilespmem:$0x1FF20] =	vst v27;
	v27 =	vmul.f32 v27, v1;
	v9 =	vadd.f32 v61, v9;
	v8 =	vadd.f32 v61, v8  }
0xd5: {  	v47 =	vld [tilespmem:$0x8100];
	v0 =	vmul.f32 v0, v23;
	v14 =	vadd.f32 v24, v33;
	v20 =	vadd.f32 v25, v20  }
0xd6: {  	[tilespmem:$0x1FEA0] =	vst v16;
	v59 =	vld [tilespmem:$0x8080];
	v16 =	vadd.f32 v26, v31;
	v17 =	vadd.f32 v27, v3;
	v31 =	vmul.f32 v21, v4  }
0xd7: {  	v33 =	vld [tilespmem:$0x7C80];
	v3 =	vmax.f32 v29, $0.0e+00;
	v12 =	vadd.f32 v41, v12;
	v25 =	vadd.f32 v41, v10  }
0xd8: {  	v30 =	vmax.f32 v9, $0.0e+00;
	v3 =	vmul.f32 v3, v23;
	v6 =	vadd.f32 v44, v6  }
0xd9: {  	[tilespmem:$0x1FF40] =	vst v23;
	v27 =	vld [tilespmem:$0x7D00];
	v23 =	vmax.f32 v8, $0.0e+00;
	v0 =	vadd.f32 v0, v52;
	v15 =	vadd.f32 v31, v15  }
0xda: {  	v39 =	vld [tilespmem:$0x8180];
	v26 =	vmax.f32 v12, $0.0e+00;
	v8 =	vmax.f32 v25, $0.0e+00;
	v12 =	vadd.f32 v28, v38  }
0xdb: {  	v31 =	vld [tilespmem:$0x8200];
	v25 =	vadd.f32 v44, v13;
	v3 =	vadd.f32 v3, v52;
	v7 =	vmul.f32 v30, v59  }
0xdc: {  	v38 =	vld [tilespmem:$0x8280];
	v29 =	vmul.f32 v26, v47;
	v8 =	vmul.f32 v8, v47;
	v11 =	vadd.f32 v33, v11  }
0xdd: {  	v2 =	vadd.f32 v33, v2;
	v0 =	vadd.f32 v7, v0;
	v7 =	vmul.f32 v23, v59;
	v23 =	vld [tilespmem:$0x7A80]  }
0xde: {  	[tilespmem:$0x1FFA0] =	vst v47;
	v6 =	vmax.f32 v6, $0.0e+00;
	v5 =	vadd.f32 v27, v5;
	v47 =	vadd.f32 v27, v57;
	v57 =	vld [tilespmem:$0x7E00]  }
0xdf: {  	[tilespmem:$0x1FFB0] =	vst v27;
	v27 =	vmax.f32 v25, $0.0e+00;
	v30 =	vmax.f32 v11, $0.0e+00;
	v2 =	vmax.f32 v2, $0.0e+00  }
0xe0: {  	v5 =	vmax.f32 v5, $0.0e+00;
	v9 =	vmax.f32 v47, $0.0e+00;
	v3 =	vadd.f32 v7, v3  }
0xe1: {  	[tilespmem:$0x1FF90] =	vst v33;
	v11 =	vld [tilespmem:s16+$0xFFFFFFE0];
	v26 =	vmul.f32 v6, v38;
	v0 =	vadd.f32 v29, v0;
	v33 =	vmul.f32 v30, v39  }
0xe2: {  	[tilespmem:$0x1FF10] =	vst v22;
	v22 =	vmul.f32 v5, v31;
	v5 =	vld [tilespmem:s16+$0xFFFFFFF0];
	v3 =	vadd.f32 v8, v3;
	v4 =	vmul.f32 v23, v4  }
0xe3: {  	[tilespmem:$0x1FF80] =	vst v21;
	v2 =	vmul.f32 v2, v39;
	v0 =	vadd.f32 v33, v0;
	v28 =	vadd.f32 v57, v14  }
0xe4: {  	[tilespmem:$0x1FFD0] =	vst v31;
	v24 =	vmul.f32 v9, v31;
	v33 =	vadd.f32 v57, v20;
	v9 =	vadd.f32 v4, v18;
	v4 =	vld [tilespmem:$0x8300]  }
0xe5: {  	v30 =	vmul.f32 v27, v38;
	[tilespmem:$0x1F840] =	vst v57;
	v2 =	vadd.f32 v2, v3;
	v0 =	vadd.f32 v22, v0  }
0xe6: {  	[tilespmem:$0x1F760] =	vst v23;
	v29 =	vshra.s32 v11, $0x7;
	v7 =	vmax.f32 v28, $0.0e+00;
	v11 =	vand.u32 $0x7F, v11  }
0xe7: {  	v13 =	vld [tilespmem:$0x7E80];
	v31 =	vshll.u32 v29, $0x3;
	v8 =	vand.u32 $0x7F, v29;
	v14 =	vshra.s32 v5, $0x7  }
0xe8: {  	v57 =	vld [tilespmem:$0x7F00];
	v2 =	vadd.f32 v24, v2;
	v3 =	vadd.f32 v26, v0;
	v6 =	vand.u32 $0xFFFFFC00, v31  }
0xe9: {  	v26 =	vshll.u32 v14, $0x3;
	v24 =	vor.u32 v8, v6;
	v7 =	vmul.f32 v7, v4  }
0xea: {  	v47 =	vld [tilespmem:$0x8380];
	v18 =	vand.u32 $0x7F, v14;
	v8 =	vmax.f32 v33, $0.0e+00;
	v25 =	vor.u32 $0x80, v24  }
0xeb: {  	v33 =	vld [tilespmem:$0x7F80];
	v2 =	vadd.f32 v30, v2;
	v7 =	vadd.f32 v7, v3;
	v3 =	vand.u32 $0xFFFFFC00, v26  }
0xec: {  	v30 =	vmul.f32 v23, v1;
	v16 =	vadd.f32 v13, v16;
	v21 =	vor.u32 v18, v3  }
0xed: {  	v28 =	vld [tilespmem:$0x8400];
	v17 =	vadd.f32 v13, v17;
	v29 =	vadd.f32 v57, v15;
	v3 =	vor.u32 $0x80, v21  }
0xee: {  	v27 =	vmul.f32 v8, v4;
	[tilespmem:$0x1F880] =	vst v57;
	v23 =	vadd.f32 v57, v12;
	v19 =	vadd.f32 v30, v19;
	v57 =	vld [tilespmem:$0x8480]  }
0xef: {  	v16 =	vmax.f32 v16, $0.0e+00;
	v31 =	vmax.f32 v17, $0.0e+00;
	v22 =	vmax.f32 v29, $0.0e+00;
	v15 =	vld.idx.msk [tilespmem:v25+s12+$0x0], $0xffff  }
0xf0: {  	v9 =	vadd.f32 v33, v9;
	v18 =	vadd.f32 v27, v2;
	v17 =	vmul.f32 v31, v47;
	v25 =	vld.idx.msk [tilespmem:v24+s12+$0x0], $0xffff  }
0xf1: {  	[tilespmem:$0x1F8A0] =	vst v33;
	v2 =	vmax.f32 v23, $0.0e+00;
	v23 =	vcvt.s32.f32 v11;
	v31 =	vadd.f32 v33, v19;
	v33 =	vld [tilespmem:$0x1F8E0]  }
0xf2: {  	v5 =	vand.u32 $0x7F, v5;
	v16 =	vmul.f32 v16, v47;
	v1 =	vmul.f32 v22, v28;
	v3 =	vld.idx.msk [tilespmem:v3+s12+$0x0], $0xffff  }
0xf3: {  	v22 =	vcvt.s32.f32 v5;
	v27 =	vmul.f32 v23, v34;
	v26 =	vld.idx.msk [tilespmem:v21+s12+$0x0], $0xffff  }
0xf4: {  	v2 =	vmul.f32 v2, v28;
	v16 =	vadd.f32 v16, v7;
	v29 =	vmul.f32 v23, v35  }
0xf5: {  	[tilespmem:$0x1F860] =	vst v13;
	v9 =	vmax.f32 v9, $0.0e+00;
	v30 =	vmul.f32 v22, v35;
	v12 =	vadd.f32 v27, v25  }
0xf6: {  	[tilespmem:$0x1F890] =	vst v28;
	v13 =	vld [tilespmem:$0x1F780];
	v28 =	vmul.f32 v22, v34;
	v1 =	vadd.f32 v1, v16;
	v15 =	vadd.f32 v15, v29  }
0xf7: {  	[tilespmem:$0x1F770] =	vst v34;
	v9 =	vmul.f32 v9, v57;
	v12 =	vadd.f32 v12, v33;
	v3 =	vadd.f32 v3, v30  }
0xf8: {  	[tilespmem:$0x1F8C0] =	vst v35;
	v34 =	vmax.f32 v31, $0.0e+00;
	v15 =	vadd.f32 v15, v36;
	v0 =	vadd.f32 v26, v28  }
0xf9: {  	[tilespmem:$0x1F8F0] =	vst v36;
	v35 =	vmul.f32 v34, v57;
	v1 =	vadd.f32 v9, v1;
	v3 =	vadd.f32 v3, v36;
	v36 =	vld [tilespmem:$0x1F900]  }
0xfa: {  	v9 =	vmax.f32 v12, $0.0e+00;
	v12 =	vmax.f32 v15, $0.0e+00;
	v0 =	vadd.f32 v0, v33  }
0xfb: {  	v18 =	vadd.f32 v17, v18;
	v8 =	vmul.f32 v12, v37;
	v14 =	vmul.f32 v9, v13  }
0xfc: {  	[tilespmem:$0x1F910] =	vst v37;
	v25 =	vmul.f32 v12, v42;
	v0 =	vmax.f32 v0, $0.0e+00;
	v3 =	vmax.f32 v3, $0.0e+00  }
0xfd: {  	[tilespmem:$0x1F920] =	vst v42;
	v2 =	vadd.f32 v2, v18;
	v27 =	vmul.f32 v0, v13;
	v11 =	vmul.f32 v3, v37;
	v37 =	vld [tilespmem:$0x1F6D0]  }
0xfe: {  	[tilespmem:$0x1F940] =	vst v43;
	v33 =	vmul.f32 v3, v42;
	v42 =	vld [tilespmem:$0x1F930];
	v10 =	vmul.f32 v0, v36  }
0xff: {  	[tilespmem:$0x1F8D0] =	vst v1;
	v1 =	vadd.f32 v35, v2;
	v13 =	vmul.f32 v12, v43;
	v15 =	vmul.f32 v3, v43;
	v43 =	vld [tilespmem:$0x1F6E0]  }
0x100: {  	[tilespmem:$0x1F790] =	vst v46;
	v35 =	vmul.f32 v12, v46;
	v31 =	vadd.f32 v11, v10;
	v11 =	vmul.f32 v3, v46;
	v46 =	vld [tilespmem:$0x1F960]  }
0x101: {  	v7 =	vmul.f32 v9, v36  }
0x102: {  	v34 =	vmul.f32 v9, v37;
	v36 =	vmul.f32 v0, v37  }
0x103: {  	v30 =	vadd.f32 v25, v14;
	v29 =	vadd.f32 v33, v27;
	v10 =	vmul.f32 v9, v42  }
0x104: {  	v20 =	vld [tilespmem:$0x1F7A0];
	v14 =	vmul.f32 v0, v42;
	v27 =	vadd.f32 v35, v34;
	v19 =	vadd.f32 v11, v36  }
0x105: {  	v25 =	vadd.f32 v13, v10;
	v34 =	vld [tilespmem:$0x1F950];
	v36 =	vmul.f32 v9, v43;
	v13 =	vmul.f32 v12, v46  }
0x106: {  	v28 =	vadd.f32 v15, v14;
	v14 =	vld [tilespmem:$0x1F7B0]  }
0x107: {  	v16 =	vadd.f32 v13, v36;
	v36 =	vld [tilespmem:$0x1F6F0];
	_ =	sdelay $0x1  }
0x108: {  	v33 =	vmul.f32 v9, v20  }
0x109: {  	v26 =	vadd.f32 v8, v7;
	v42 =	vmul.f32 v0, v43;
	v35 =	vmul.f32 v12, v34  }
0x10a: {  	[tilespmem:$0x1FA00] =	vst v1;
	v7 =	vor.u32 $0x100, v24;
	v1 =	vmul.f32 v3, v34;
	v34 =	vmul.f32 v3, v46  }
0x10b: {  	v18 =	vadd.f32 v35, v33;
	v33 =	vmul.f32 v9, v14;
	v35 =	vmul.f32 v12, v36  }
0x10c: {  	v13 =	vadd.f32 v34, v42;
	v42 =	vld [tilespmem:$0x1F970]  }
0x10d: {  	v8 =	vor.u32 $0x100, v21;
	v6 =	vmul.f32 v0, v14;
	v14 =	vadd.f32 v35, v33;
	v35 =	vld [tilespmem:$0x1F700];
	_ =	sdelay $0x1  }
0x10e: {  	v5 =	vld.idx.msk [tilespmem:v7+s12+$0x0], $0xffff;
	v46 =	vmul.f32 v3, v36;
	_ =	sdelay $0x1  }
0x10f: {  	[tilespmem:$0x1F850] =	vst v4;
	v4 =	vmul.f32 v0, v20;
	v11 =	vadd.f32 v46, v6;
	v46 =	vld [tilespmem:$0x1F980];
	v20 =	vmul.f32 v9, v42  }
0x110: {  	v7 =	vld.idx.msk [tilespmem:v8+s12+$0x0], $0xffff;
	v8 =	vmul.f32 v0, v42;
	v42 =	vmul.f32 v23, v35;
	_ =	sdelay $0x1  }
0x111: {  	v17 =	vadd.f32 v1, v4;
	v4 =	vadd.f32 v5, v42;
	v42 =	vld [tilespmem:$0x1F7C0];
	_ =	sdelay $0x1  }
0x112: {  	v10 =	vmul.f32 v12, v46  }
0x113: {  	v2 =	vmul.f32 v3, v46  }
0x114: {  	v34 =	vld [tilespmem:$0x1F7D0];
	v6 =	vadd.f32 v10, v20  }
0x115: {  	v10 =	vadd.f32 v2, v8;
	v46 =	vmul.f32 v9, v42;
	v8 =	vmul.f32 v0, v42;
	v42 =	vld [tilespmem:$0x1F9A0];
	_ =	sdelay $0x2  }
0x116: {  	v15 =	vmul.f32 v12, v48  }
0x117: {  	v20 =	vmul.f32 v22, v35  }
0x118: {  	v5 =	vmul.f32 v9, v34;
	v15 =	vadd.f32 v15, v46;
	v46 =	vmul.f32 v12, v42  }
0x119: {  	v33 =	vmul.f32 v3, v48;
	v3 =	vmul.f32 v3, v42;
	v42 =	vld [tilespmem:$0x1F710]  }
0x11a: {  	v7 =	vadd.f32 v7, v20;
	v5 =	vadd.f32 v46, v5;
	v46 =	vld [tilespmem:$0x1F9B0]  }
0x11b: {  	v4 =	vadd.f32 v4, v55  }
0x11c: {  	[tilespmem:$0x1F7E0] =	vst v55;
	v7 =	vadd.f32 v7, v55;
	v55 =	vld [tilespmem:$0x1F7F0]  }
0x11d: {  	v4 =	vmax.f32 v4, $0.0e+00  }
0x11e: {  	v0 =	vmul.f32 v0, v34;
	v34 =	vmul.f32 v4, v42  }
0x11f: {  	[tilespmem:$0x1F990] =	vst v48;
	v9 =	vor.u32 $0x180, v24;
	v7 =	vmax.f32 v7, $0.0e+00;
	v48 =	vmul.f32 v4, v46  }
0x120: {  	v2 =	vadd.f32 v3, v0;
	v3 =	vadd.f32 v34, v26;
	v0 =	vmul.f32 v7, v46;
	v34 =	vld [tilespmem:$0x1F9D0]  }
0x121: {  	v46 =	vmul.f32 v4, v55;
	v20 =	vadd.f32 v48, v30;
	v48 =	vmul.f32 v7, v55;
	v55 =	vld [tilespmem:$0x1F9C0];
	_ =	sdelay $0x2  }
0x122: {  	v8 =	vadd.f32 v33, v8  }
0x123: {  	v9 =	vld.idx.msk [tilespmem:v9+s12+$0x0], $0xffff;
	v26 =	vor.u32 $0x180, v21;
	v19 =	vadd.f32 v48, v19;
	v48 =	vmul.f32 v7, v34  }
0x124: {  	v0 =	vadd.f32 v0, v29;
	v33 =	vmul.f32 v4, v55;
	v29 =	vmul.f32 v7, v55;
	v55 =	vld [tilespmem:$0x1F9E0]  }
0x125: {  	v12 =	vmul.f32 v7, v42;
	v1 =	vadd.f32 v46, v27  }
0x126: {  	v46 =	vmul.f32 v4, v34;
	v17 =	vadd.f32 v48, v17;
	v48 =	vmul.f32 v4, v49  }
0x127: {  	v12 =	vadd.f32 v12, v31;
	v25 =	vadd.f32 v33, v25;
	v33 =	vmul.f32 v23, v53  }
0x128: {  	[tilespmem:$0x1F9F0] =	vst v49;
	v18 =	vadd.f32 v46, v18;
	v49 =	vmul.f32 v7, v49;
	v14 =	vadd.f32 v48, v14  }
0x129: {  	v26 =	vld.idx.msk [tilespmem:v26+s12+$0x0], $0xffff;
	v48 =	vmul.f32 v4, v45;
	v9 =	vadd.f32 v9, v33;
	v34 =	vmul.f32 v4, v55  }
0x12a: {  	v11 =	vadd.f32 v49, v11;
	v46 =	vmul.f32 v7, v55;
	v55 =	vmul.f32 v4, v32  }
0x12b: {  	v49 =	vmul.f32 v7, v45;
	v4 =	vmul.f32 v4, v50;
	v9 =	vadd.f32 v9, v63  }
0x12c: {  	v16 =	vadd.f32 v34, v16;
	v34 =	vmul.f32 v22, v53;
	v6 =	vadd.f32 v55, v6  }
0x12d: {  	[tilespmem:$0x1FA10] =	vst v53;
	v4 =	vadd.f32 v4, v5;
	v55 =	vor.u32 $0x200, v24;
	v5 =	vmax.f32 v9, $0.0e+00  }
0x12e: {  	[tilespmem:$0x1FA30] =	vst v45;
	v45 =	vld [tilespmem:$0x1FA90];
	v8 =	vadd.f32 v49, v8;
	v26 =	vadd.f32 v26, v34;
	v53 =	vmul.f32 v5, v56  }
0x12f: {  	[tilespmem:$0x1FA20] =	vst v32;
	v13 =	vadd.f32 v46, v13;
	v46 =	vmul.f32 v7, v32;
	v32 =	vld [tilespmem:$0x1FA80];
	v49 =	vmul.f32 v5, v60  }
0x130: {  	v26 =	vadd.f32 v26, v63;
	v3 =	vadd.f32 v53, v3;
	v53 =	vld [tilespmem:$0x1FAB0]  }
0x131: {  	v28 =	vadd.f32 v29, v28;
	v34 =	vor.u32 $0x200, v21;
	v18 =	vadd.f32 v49, v18;
	v49 =	vld [tilespmem:$0x1FB00]  }
0x132: {  	[tilespmem:$0x1FA50] =	vst v50;
	v15 =	vadd.f32 v48, v15;
	v7 =	vmul.f32 v7, v50;
	v27 =	vld.idx.msk [tilespmem:v55+s12+$0x0], $0xffff;
	v9 =	vmax.f32 v26, $0.0e+00  }
0x133: {  	[tilespmem:$0x1FA60] =	vst v56;
	v10 =	vadd.f32 v46, v10;
	v46 =	vmul.f32 v5, v45;
	v26 =	vmul.f32 v9, v56;
	v56 =	vld [tilespmem:$0x1FA70]  }
0x134: {  	[tilespmem:$0x1FAA0] =	vst v60;
	v2 =	vadd.f32 v7, v2;
	v33 =	vmul.f32 v5, v32;
	v50 =	vmul.f32 v9, v60;
	v60 =	vld [tilespmem:$0x1FAC0]  }
0x135: {  	v25 =	vadd.f32 v46, v25;
	v29 =	vmul.f32 v9, v32;
	v48 =	vmul.f32 v9, v45;
	v45 =	vld [tilespmem:$0x1FAD0]  }
0x136: {  	v1 =	vadd.f32 v33, v1;
	v7 =	vadd.f32 v26, v12;
	v55 =	vmul.f32 v5, v53;
	v26 =	vld.idx.msk [tilespmem:v34+s12+$0x0], $0xffff  }
0x137: {  	v17 =	vadd.f32 v50, v17;
	v34 =	vmul.f32 v23, v54;
	v50 =	vmul.f32 v5, v49  }
0x138: {  	[tilespmem:$0x1FA40] =	vst v63;
	v19 =	vadd.f32 v29, v19;
	v63 =	vmul.f32 v5, v56;
	v30 =	vmul.f32 v9, v56  }
0x139: {  	v16 =	vadd.f32 v55, v16;
	v55 =	vld [tilespmem:$0x1FB20];
	v56 =	vmul.f32 v9, v53;
	v53 =	vmul.f32 v22, v54  }
0x13a: {  	v27 =	vadd.f32 v27, v34;
	v33 =	vmul.f32 v9, v60;
	v46 =	vmul.f32 v5, v45  }
0x13b: {  	v12 =	vadd.f32 v63, v20;
	v63 =	vmul.f32 v5, v60;
	v26 =	vadd.f32 v26, v53  }
0x13c: {  	v27 =	vadd.f32 v27, v58;
	v13 =	vadd.f32 v56, v13;
	v56 =	vmul.f32 v9, v49;
	v49 =	vld [tilespmem:$0x1FB60]  }
0x13d: {  	[tilespmem:$0x1FB10] =	vst v58;
	v14 =	vadd.f32 v63, v14;
	v26 =	vadd.f32 v26, v58;
	v58 =	vld [tilespmem:$0x1FB30];
	v63 =	vor.u32 $0x280, v24  }
0x13e: {  	v20 =	vadd.f32 v48, v28;
	v11 =	vadd.f32 v33, v11;
	v5 =	vmul.f32 v5, v55  }
0x13f: {  	v48 =	vmul.f32 v9, v45;
	v33 =	vld [tilespmem:$0x1FB40];
	v45 =	vor.u32 $0x280, v21;
	v27 =	vmax.f32 v27, $0.0e+00  }
0x140: {  	v9 =	vmul.f32 v9, v55;
	v55 =	vld [tilespmem:$0x1FB70];
	v4 =	vadd.f32 v5, v4;
	v5 =	vmax.f32 v26, $0.0e+00  }
0x141: {  	v15 =	vadd.f32 v50, v15;
	v50 =	vmul.f32 v27, v49;
	v53 =	vmul.f32 v5, v49;
	v49 =	vld [tilespmem:$0x1FBA0]  }
0x142: {  	v0 =	vadd.f32 v30, v0;
	v2 =	vadd.f32 v9, v2;
	v60 =	vmul.f32 v27, v58;
	v9 =	vld.idx.msk [tilespmem:v63+s12+$0x0], $0xffff  }
0x143: {  	v6 =	vadd.f32 v46, v6;
	v20 =	vadd.f32 v53, v20;
	v53 =	vld [tilespmem:$0x1FBB0]  }
0x144: {  	v10 =	vadd.f32 v48, v10;
	v46 =	vmul.f32 v27, v62;
	v3 =	vadd.f32 v60, v3;
	v60 =	vld [tilespmem:$0x1FB80]  }
0x145: {  	v8 =	vadd.f32 v56, v8;
	v34 =	vmul.f32 v27, v33;
	v30 =	vmul.f32 v5, v33;
	v63 =	vld.idx.msk [tilespmem:v45+s12+$0x0], $0xffff  }
0x146: {  	v1 =	vadd.f32 v46, v1;
	v48 =	vmul.f32 v5, v62;
	v26 =	vmul.f32 v5, v58;
	v45 =	vld [tilespmem:$0x1FB90]  }
0x147: {  	v12 =	vadd.f32 v34, v12;
	v0 =	vadd.f32 v30, v0;
	v58 =	vmul.f32 v5, v55  }
0x148: {  	v19 =	vadd.f32 v48, v19;
	v56 =	vmul.f32 v27, v55;
	v31 =	vmul.f32 v22, v53  }
0x149: {  	[tilespmem:$0x1FB50] =	vst v62;
	v25 =	vadd.f32 v50, v25;
	v17 =	vadd.f32 v58, v17;
	v58 =	vld [tilespmem:$0x1FBC0];
	v62 =	vmul.f32 v27, v60  }
0x14a: {  	v7 =	vadd.f32 v26, v7;
	v50 =	vmul.f32 v27, v49;
	v26 =	vadd.f32 v63, v31;
	v63 =	vld [tilespmem:$0x1FBD0]  }
0x14b: {  	v46 =	vmul.f32 v27, v45;
	v55 =	vmul.f32 v23, v53;
	v16 =	vadd.f32 v62, v16;
	v62 =	vld [tilespmem:$0x1FBE0]  }
0x14c: {  	v33 =	vld [tilespmem:$0x1FBF0];
	v18 =	vadd.f32 v56, v18;
	v56 =	vmul.f32 v5, v49;
	v6 =	vadd.f32 v50, v6  }
0x14d: {  	v48 =	vmul.f32 v5, v45;
	v14 =	vadd.f32 v46, v14;
	v9 =	vadd.f32 v9, v55;
	v46 =	vld [tilespmem:$0x1FC00]  }
0x14e: {  	v10 =	vadd.f32 v56, v10;
	v34 =	vmul.f32 v5, v60;
	v60 =	vmul.f32 v27, v58;
	v55 =	vld [tilespmem:$0x1FC20]  }
0x14f: {  	v49 =	vld [tilespmem:$0x1FC10];
	v45 =	vor.u32 $0x300, v24;
	v9 =	vadd.f32 v9, v63;
	v26 =	vadd.f32 v26, v63  }
0x150: {  	v29 =	vmul.f32 v5, v58;
	v15 =	vadd.f32 v60, v15;
	v60 =	vld [tilespmem:$0x1FC30];
	v27 =	vmul.f32 v27, v62  }
0x151: {  	v5 =	vmul.f32 v5, v62;
	v9 =	vmax.f32 v9, $0.0e+00;
	v26 =	vmax.f32 v26, $0.0e+00  }
0x152: {  	v11 =	vadd.f32 v48, v11;
	v48 =	vmul.f32 v9, v46;
	v30 =	vmul.f32 v26, v46;
	v46 =	vld [tilespmem:$0x1FC60]  }
0x153: {  	v53 =	vor.u32 $0x300, v21;
	v56 =	vmul.f32 v9, v55;
	v58 =	vmul.f32 v26, v55;
	v55 =	vld [tilespmem:$0x1FC80]  }
0x154: {  	v50 =	vmul.f32 v9, v49;
	v4 =	vadd.f32 v27, v4;
	v27 =	vmul.f32 v26, v33  }
0x155: {  	v13 =	vadd.f32 v34, v13;
	v28 =	vld.idx.msk [tilespmem:v45+s12+$0x0], $0xffff;
	v62 =	vmul.f32 v9, v60;
	v2 =	vadd.f32 v5, v2  }
0x156: {  	v63 =	vmul.f32 v26, v60;
	v60 =	vld [tilespmem:$0x1FC70];
	v1 =	vadd.f32 v50, v1;
	v5 =	vadd.f32 v27, v7  }
0x157: {  	v7 =	vadd.f32 v48, v12;
	v48 =	vmul.f32 v9, v46;
	v50 =	vmul.f32 v26, v46;
	v46 =	vld [tilespmem:$0x1FCA0]  }
0x158: {  	v34 =	vmul.f32 v9, v33;
	v33 =	vld [tilespmem:$0x1FC50];
	v12 =	vadd.f32 v58, v20;
	v58 =	vmul.f32 v23, v55  }
0x159: {  	v8 =	vadd.f32 v29, v8;
	v29 =	vmul.f32 v26, v49;
	v49 =	vld.idx.msk [tilespmem:v53+s12+$0x0], $0xffff  }
0x15a: {  	v17 =	vadd.f32 v63, v17;
	v63 =	vadd.f32 v28, v58;
	v58 =	vld [tilespmem:$0x1FC90]  }
0x15b: {  	v14 =	vadd.f32 v48, v14;
	v48 =	vld [tilespmem:$0x1FCB0]  }
0x15c: {  	v3 =	vadd.f32 v34, v3;
	v27 =	vadd.f32 v63, v46;
	v63 =	vld [tilespmem:$0x1FCE0]  }
0x15d: {  	v18 =	vadd.f32 v62, v18;
	v62 =	vmul.f32 v9, v60;
	v45 =	vmul.f32 v26, v33  }
0x15e: {  	v19 =	vadd.f32 v29, v19;
	v34 =	vmul.f32 v9, v33;
	v33 =	vmul.f32 v26, v60  }
0x15f: {  	v60 =	vld [tilespmem:$0x1FCD0];
	v11 =	vadd.f32 v50, v11;
	v13 =	vadd.f32 v45, v13;
	v45 =	vmul.f32 v22, v55  }
0x160: {  	v50 =	vld [tilespmem:$0x1FCC0];
	v16 =	vadd.f32 v34, v16;
	v34 =	vmul.f32 v9, v58;
	v27 =	vmax.f32 v27, $0.0e+00  }
0x161: {  	v20 =	vadd.f32 v49, v45;
	v9 =	vmul.f32 v9, v48;
	v45 =	vmul.f32 v27, v63  }
0x162: {  	v25 =	vadd.f32 v56, v25;
	v49 =	vmul.f32 v26, v58;
	v26 =	vmul.f32 v26, v48;
	v48 =	vld [tilespmem:$0x1FCF0]  }
0x163: {  	v20 =	vadd.f32 v20, v46;
	v1 =	vadd.f32 v45, v1;
	v45 =	vld [tilespmem:$0x1FD20]  }
0x164: {  	v29 =	vor.u32 $0x380, v21;
	v6 =	vadd.f32 v62, v6;
	v62 =	vmul.f32 v27, v60  }
0x165: {  	v53 =	vmul.f32 v27, v50;
	v4 =	vadd.f32 v9, v4;
	v9 =	vmax.f32 v20, $0.0e+00  }
0x166: {  	v20 =	vor.u32 $0x380, v24;
	v7 =	vadd.f32 v62, v7;
	v46 =	vmul.f32 v9, v63;
	v62 =	vld [tilespmem:$0x1FD10]  }
0x167: {  	v8 =	vadd.f32 v49, v8;
	v3 =	vadd.f32 v53, v3;
	v53 =	vld [tilespmem:$0x1FD00];
	v49 =	vmul.f32 v27, v48  }
0x168: {  	v0 =	vadd.f32 v30, v0;
	v19 =	vadd.f32 v46, v19;
	v46 =	vmul.f32 v27, v45  }
0x169: {  	v10 =	vadd.f32 v33, v10;
	v25 =	vadd.f32 v49, v25;
	v49 =	vld [tilespmem:$0x1FD30]  }
0x16a: {  	v15 =	vadd.f32 v34, v15;
	v56 =	vmul.f32 v9, v50;
	v14 =	vadd.f32 v46, v14;
	v46 =	vld [tilespmem:$0x1F720]  }
0x16b: {  	v2 =	vadd.f32 v26, v2;
	v50 =	vmul.f32 v9, v48;
	v20 =	vld.idx.msk [tilespmem:v20+s12+$0x0], $0xffff;
	v63 =	vmul.f32 v27, v62  }
0x16c: {  	v33 =	vld.idx.msk [tilespmem:v29+s12+$0x0], $0xffff;
	v30 =	vmul.f32 v9, v60;
	v5 =	vadd.f32 v56, v5;
	v56 =	vmul.f32 v27, v53  }
0x16d: {  	v12 =	vadd.f32 v50, v12;
	v60 =	vmul.f32 v9, v53;
	v16 =	vadd.f32 v63, v16;
	v63 =	vld [tilespmem:$0x1FD50]  }
0x16e: {  	v34 =	vmul.f32 v9, v62;
	v18 =	vadd.f32 v56, v18;
	v50 =	vmul.f32 v23, v49  }
0x16f: {  	v17 =	vadd.f32 v60, v17;
	v60 =	vld [tilespmem:$0x1FD40];
	v31 =	vmul.f32 v22, v49;
	v53 =	vmul.f32 v27, v46  }
0x170: {  	v13 =	vadd.f32 v34, v13;
	v34 =	vld [tilespmem:$0x1FD60];
	v20 =	vadd.f32 v20, v50;
	v56 =	vmul.f32 v9, v46  }
0x171: {  	v48 =	vmul.f32 v9, v45;
	v26 =	vadd.f32 v33, v31;
	v6 =	vadd.f32 v53, v6;
	v53 =	vld [tilespmem:$0x1F730]  }
0x172: {  	v20 =	vadd.f32 v20, v63;
	v10 =	vadd.f32 v56, v10;
	v56 =	vld [tilespmem:$0x1FD80]  }
0x173: {  	v11 =	vadd.f32 v48, v11;
	v48 =	vadd.s32 $0x2000, v24;
	v26 =	vadd.f32 v26, v63  }
0x174: {  	v49 =	vld [tilespmem:$0x1FD70];
	v62 =	vmul.f32 v27, v60;
	v20 =	vmax.f32 v20, $0.0e+00  }
0x175: {  	v33 =	vmul.f32 v9, v60;
	v63 =	vld [tilespmem:$0x1FD90];
	v26 =	vmax.f32 v26, $0.0e+00;
	v45 =	vmul.f32 v20, v34  }
0x176: {  	v28 =	vmul.f32 v26, v34;
	v34 =	vld [tilespmem:$0x1F800];
	v9 =	vmul.f32 v9, v53  }
0x177: {  	v15 =	vadd.f32 v62, v15;
	v60 =	vmul.f32 v20, v56;
	v62 =	vmul.f32 v26, v56;
	v56 =	vld [tilespmem:$0x1FDA0]  }
0x178: {  	v5 =	vadd.f32 v28, v5;
	v28 =	vadd.s32 $0x2000, v21;
	v2 =	vadd.f32 v9, v2;
	v9 =	vld.idx.msk [tilespmem:v48+s12+$0x0], $0xffff  }
0x179: {  	v0 =	vadd.f32 v30, v0;
	v24 =	vadd.s32 $0x2080, v24;
	v50 =	vmul.f32 v20, v49;
	v48 =	vld [tilespmem:$0x1F740]  }
0x17a: {  	v8 =	vadd.f32 v33, v8;
	v29 =	vmul.f32 v26, v49;
	v19 =	vadd.f32 v62, v19;
	v62 =	vld [tilespmem:$0x1F810]  }
0x17b: {  	v3 =	vadd.f32 v45, v3;
	v7 =	vadd.f32 v50, v7;
	v27 =	vmul.f32 v27, v53  }
0x17c: {  	v0 =	vadd.f32 v29, v0;
	v33 =	vmul.f32 v20, v63;
	v30 =	vmul.f32 v26, v63  }
0x17d: {  	v4 =	vadd.f32 v27, v4;
	v1 =	vadd.f32 v60, v1;
	v27 =	vld.idx.msk [tilespmem:v28+s12+$0x0], $0xffff;
	v60 =	vmul.f32 v20, v56  }
0x17e: {  	v25 =	vadd.f32 v33, v25;
	v33 =	vmul.f32 v26, v56;
	v56 =	vld [tilespmem:$0x1F830];
	v49 =	vmul.f32 v20, v48  }
0x17f: {  	v45 =	vmul.f32 v20, v34;
	v63 =	vmul.f32 v23, v62;
	v14 =	vadd.f32 v60, v14;
	v60 =	vld [tilespmem:$0x1F820]  }
0x180: {  	v21 =	vadd.s32 $0x2080, v21;
	v31 =	vmul.f32 v26, v34;
	v16 =	vadd.f32 v49, v16;
	v49 =	vld [tilespmem:$0x1FDC0]  }
0x181: {  	v18 =	vadd.f32 v45, v18;
	v45 =	vmul.f32 v22, v62;
	v9 =	vadd.f32 v9, v63;
	v63 =	vld [tilespmem:$0x1FDD0]  }
0x182: {  	v32 =	vld [tilespmem:$0x1FDE0];
	v12 =	vadd.f32 v30, v12;
	v17 =	vadd.f32 v31, v17;
	v50 =	vmul.f32 v26, v48  }
0x183: {  	v30 =	vld [tilespmem:$0x1FE50];
	v11 =	vadd.f32 v33, v11;
	v27 =	vadd.f32 v27, v45  }
0x184: {  	v24 =	vld.idx.msk [tilespmem:v24+s12+$0x0], $0xffff;
	v13 =	vadd.f32 v50, v13;
	v9 =	vadd.f32 v9, v56;
	v62 =	vmul.f32 v20, v60  }
0x185: {  	v27 =	vadd.f32 v27, v56;
	v33 =	vmul.f32 v26, v60;
	v60 =	vld [tilespmem:$0x1FE00];
	v34 =	vmul.f32 v20, v49  }
0x186: {  	v21 =	vld.idx.msk [tilespmem:v21+s12+$0x0], $0xffff;
	v9 =	vmax.f32 v9, $0.0e+00;
	v50 =	vmul.f32 v26, v49;
	v20 =	vmul.f32 v20, v63  }
0x187: {  	v26 =	vmul.f32 v26, v63;
	v63 =	vld [tilespmem:$0x1FE10];
	v6 =	vadd.f32 v34, v6;
	v34 =	vmul.f32 v9, v32  }
0x188: {  	v23 =	vmul.f32 v23, v30;
	v22 =	vmul.f32 v22, v30;
	v10 =	vadd.f32 v50, v10;
	v50 =	vld [tilespmem:$0x1FDF0]  }
0x189: {  	v4 =	vadd.f32 v20, v4;
	v20 =	vmax.f32 v27, $0.0e+00;
	v3 =	vadd.f32 v34, v3;
	v34 =	vld [tilespmem:$0x1FE20]  }
0x18a: {  	v15 =	vadd.f32 v62, v15;
	v62 =	vmul.f32 v9, v60;
	v29 =	vmul.f32 v20, v60;
	v60 =	vld [tilespmem:$0x1FE40]  }
0x18b: {  	v23 =	vadd.f32 v24, v23;
	v21 =	vadd.f32 v21, v22;
	v45 =	vmul.f32 v20, v32  }
0x18c: {  	v8 =	vadd.f32 v33, v8;
	v2 =	vadd.f32 v26, v2;
	v31 =	vmul.f32 v9, v63  }
0x18d: {  	v5 =	vadd.f32 v45, v5;
	v56 =	vmul.f32 v9, v50;
	v28 =	vmul.f32 v20, v50;
	v50 =	vld [tilespmem:$0x1FE30]  }
0x18e: {  	v33 =	vmul.f32 v20, v63;
	v25 =	vadd.f32 v31, v25;
	v31 =	vld [tilespmem:$0x1FE60];
	v45 =	vmul.f32 v9, v34  }
0x18f: {  	v1 =	vadd.f32 v62, v1;
	v19 =	vadd.f32 v29, v19;
	v62 =	vmul.f32 v9, v60  }
0x190: {  	v12 =	vadd.f32 v33, v12;
	v63 =	vmul.f32 v20, v60;
	v18 =	vadd.f32 v45, v18;
	v45 =	vld [tilespmem:$0x1FE70]  }
0x191: {  	v0 =	vadd.f32 v28, v0;
	v28 =	vmul.f32 v20, v34;
	v14 =	vadd.f32 v62, v14;
	v62 =	vld [tilespmem:$0x1F750]  }
0x192: {  	v7 =	vadd.f32 v56, v7;
	v56 =	vmul.f32 v9, v50;
	v29 =	vmul.f32 v20, v50;
	v50 =	vld [tilespmem:$0x1FE80]  }
0x193: {  	v60 =	vld [tilespmem:$0x1FE90];
	v11 =	vadd.f32 v63, v11;
	v17 =	vadd.f32 v28, v17;
	v33 =	vmul.f32 v9, v31  }
0x194: {  	v28 =	vld [tilespmem:$0x1FEA0];
	v27 =	vmul.f32 v20, v31;
	v16 =	vadd.f32 v56, v16;
	v13 =	vadd.f32 v29, v13  }
0x195: {  	v30 =	vld [tilespmem:$0x1FEB0];
	v6 =	vadd.f32 v33, v6;
	v23 =	vadd.f32 v23, v45  }
0x196: {  	v10 =	vadd.f32 v27, v10;
	v33 =	vld [tilespmem:$0x1FEC0];
	v34 =	vmul.f32 v9, v62;
	v21 =	vadd.f32 v21, v45  }
0x197: {  	v56 =	vmul.f32 v20, v62;
	v9 =	vmul.f32 v9, v50;
	v23 =	vmax.f32 v23, $0.0e+00  }
0x198: {  	v20 =	vmul.f32 v20, v50;
	v21 =	vmax.f32 v21, $0.0e+00;
	v63 =	vmul.f32 v23, v60  }
0x199: {  	v24 =	vmul.f32 v21, v60;
	v4 =	vadd.f32 v9, v4;
	v29 =	vmul.f32 v23, v28  }
0x19a: {  	v45 =	vld [tilespmem:$0x1FEE0];
	v9 =	vadd.f32 v20, v2;
	v20 =	vmul.f32 v21, v28;
	v31 =	vmul.f32 v23, v30  }
0x19b: {  	v15 =	vadd.f32 v34, v15;
	v22 =	vmul.f32 v21, v30;
	v34 =	vmul.f32 v23, v33  }
0x19c: {  	v8 =	vadd.f32 v56, v8;
	v56 =	vmul.f32 v23, v51;
	v60 =	vmul.f32 v21, v51  }
0x19d: {  	v28 =	vmul.f32 v21, v40;
	v3 =	vadd.f32 v63, v3;
	v5 =	vadd.f32 v24, v5  }
0x19e: {  	v2 =	vadd.f32 v29, v7;
	v0 =	vadd.f32 v20, v0;
	v24 =	vmul.f32 v21, v33  }
0x19f: {  	v1 =	vadd.f32 v31, v1;
	v7 =	vadd.f32 v22, v19;
	v50 =	vmul.f32 v23, v45  }
0x1a0: {  	v20 =	vadd.f32 v34, v25;
	v22 =	vmul.f32 v21, v45;
	v16 =	vadd.f32 v56, v16  }
0x1a1: {  	[tilespmem:$0x1FEF0] =	vst v51;
	v51 =	vld [tilespmem:$0x1FF10];
	v63 =	vmul.f32 v23, v40;
	v13 =	vadd.f32 v60, v13;
	v11 =	vadd.f32 v28, v11  }
0x1a2: {  	v29 =	vld [tilespmem:$0x1FF20];
	v12 =	vadd.f32 v24, v12;
	v18 =	vadd.f32 v50, v18  }
0x1a3: {  	v33 =	vld [tilespmem:$0x1FF80];
	v17 =	vadd.f32 v22, v17;
	v14 =	vadd.f32 v63, v14  }
0x1a4: {  	[tilespmem:$0x1FF00] =	vst v40;
	v40 =	vld [tilespmem:$0x1FF40];
	v2 =	vadd.f32 v2, v61;
	v0 =	vadd.f32 v0, v61  }
0x1a5: {  	v56 =	vld [tilespmem:$0x1FF90];
	v1 =	vadd.f32 v1, v41;
	v50 =	vadd.f32 v7, v41  }
0x1a6: {  	v19 =	vld [tilespmem:$0x1FFB0];
	v3 =	vadd.f32 v3, v51;
	v5 =	vadd.f32 v5, v51;
	v2 =	vmax.f32 v2, $0.0e+00  }
0x1a7: {  	v0 =	vmax.f32 v0, $0.0e+00;
	v1 =	vmax.f32 v1, $0.0e+00;
	v30 =	vmul.f32 v23, v29  }
0x1a8: {  	v45 =	vld [tilespmem:$0x1FFA0];
	v60 =	vmax.f32 v50, $0.0e+00;
	v31 =	vmul.f32 v21, v29;
	v34 =	vmul.f32 v23, v33  }
0x1a9: {  	v3 =	vmax.f32 v3, $0.0e+00;
	v5 =	vmax.f32 v5, $0.0e+00;
	v2 =	vmul.f32 v2, v59  }
0x1aa: {  	[tilespmem:$0x1FF70] =	vst v59;
	v0 =	vmul.f32 v0, v59;
	v59 =	vadd.f32 v20, v56;
	v63 =	vadd.f32 v12, v56  }
0x1ab: {  	v20 =	vadd.f32 v18, v19;
	v12 =	vadd.f32 v17, v19;
	v3 =	vmul.f32 v3, v40  }
0x1ac: {  	v29 =	vadd.f32 v16, v44;
	v5 =	vmul.f32 v5, v40;
	v6 =	vadd.f32 v30, v6  }
0x1ad: {  	[tilespmem:$0x1FF30] =	vst v61;
	v26 =	vld [tilespmem:$0x1FFD0];
	v1 =	vmul.f32 v1, v45;
	v10 =	vadd.f32 v31, v10;
	v3 =	vadd.f32 v3, v52  }
0x1ae: {  	v61 =	vmovc v41;
	v41 =	vmul.f32 v21, v33;
	v18 =	vld [tilespmem:$0x1F860];
	v15 =	vadd.f32 v34, v15;
	v5 =	vadd.f32 v5, v52  }
0x1af: {  	v25 =	vmax.f32 v20, $0.0e+00;
	v30 =	vadd.f32 v13, v44;
	v31 =	vld [tilespmem:s16+$0x0];
	v2 =	vadd.f32 v3, v2  }
0x1b0: {  	[tilespmem:$0x1FFE0] =	vst v44;
	v44 =	vmovc v33;
	v33 =	vld [tilespmem:$0x1F760];
	v0 =	vadd.f32 v5, v0;
	v5 =	vmax.f32 v59, $0.0e+00;
	v3 =	vmax.f32 v63, $0.0e+00  }
0x1b1: {  	[tilespmem:$0x1FFC0] =	vst v39;
	v27 =	vmax.f32 v12, $0.0e+00;
	v5 =	vmul.f32 v5, v39;
	v22 =	vmul.f32 v3, v39;
	v39 =	vld [tilespmem:$0x1F840]  }
0x1b2: {  	v34 =	vmax.f32 v29, $0.0e+00;
	v1 =	vadd.f32 v2, v1;
	v2 =	vmul.f32 v60, v45  }
0x1b3: {  	v56 =	vld [tilespmem:$0x1F850];
	v8 =	vadd.f32 v41, v8;
	v28 =	vmul.f32 v27, v26;
	v6 =	vadd.f32 v6, v18  }
0x1b4: {  	v10 =	vadd.f32 v10, v18;
	v3 =	vmul.f32 v25, v26;
	v45 =	vld [tilespmem:s16+$0x10];
	v0 =	vadd.f32 v0, v2  }
0x1b5: {  	v50 =	vmul.f32 v23, v33;
	v60 =	vshra.s32 v31, $0x7;
	v1 =	vadd.f32 v1, v5  }
0x1b6: {  	v2 =	vmul.f32 v34, v38;
	v0 =	vadd.f32 v0, v22;
	v40 =	vadd.f32 v14, v39  }
0x1b7: {  	v1 =	vadd.f32 v1, v3;
	v3 =	vmax.f32 v30, $0.0e+00;
	v63 =	vadd.f32 v11, v39  }
0x1b8: {  	v3 =	vmul.f32 v3, v38;
	v0 =	vadd.f32 v0, v28;
	v5 =	vmax.f32 v40, $0.0e+00  }
0x1b9: {  	v16 =	vshra.s32 v45, $0x7;
	v1 =	vadd.f32 v1, v2;
	v59 =	vmul.f32 v5, v56  }
0x1ba: {  	v14 =	vshll.u32 v60, $0x3;
	v19 =	vshll.u32 v16, $0x3;
	v0 =	vadd.f32 v0, v3  }
0x1bb: {  	v3 =	vand.u32 $0x7F, v60;
	v2 =	vadd.f32 v1, v59;
	v1 =	vand.u32 $0xFFFFFC00, v14  }
0x1bc: {  	v22 =	vld [tilespmem:$0x1F880];
	v11 =	vand.u32 $0x7F, v16;
	v1 =	vor.u32 v3, v1;
	v3 =	vand.u32 $0xFFFFFC00, v19  }
0x1bd: {  	v29 =	vld [tilespmem:$0x1F890];
	v6 =	vmax.f32 v6, $0.0e+00;
	v25 =	vmul.f32 v21, v33;
	v3 =	vor.u32 v11, v3  }
0x1be: {  	v41 =	vld [tilespmem:$0x1F770];
	v26 =	vmax.f32 v10, $0.0e+00;
	v6 =	vmul.f32 v6, v47;
	v20 =	vor.u32 $0x80, v1  }
0x1bf: {  	v10 =	vmul.f32 v26, v47;
	v5 =	vmax.f32 v63, $0.0e+00;
	v63 =	vld [tilespmem:$0x1F8A0];
	v24 =	vor.u32 $0x80, v3  }
0x1c0: {  	[tilespmem:$0x1F870] =	vst v47;
	v4 =	vadd.f32 v50, v4;
	v47 =	vadd.f32 v25, v9;
	v5 =	vmul.f32 v5, v56;
	v19 =	vld [tilespmem:$0x1F8C0]  }
0x1c1: {  	v31 =	vand.u32 $0x7F, v31;
	v23 =	vadd.f32 v15, v22;
	v27 =	vadd.f32 v8, v22;
	v28 =	vld.idx.msk [tilespmem:v1+s12+$0x0], $0xffff  }
0x1c2: {  	[tilespmem:$0x1FFF0] =	vst v38;
	v34 =	vand.u32 $0x7F, v45;
	v5 =	vadd.f32 v0, v5;
	v6 =	vadd.f32 v2, v6;
	v38 =	vld.idx.msk [tilespmem:v3+s12+$0x0], $0xffff  }
0x1c3: {  	v0 =	vmax.f32 v23, $0.0e+00;
	v45 =	vmax.f32 v27, $0.0e+00;
	v2 =	vcvt.s32.f32 v31;
	v11 =	vld.idx.msk [tilespmem:v20+s12+$0x0], $0xffff  }
0x1c4: {  	v30 =	vmul.f32 v0, v29;
	v0 =	vcvt.s32.f32 v34;
	v5 =	vadd.f32 v5, v10;
	v56 =	vld.idx.msk [tilespmem:v24+s12+$0x0], $0xffff  }
0x1c5: {  	v23 =	vld [tilespmem:$0x1F8E0];
	v50 =	vmul.f32 v45, v29;
	v4 =	vadd.f32 v4, v63;
	v7 =	vadd.f32 v47, v63  }
0x1c6: {  	v59 =	vmul.f32 v2, v41;
	v6 =	vadd.f32 v6, v30;
	v60 =	vmul.f32 v0, v41;
	v24 =	vld [tilespmem:$0x1F8F0]  }
0x1c7: {  	v27 =	vld [tilespmem:$0x1F900];
	v5 =	vadd.f32 v5, v50;
	v22 =	vmul.f32 v0, v19;
	v20 =	vmul.f32 v2, v19  }
0x1c8: {  	v45 =	vld [tilespmem:$0x1F920];
	v4 =	vmax.f32 v4, $0.0e+00;
	v8 =	vadd.f32 v59, v28;
	v21 =	vadd.f32 v38, v60  }
0x1c9: {  	v4 =	vmul.f32 v4, v57;
	v9 =	vadd.f32 v11, v20;
	v38 =	vld [tilespmem:$0x1F780];
	v10 =	vadd.f32 v56, v22  }
0x1ca: {  	v29 =	vld [tilespmem:$0x1F910];
	v7 =	vmax.f32 v7, $0.0e+00;
	v8 =	vadd.f32 v8, v23;
	v11 =	vadd.f32 v21, v23  }
0x1cb: {  	v25 =	vmul.f32 v7, v57;
	v4 =	vadd.f32 v6, v4;
	v26 =	vadd.f32 v10, v24  }
0x1cc: {  	v63 =	vld [tilespmem:$0x1F790];
	v9 =	vadd.f32 v9, v24;
	v7 =	vmax.f32 v8, $0.0e+00;
	v8 =	vmax.f32 v11, $0.0e+00  }
0x1cd: {  	v28 =	vmul.f32 v7, v27;
	v59 =	vmul.f32 v7, v37;
	v6 =	vmax.f32 v26, $0.0e+00  }
0x1ce: {  	v39 =	vld [tilespmem:$0x1F7A0];
	v9 =	vmax.f32 v9, $0.0e+00;
	v50 =	vmul.f32 v8, v38;
	v13 =	vmul.f32 v6, v45  }
0x1cf: {  	[tilespmem:$0x1FAF0] =	vst v4;
	v4 =	vadd.f32 v5, v25;
	v23 =	vld [tilespmem:$0x1F930];
	v30 =	vmul.f32 v9, v29;
	v31 =	vmul.f32 v8, v27  }
0x1d0: {  	v40 =	vmul.f32 v7, v38;
	v34 =	vmul.f32 v6, v29;
	v5 =	vadd.f32 v13, v50;
	v50 =	vld [tilespmem:$0x1F950]  }
0x1d1: {  	v47 =	vmul.f32 v9, v45;
	v21 =	vmul.f32 v9, v63;
	v26 =	vld [tilespmem:$0x1F940]  }
0x1d2: {  	[tilespmem:$0x1FC40] =	vst v4;
	v22 =	vmul.f32 v8, v37;
	v25 =	vmul.f32 v6, v63;
	v4 =	vadd.f32 v34, v31;
	v31 =	vld [tilespmem:$0x1F960]  }
0x1d3: {  	v45 =	vmul.f32 v7, v39;
	v29 =	vmul.f32 v7, v43  }
0x1d4: {  	v10 =	vadd.f32 v30, v28;
	v11 =	vadd.f32 v47, v40;
	v18 =	vmul.f32 v8, v23  }
0x1d5: {  	[tilespmem:$0x1F8B0] =	vst v57;
	v12 =	vadd.f32 v21, v59;
	v47 =	vmul.f32 v8, v39;
	v57 =	vmul.f32 v9, v50  }
0x1d6: {  	v13 =	vadd.f32 v25, v22;
	v19 =	vmul.f32 v6, v26;
	v22 =	vmul.f32 v6, v50  }
0x1d7: {  	v28 =	vor.u32 $0x100, v1;
	v34 =	vmul.f32 v9, v31;
	v15 =	vadd.f32 v57, v45;
	v45 =	vld [tilespmem:$0x1F7B0]  }
0x1d8: {  	v60 =	vmovc v36;
	v16 =	vadd.f32 v19, v18;
	v18 =	vadd.f32 v22, v47;
	v47 =	vmul.f32 v9, v36  }
0x1d9: {  	v21 =	vadd.f32 v34, v29;
	v57 =	vmul.f32 v6, v36;
	v36 =	vmovc v35;
	v34 =	vmul.f32 v2, v35;
	v35 =	vld [tilespmem:$0x1F980];
	_ =	sdelay $0x2  }
0x1da: {  	v17 =	vld.idx.msk [tilespmem:v28+s12+$0x0], $0xffff;
	v40 =	vmul.f32 v7, v45  }
0x1db: {  	v24 =	vmul.f32 v7, v23;
	v59 =	vor.u32 $0x100, v3;
	v27 =	vmul.f32 v9, v26;
	v50 =	vld [tilespmem:$0x1F970]  }
0x1dc: {  	v28 =	vmul.f32 v6, v35;
	v22 =	vadd.f32 v47, v40;
	v40 =	vmul.f32 v9, v35;
	v35 =	vld [tilespmem:$0x1F7C0]  }
0x1dd: {  	v47 =	vld [tilespmem:$0x1F990]  }
0x1de: {  	v30 =	vmul.f32 v8, v43;
	v14 =	vadd.f32 v27, v24;
	v24 =	vmul.f32 v6, v31;
	_ =	sdelay $0x1  }
0x1df: {  	v56 =	vmovc v37;
	v37 =	vmov v43;
	v20 =	vld.idx.msk [tilespmem:v59+s12+$0x0], $0xffff;
	v19 =	vadd.f32 v24, v30;
	v43 =	vmul.f32 v8, v45  }
0x1e0: {  	v17 =	vadd.f32 v17, v34;
	v34 =	vld [tilespmem:$0x1F7E0];
	v24 =	vmul.f32 v7, v50;
	v59 =	vmul.f32 v8, v50  }
0x1e1: {  	v23 =	vadd.f32 v57, v43;
	v43 =	vmul.f32 v7, v35;
	v50 =	vmul.f32 v9, v47  }
0x1e2: {  	v24 =	vadd.f32 v40, v24;
	v40 =	vld [tilespmem:$0x1F9A0]  }
0x1e3: {  	v27 =	vadd.f32 v50, v43;
	v43 =	vld [tilespmem:$0x1F7D0];
	_ =	sdelay $0x1  }
0x1e4: {  	v17 =	vadd.f32 v17, v34  }
0x1e5: {  	v25 =	vadd.f32 v28, v59;
	v57 =	vmul.f32 v0, v36;
	v59 =	vmul.f32 v8, v35  }
0x1e6: {  	v17 =	vmax.f32 v17, $0.0e+00;
	v47 =	vmul.f32 v6, v47;
	v6 =	vmul.f32 v6, v40  }
0x1e7: {  	v50 =	vmul.f32 v17, v42;
	v8 =	vmul.f32 v8, v43  }
0x1e8: {  	v20 =	vadd.f32 v20, v57;
	v57 =	vld [tilespmem:$0x1F9B0]  }
0x1e9: {  	v6 =	vadd.f32 v6, v8;
	v8 =	vadd.f32 v50, v10;
	v50 =	vld [tilespmem:$0x1F7F0]  }
0x1ea: {  	v20 =	vadd.f32 v20, v34;
	v9 =	vmul.f32 v9, v40;
	v7 =	vmul.f32 v7, v43;
	_ =	sdelay $0x1  }
0x1eb: {  	v7 =	vadd.f32 v9, v7;
	v9 =	vmax.f32 v20, $0.0e+00  }
0x1ec: {  	v26 =	vadd.f32 v47, v59;
	v59 =	vmul.f32 v17, v57;
	v30 =	vmul.f32 v9, v57;
	v57 =	vld [tilespmem:$0x1F9C0]  }
0x1ed: {  	v40 =	vmul.f32 v17, v50;
	_ =	sdelay $0x1  }
0x1ee: {  	v20 =	vmul.f32 v9, v42;
	v12 =	vadd.f32 v40, v12;
	v40 =	vld [tilespmem:$0x1F9D0]  }
0x1ef: {  	v11 =	vadd.f32 v59, v11  }
0x1f0: {  	v4 =	vadd.f32 v20, v4;
	v59 =	vmul.f32 v17, v57;
	v20 =	vmul.f32 v9, v57;
	v57 =	vld [tilespmem:$0x1F9E0]  }
0x1f1: {  	v47 =	vmul.f32 v9, v50;
	_ =	sdelay $0x1  }
0x1f2: {  	v13 =	vadd.f32 v47, v13;
	v47 =	vmul.f32 v17, v40  }
0x1f3: {  	v29 =	vor.u32 $0x180, v3;
	v14 =	vadd.f32 v59, v14  }
0x1f4: {  	v59 =	vmul.f32 v17, v57;
	v15 =	vadd.f32 v47, v15;
	v47 =	vmul.f32 v9, v57;
	v57 =	vld [tilespmem:$0x1F9F0];
	_ =	sdelay $0x1  }
0x1f5: {  	v28 =	vmul.f32 v9, v40;
	v40 =	vld [tilespmem:$0x1FA20];
	_ =	sdelay $0x1  }
0x1f6: {  	v10 =	vor.u32 $0x180, v1;
	v16 =	vadd.f32 v20, v16;
	v20 =	vld.idx.msk [tilespmem:v29+s12+$0x0], $0xffff  }
0x1f7: {  	v21 =	vadd.f32 v59, v21;
	v59 =	vmul.f32 v17, v57;
	v29 =	vmul.f32 v9, v57;
	v57 =	vld [tilespmem:$0x1FA10];
	_ =	sdelay $0x1  }
0x1f8: {  	v19 =	vadd.f32 v47, v19;
	v47 =	vmul.f32 v17, v40;
	_ =	sdelay $0x1  }
0x1f9: {  	v10 =	vld.idx.msk [tilespmem:v10+s12+$0x0], $0xffff;
	v24 =	vadd.f32 v47, v24;
	v47 =	vmul.f32 v9, v40  }
0x1fa: {  	v22 =	vadd.f32 v59, v22;
	v59 =	vmul.f32 v2, v57;
	v31 =	vmul.f32 v0, v57;
	v57 =	vld [tilespmem:$0x1FA30]  }
0x1fb: {  	v40 =	vld [tilespmem:$0x1FA50]  }
0x1fc: {  	v25 =	vadd.f32 v47, v25;
	v47 =	vld [tilespmem:$0x1FA40];
	_ =	sdelay $0x1  }
0x1fd: {  	v23 =	vadd.f32 v29, v23;
	v10 =	vadd.f32 v10, v59  }
0x1fe: {  	v20 =	vadd.f32 v20, v31;
	v59 =	vmul.f32 v17, v57;
	v29 =	vmul.f32 v9, v57;
	v57 =	vld [tilespmem:$0x1FA60];
	_ =	sdelay $0x1  }
0x1ff: {  	v10 =	vadd.f32 v10, v47;
	v20 =	vadd.f32 v20, v47;
	v17 =	vmul.f32 v17, v40  }
0x200: {  	v9 =	vmul.f32 v9, v40  }
0x201: {  	v40 =	vld [tilespmem:$0x1FA70];
	v10 =	vmax.f32 v10, $0.0e+00;
	v7 =	vadd.f32 v17, v7;
	v17 =	vmax.f32 v20, $0.0e+00  }
0x202: {  	v27 =	vadd.f32 v59, v27;
	v59 =	vmul.f32 v10, v57;
	v20 =	vmul.f32 v17, v57;
	v57 =	vld [tilespmem:$0x1FA80];
	_ =	sdelay $0x2  }
0x203: {  	v5 =	vadd.f32 v30, v5  }
0x204: {  	v26 =	vadd.f32 v29, v26;
	v47 =	vmul.f32 v10, v40;
	v30 =	vmul.f32 v17, v40;
	v40 =	vld [tilespmem:$0x1FA90]  }
0x205: {  	v8 =	vadd.f32 v59, v8;
	v59 =	vmul.f32 v10, v57;
	v29 =	vmul.f32 v17, v57;
	v57 =	vld [tilespmem:$0x1FAA0];
	_ =	sdelay $0x3  }
0x206: {  	v6 =	vadd.f32 v9, v6;
	v9 =	vadd.f32 v47, v11;
	v47 =	vmul.f32 v17, v40  }
0x207: {  	v11 =	vadd.f32 v59, v12;
	v59 =	vmul.f32 v10, v57  }
0x208: {  	v12 =	vadd.f32 v47, v16;
	v47 =	vld [tilespmem:$0x1FAB0]  }
0x209: {  	v15 =	vadd.f32 v59, v15;
	v59 =	vld [tilespmem:$0x1FAC0]  }
0x20a: {  	v18 =	vadd.f32 v28, v18  }
0x20b: {  	v28 =	vor.u32 $0x200, v1;
	v4 =	vadd.f32 v20, v4;
	v5 =	vadd.f32 v30, v5  }
0x20c: {  	v20 =	vor.u32 $0x200, v3;
	v30 =	vmul.f32 v10, v40;
	v40 =	vmul.f32 v17, v57  }
0x20d: {  	v13 =	vadd.f32 v29, v13;
	v57 =	vmul.f32 v10, v47;
	v29 =	vmul.f32 v17, v47  }
0x20e: {  	v18 =	vadd.f32 v40, v18;
	v40 =	vmul.f32 v10, v59;
	v47 =	vmul.f32 v17, v59;
	v59 =	vld [tilespmem:$0x1FAD0];
	_ =	sdelay $0x3  }
0x20f: {  	v28 =	vld.idx.msk [tilespmem:v28+s12+$0x0], $0xffff  }
0x210: {  	v20 =	vld.idx.msk [tilespmem:v20+s12+$0x0], $0xffff;
	v16 =	vadd.f32 v57, v21;
	v21 =	vadd.f32 v47, v23;
	v47 =	vmul.f32 v17, v59  }
0x211: {  	v31 =	vld [tilespmem:$0x1FB00]  }
0x212: {  	v57 =	vmul.f32 v2, v54;
	v25 =	vadd.f32 v47, v25;
	v47 =	vld [tilespmem:$0x1FB10]  }
0x213: {  	v22 =	vadd.f32 v40, v22;
	v40 =	vmul.f32 v10, v59;
	v59 =	vmul.f32 v0, v54  }
0x214: {  	[tilespmem:$0x1FAE0] =	vst v54;
	v54 =	vld [tilespmem:$0x1FB20]  }
0x215: {  	v23 =	vadd.f32 v28, v57;
	v20 =	vadd.f32 v20, v59  }
0x216: {  	v57 =	vmul.f32 v10, v31  }
0x217: {  	v23 =	vadd.f32 v23, v47;
	v20 =	vadd.f32 v20, v47;
	v47 =	vld [tilespmem:$0x1FB40]  }
0x218: {  	v27 =	vadd.f32 v57, v27;
	v57 =	vmul.f32 v17, v31  }
0x219: {  	v59 =	vld [tilespmem:$0x1FB30];
	v10 =	vmul.f32 v10, v54  }
0x21a: {  	v26 =	vadd.f32 v57, v26;
	v17 =	vmul.f32 v17, v54  }
0x21b: {  	v57 =	vld [tilespmem:$0x1FB50];
	v7 =	vadd.f32 v10, v7;
	v23 =	vmax.f32 v23, $0.0e+00;
	v10 =	vmax.f32 v20, $0.0e+00  }
0x21c: {  	v14 =	vadd.f32 v30, v14;
	v54 =	vmul.f32 v23, v47;
	v30 =	vmul.f32 v10, v47;
	v47 =	vld [tilespmem:$0x1FB60];
	_ =	sdelay $0x1  }
0x21d: {  	v24 =	vadd.f32 v40, v24;
	v40 =	vmul.f32 v23, v59;
	_ =	sdelay $0x1  }
0x21e: {  	v20 =	vmul.f32 v10, v59;
	v59 =	vmul.f32 v23, v57;
	v8 =	vadd.f32 v40, v8  }
0x21f: {  	v40 =	vmul.f32 v10, v57;
	v57 =	vld [tilespmem:$0x1FB70];
	v9 =	vadd.f32 v54, v9;
	v54 =	vmul.f32 v23, v47;
	_ =	sdelay $0x1  }
0x220: {  	v14 =	vadd.f32 v54, v14;
	v54 =	vld [tilespmem:$0x1FB80];
	_ =	sdelay $0x1  }
0x221: {  	v19 =	vadd.f32 v29, v19  }
0x222: {  	v6 =	vadd.f32 v17, v6;
	v11 =	vadd.f32 v59, v11;
	v59 =	vmul.f32 v23, v57  }
0x223: {  	v17 =	vor.u32 $0x280, v1;
	v4 =	vadd.f32 v20, v4;
	v13 =	vadd.f32 v40, v13  }
0x224: {  	v40 =	vld [tilespmem:$0x1FB90];
	v20 =	vmul.f32 v10, v47;
	v15 =	vadd.f32 v59, v15;
	v59 =	vmul.f32 v10, v54  }
0x225: {  	v47 =	vmul.f32 v10, v57;
	v57 =	vmul.f32 v23, v54;
	v54 =	vld [tilespmem:$0x1FBA0]  }
0x226: {  	v29 =	vor.u32 $0x280, v3;
	v19 =	vadd.f32 v59, v19;
	v59 =	vld [tilespmem:$0x1FBB0];
	_ =	sdelay $0x1  }
0x227: {  	v17 =	vld.idx.msk [tilespmem:v17+s12+$0x0], $0xffff  }
0x228: {  	v18 =	vadd.f32 v47, v18;
	v47 =	vmul.f32 v23, v40  }
0x229: {  	v16 =	vadd.f32 v57, v16;
	v57 =	vmul.f32 v23, v54  }
0x22a: {  	v12 =	vadd.f32 v20, v12;
	v20 =	vld.idx.msk [tilespmem:v29+s12+$0x0], $0xffff;
	v22 =	vadd.f32 v47, v22;
	v47 =	vmul.f32 v2, v59  }
0x22b: {  	v24 =	vadd.f32 v57, v24;
	v57 =	vld [tilespmem:$0x1FBC0]  }
0x22c: {  	v17 =	vadd.f32 v17, v47;
	v47 =	vld [tilespmem:$0x1FBD0]  }
0x22d: {  	v31 =	vmul.f32 v0, v59  }
0x22e: {  	v54 =	vmul.f32 v10, v54  }
0x22f: {  	v29 =	vmul.f32 v10, v40;
	v40 =	vld [tilespmem:$0x1FBE0];
	v20 =	vadd.f32 v20, v31  }
0x230: {  	v25 =	vadd.f32 v54, v25;
	v54 =	vld [tilespmem:$0x1FBF0];
	v59 =	vmul.f32 v23, v57  }
0x231: {  	v17 =	vadd.f32 v17, v47;
	v20 =	vadd.f32 v20, v47;
	v47 =	vld [tilespmem:$0x1FC10]  }
0x232: {  	v27 =	vadd.f32 v59, v27;
	v59 =	vld [tilespmem:$0x1FC00]  }
0x233: {  	v21 =	vadd.f32 v29, v21  }
0x234: {  	v29 =	vmul.f32 v10, v57;
	v23 =	vmul.f32 v23, v40;
	v17 =	vmax.f32 v17, $0.0e+00  }
0x235: {  	v10 =	vmul.f32 v10, v40;
	v20 =	vmax.f32 v20, $0.0e+00;
	v57 =	vmul.f32 v17, v54  }
0x236: {  	v7 =	vadd.f32 v23, v7;
	v23 =	vmul.f32 v20, v54;
	v54 =	vmul.f32 v17, v47  }
0x237: {  	v40 =	vmul.f32 v17, v59;
	v8 =	vadd.f32 v57, v8;
	v57 =	vld [tilespmem:$0x1FC20]  }
0x238: {  	v6 =	vadd.f32 v10, v6;
	v10 =	vadd.f32 v54, v11;
	v54 =	vld [tilespmem:$0x1FC30]  }
0x239: {  	v9 =	vadd.f32 v40, v9;
	v40 =	vld [tilespmem:$0x1FC50];
	_ =	sdelay $0x1  }
0x23a: {  	v28 =	vor.u32 $0x300, v1;
	v5 =	vadd.f32 v30, v5;
	v30 =	vmul.f32 v20, v59  }
0x23b: {  	v26 =	vadd.f32 v29, v26;
	v29 =	vmul.f32 v20, v47;
	v59 =	vmul.f32 v17, v57  }
0x23c: {  	v4 =	vadd.f32 v23, v4;
	v47 =	vmul.f32 v20, v57;
	v57 =	vmul.f32 v17, v54  }
0x23d: {  	v14 =	vadd.f32 v59, v14;
	v59 =	vmul.f32 v20, v54;
	v54 =	vmul.f32 v20, v40  }
0x23e: {  	v23 =	vor.u32 $0x300, v3;
	v11 =	vadd.f32 v47, v12;
	v12 =	vadd.f32 v57, v15;
	v57 =	vld [tilespmem:$0x1FC60]  }
0x23f: {  	v19 =	vadd.f32 v54, v19;
	v54 =	vld [tilespmem:$0x1FC70];
	_ =	sdelay $0x1  }
0x240: {  	v47 =	vmul.f32 v17, v40  }
0x241: {  	v28 =	vld.idx.msk [tilespmem:v28+s12+$0x0], $0xffff  }
0x242: {  	v15 =	vadd.f32 v47, v16;
	v16 =	vld.idx.msk [tilespmem:v23+s12+$0x0], $0xffff;
	v47 =	vmul.f32 v2, v55;
	v40 =	vmul.f32 v20, v57  }
0x243: {  	v18 =	vadd.f32 v59, v18;
	v59 =	vmul.f32 v17, v57;
	v57 =	vmul.f32 v17, v54  }
0x244: {  	v21 =	vadd.f32 v40, v21;
	v40 =	vmul.f32 v20, v54;
	v54 =	vmul.f32 v0, v55;
	v55 =	vld [tilespmem:$0x1FCA0];
	_ =	sdelay $0x1  }
0x245: {  	v22 =	vadd.f32 v59, v22;
	v59 =	vadd.f32 v28, v47  }
0x246: {  	v24 =	vadd.f32 v57, v24;
	v57 =	vld [tilespmem:$0x1FCB0];
	v16 =	vadd.f32 v16, v54  }
0x247: {  	v25 =	vadd.f32 v40, v25;
	v40 =	vld [tilespmem:$0x1FCC0]  }
0x248: {  	v23 =	vadd.f32 v59, v55;
	v16 =	vadd.f32 v16, v55;
	v55 =	vld [tilespmem:$0x1FCD0];
	_ =	sdelay $0x1  }
0x249: {  	v47 =	vmul.f32 v17, v58  }
0x24a: {  	v17 =	vmul.f32 v17, v57;
	v23 =	vmax.f32 v23, $0.0e+00  }
0x24b: {  	v27 =	vadd.f32 v47, v27;
	v59 =	vmul.f32 v20, v58;
	v47 =	vmul.f32 v23, v40  }
0x24c: {  	v20 =	vmul.f32 v20, v57;
	v58 =	vld [tilespmem:$0x1FCE0];
	v57 =	vmul.f32 v23, v55  }
0x24d: {  	v8 =	vadd.f32 v47, v8;
	v47 =	vld [tilespmem:$0x1FCF0]  }
0x24e: {  	v9 =	vadd.f32 v57, v9;
	v57 =	vld [tilespmem:$0x1FD00]  }
0x24f: {  	v16 =	vmax.f32 v16, $0.0e+00  }
0x250: {  	v5 =	vadd.f32 v30, v5;
	v54 =	vmul.f32 v16, v40;
	v30 =	vmul.f32 v16, v55  }
0x251: {  	v26 =	vadd.f32 v59, v26;
	v59 =	vmul.f32 v23, v58;
	v40 =	vmul.f32 v16, v58  }
0x252: {  	v4 =	vadd.f32 v54, v4;
	v54 =	vmul.f32 v23, v47;
	v55 =	vmul.f32 v16, v47;
	v47 =	vld [tilespmem:$0x1FD10]  }
0x253: {  	v10 =	vadd.f32 v59, v10;
	v58 =	vmul.f32 v23, v57;
	v59 =	vmul.f32 v16, v57;
	v57 =	vld [tilespmem:$0x1FD20]  }
0x254: {  	v7 =	vadd.f32 v17, v7;
	v17 =	vor.u32 $0x380, v1;
	_ =	sdelay $0x1  }
0x255: {  	v13 =	vadd.f32 v29, v13;
	v29 =	vor.u32 $0x380, v3  }
0x256: {  	v14 =	vadd.f32 v54, v14;
	v11 =	vadd.f32 v55, v11;
	v54 =	vmul.f32 v23, v47  }
0x257: {  	v12 =	vadd.f32 v58, v12;
	v55 =	vmul.f32 v16, v47;
	v47 =	vld [tilespmem:$0x1FD30];
	v58 =	vmul.f32 v23, v57  }
0x258: {  	v17 =	vld.idx.msk [tilespmem:v17+s12+$0x0], $0xffff  }
0x259: {  	v13 =	vadd.f32 v40, v13;
	v40 =	vmul.f32 v23, v46;
	v22 =	vadd.f32 v58, v22;
	v58 =	vld [tilespmem:$0x1FD40]  }
0x25a: {  	v6 =	vadd.f32 v20, v6;
	v20 =	vld.idx.msk [tilespmem:v29+s12+$0x0], $0xffff  }
0x25b: {  	v24 =	vadd.f32 v40, v24;
	v40 =	vld [tilespmem:$0x1FD50];
	v18 =	vadd.f32 v59, v18;
	v59 =	vmul.f32 v16, v57  }
0x25c: {  	v15 =	vadd.f32 v54, v15;
	v19 =	vadd.f32 v55, v19;
	v55 =	vmul.f32 v2, v47  }
0x25d: {  	v57 =	vmul.f32 v16, v46;
	v21 =	vadd.f32 v59, v21;
	v31 =	vmul.f32 v0, v47  }
0x25e: {  	v54 =	vmovc v46;
	v46 =	vld [tilespmem:$0x1FD60];
	v17 =	vadd.f32 v17, v55;
	v59 =	vmul.f32 v23, v58;
	v29 =	vmul.f32 v16, v58  }
0x25f: {  	v20 =	vadd.f32 v20, v31;
	v23 =	vmul.f32 v23, v53;
	v16 =	vmul.f32 v16, v53;
	v58 =	vmovc v53;
	v53 =	vld [tilespmem:$0x1FD70]  }
0x260: {  	v17 =	vadd.f32 v17, v40  }
0x261: {  	v20 =	vadd.f32 v20, v40;
	v40 =	vld [tilespmem:$0x1FD90]  }
0x262: {  	v17 =	vmax.f32 v17, $0.0e+00  }
0x263: {  	v20 =	vmax.f32 v20, $0.0e+00;
	v47 =	vmul.f32 v17, v46  }
0x264: {  	v5 =	vadd.f32 v30, v5;
	v55 =	vmul.f32 v17, v53;
	v30 =	vmul.f32 v20, v53;
	v53 =	vld [tilespmem:$0x1F800]  }
0x265: {  	v25 =	vadd.f32 v57, v25;
	v57 =	vld [tilespmem:$0x1FD80];
	v7 =	vadd.f32 v23, v7  }
0x266: {  	v23 =	vmul.f32 v20, v46;
	v8 =	vadd.f32 v47, v8;
	v47 =	vmul.f32 v20, v40  }
0x267: {  	v28 =	vadd.s32 $0x2000, v1  }
0x268: {  	v4 =	vadd.f32 v23, v4;
	v23 =	vadd.s32 $0x2000, v3;
	v11 =	vadd.f32 v47, v11;
	v47 =	vld [tilespmem:$0x1FDA0]  }
0x269: {  	v46 =	vmul.f32 v17, v40;
	v9 =	vadd.f32 v55, v9;
	v55 =	vmul.f32 v17, v53  }
0x26a: {  	v27 =	vadd.f32 v59, v27;
	v59 =	vmul.f32 v17, v57  }
0x26b: {  	v26 =	vadd.f32 v29, v26;
	v29 =	vmul.f32 v20, v57;
	v14 =	vadd.f32 v46, v14;
	v46 =	vld [tilespmem:$0x1F810]  }
0x26c: {  	v28 =	vld.idx.msk [tilespmem:v28+s12+$0x0], $0xffff;
	v10 =	vadd.f32 v59, v10;
	v59 =	vmul.f32 v17, v48;
	v40 =	vmul.f32 v20, v48  }
0x26d: {  	v57 =	vmul.f32 v20, v53;
	v12 =	vadd.f32 v55, v12;
	v55 =	vmovc v48;
	v48 =	vmul.f32 v17, v47  }
0x26e: {  	v6 =	vadd.f32 v16, v6;
	v19 =	vadd.f32 v40, v19;
	v40 =	vmul.f32 v17, v49;
	v16 =	vld.idx.msk [tilespmem:v23+s12+$0x0], $0xffff  }
0x26f: {  	v18 =	vadd.f32 v57, v18;
	v57 =	vmul.f32 v20, v47;
	v22 =	vadd.f32 v48, v22;
	v48 =	vld [tilespmem:$0x1F830]  }
0x270: {  	v15 =	vadd.f32 v59, v15;
	v24 =	vadd.f32 v40, v24;
	v59 =	vmul.f32 v2, v46  }
0x271: {  	v40 =	vmul.f32 v0, v46;
	v21 =	vadd.f32 v57, v21;
	v57 =	vmul.f32 v20, v49;
	v49 =	vld [tilespmem:$0x1F820]  }
0x272: {  	v47 =	vadd.f32 v28, v59  }
0x273: {  	v16 =	vadd.f32 v16, v40;
	v40 =	vld [tilespmem:$0x1FDF0]  }
0x274: {  	v23 =	vadd.f32 v47, v48;
	v47 =	vld [tilespmem:$0x1FDD0];
	_ =	sdelay $0x1  }
0x275: {  	v25 =	vadd.f32 v57, v25;
	v57 =	vmul.f32 v20, v49;
	v16 =	vadd.f32 v16, v48;
	_ =	sdelay $0x1  }
0x276: {  	v59 =	vmul.f32 v17, v49;
	v26 =	vadd.f32 v57, v26;
	v16 =	vmax.f32 v16, $0.0e+00  }
0x277: {  	v57 =	vld [tilespmem:$0x1FE00];
	v23 =	vmax.f32 v23, $0.0e+00;
	v28 =	vmul.f32 v16, v40;
	v17 =	vmul.f32 v17, v47  }
0x278: {  	v20 =	vmul.f32 v20, v47;
	v47 =	vmul.f32 v23, v40;
	v40 =	vld [tilespmem:$0x1FE10]  }
0x279: {  	v27 =	vadd.f32 v59, v27;
	v59 =	vmul.f32 v23, v32;
	_ =	sdelay $0x1  }
0x27a: {  	v8 =	vadd.f32 v59, v8  }
0x27b: {  	v59 =	vmul.f32 v23, v57;
	v7 =	vadd.f32 v17, v7;
	v17 =	vmul.f32 v16, v32  }
0x27c: {  	v9 =	vadd.f32 v47, v9;
	v32 =	vmul.f32 v16, v57;
	v57 =	vld [tilespmem:$0x1FE20];
	v47 =	vmul.f32 v23, v40;
	_ =	sdelay $0x1  }
0x27d: {  	v13 =	vadd.f32 v29, v13;
	v14 =	vadd.f32 v47, v14;
	v47 =	vld [tilespmem:$0x1FE30]  }
0x27e: {  	v1 =	vadd.s32 $0x2080, v1  }
0x27f: {  	v13 =	vadd.f32 v32, v13;
	v32 =	vld [tilespmem:$0x1FE40]  }
0x280: {  	v3 =	vadd.s32 $0x2080, v3;
	v10 =	vadd.f32 v59, v10;
	v59 =	vmul.f32 v23, v57  }
0x281: {  	v4 =	vadd.f32 v17, v4;
	v17 =	vmul.f32 v16, v40;
	v40 =	vmul.f32 v16, v57  }
0x282: {  	v12 =	vadd.f32 v59, v12;
	v57 =	vmul.f32 v23, v47;
	v59 =	vmul.f32 v16, v47;
	v47 =	vld [tilespmem:$0x1FE50]  }
0x283: {  	v1 =	vld.idx.msk [tilespmem:v1+s12+$0x0], $0xffff;
	v5 =	vadd.f32 v30, v5;
	v11 =	vadd.f32 v17, v11  }
0x284: {  	v15 =	vadd.f32 v57, v15;
	v17 =	vadd.f32 v59, v19;
	v57 =	vmul.f32 v16, v32;
	v59 =	vld [tilespmem:$0x1FE60]  }
0x285: {  	v3 =	vld.idx.msk [tilespmem:v3+s12+$0x0], $0xffff  }
0x286: {  	v5 =	vadd.f32 v28, v5;
	v19 =	vadd.f32 v57, v21;
	v57 =	vld [tilespmem:$0x1FE70]  }
0x287: {  	v28 =	vld [tilespmem:$0x1FE80];
	v18 =	vadd.f32 v40, v18;
	v40 =	vmul.f32 v23, v32;
	v2 =	vmul.f32 v2, v47  }
0x288: {  	v6 =	vadd.f32 v20, v6;
	v0 =	vmul.f32 v0, v47  }
0x289: {  	v29 =	vld [tilespmem:$0x1FE90];
	v20 =	vadd.f32 v40, v22;
	v32 =	vmul.f32 v23, v59;
	v1 =	vadd.f32 v1, v2  }
0x28a: {  	v47 =	vmul.f32 v23, v62;
	v40 =	vmul.f32 v16, v59;
	v0 =	vadd.f32 v3, v0  }
0x28b: {  	v59 =	vmul.f32 v16, v62;
	v21 =	vadd.f32 v32, v24;
	v1 =	vadd.f32 v1, v57;
	v32 =	vld [tilespmem:$0x1FEA0]  }
0x28c: {  	v3 =	vadd.f32 v47, v27;
	v23 =	vmul.f32 v23, v28;
	v0 =	vadd.f32 v0, v57;
	v57 =	vld [tilespmem:$0x1FEB0]  }
0x28d: {  	v16 =	vmul.f32 v16, v28;
	v2 =	vadd.f32 v40, v25;
	v1 =	vmax.f32 v1, $0.0e+00  }
0x28e: {  	v7 =	vadd.f32 v23, v7;
	v23 =	vmax.f32 v0, $0.0e+00;
	v30 =	vmul.f32 v1, v29  }
0x28f: {  	v22 =	vadd.f32 v59, v26;
	v6 =	vadd.f32 v16, v6;
	v31 =	vmul.f32 v23, v29;
	v29 =	vld [tilespmem:$0x1FEC0]  }
0x290: {  	v40 =	vmul.f32 v1, v32;
	v0 =	vadd.f32 v30, v8;
	v47 =	vmul.f32 v23, v32;
	v32 =	vld [tilespmem:$0x1FEE0]  }
0x291: {  	v59 =	vmul.f32 v1, v57;
	v4 =	vadd.f32 v31, v4;
	v28 =	vmul.f32 v23, v57;
	v57 =	vld [tilespmem:$0x1FEF0]  }
0x292: {  	v9 =	vadd.f32 v40, v9;
	v5 =	vadd.f32 v47, v5  }
0x293: {  	v8 =	vadd.f32 v59, v10;
	v0 =	vadd.f32 v0, v51  }
0x294: {  	v13 =	vadd.f32 v28, v13;
	v30 =	vmul.f32 v1, v29;
	v31 =	vmul.f32 v23, v29;
	v29 =	vld [tilespmem:$0x1FF00]  }
0x295: {  	v25 =	vld [tilespmem:$0x1FFB0];
	v4 =	vadd.f32 v4, v51;
	v0 =	vmax.f32 v0, $0.0e+00;
	v40 =	vmul.f32 v1, v32  }
0x296: {  	v8 =	vadd.f32 v8, v61;
	v47 =	vmul.f32 v23, v32;
	v59 =	vmul.f32 v1, v57;
	v32 =	vld [tilespmem:$0x1FF20]  }
0x297: {  	v10 =	vadd.f32 v30, v14;
	v11 =	vadd.f32 v31, v11;
	v28 =	vmul.f32 v23, v57  }
0x298: {  	v57 =	vmul.f32 v1, v44;
	v12 =	vadd.f32 v40, v12;
	v15 =	vadd.f32 v59, v15;
	v59 =	vld [tilespmem:$0x1FF40]  }
0x299: {  	v16 =	vadd.f32 v28, v17;
	v28 =	vmul.f32 v23, v44;
	v44 =	vld [tilespmem:$0x1FF90];
	v30 =	vmul.f32 v1, v29  }
0x29a: {  	v14 =	vadd.f32 v47, v18;
	v31 =	vmul.f32 v23, v29;
	v29 =	vld [tilespmem:$0x1FF30];
	v26 =	vadd.f32 v12, v25  }
0x29b: {  	v40 =	vmul.f32 v1, v32;
	v18 =	vadd.f32 v30, v20;
	v47 =	vmul.f32 v23, v32  }
0x29c: {  	v4 =	vmax.f32 v4, $0.0e+00;
	v17 =	vadd.f32 v31, v19;
	v20 =	vadd.f32 v57, v3  }
0x29d: {  	v8 =	vmax.f32 v8, $0.0e+00;
	v32 =	vld [tilespmem:$0x1FF70];
	v19 =	vadd.f32 v40, v21;
	v2 =	vadd.f32 v47, v2  }
0x29e: {  	v0 =	vmul.f32 v0, v59;
	v21 =	vadd.f32 v28, v22;
	v40 =	vadd.f32 v13, v61  }
0x29f: {  	v30 =	vmul.f32 v4, v59;
	v10 =	vadd.f32 v10, v44;
	v47 =	vld [tilespmem:$0x1FFA0];
	v5 =	vadd.f32 v5, v29  }
0x2a0: {  	v1 =	vmul.f32 v1, v33;
	v59 =	vadd.f32 v11, v44;
	v13 =	vld [tilespmem:$0x1FFC0];
	v9 =	vadd.f32 v9, v29  }
0x2a1: {  	v0 =	vadd.f32 v0, v52;
	v3 =	vadd.f32 v30, v52;
	v30 =	vld [tilespmem:$0x1FFE0];
	v5 =	vmax.f32 v5, $0.0e+00  }
0x2a2: {  	[tilespmem:$0x1FF60] =	vst v52;
	v52 =	vmax.f32 v40, $0.0e+00;
	v24 =	vmax.f32 v59, $0.0e+00;
	v59 =	vld [tilespmem:$0x1F840];
	v5 =	vmul.f32 v5, v32  }
0x2a3: {  	v57 =	vmax.f32 v10, $0.0e+00;
	v10 =	vadd.f32 v14, v25;
	v31 =	vmax.f32 v9, $0.0e+00  }
0x2a4: {  	[tilespmem:$0x1FF50] =	vst v61;
	v4 =	vmul.f32 v31, v32;
	v32 =	vld [tilespmem:$0x1FFD0];
	v61 =	vmul.f32 v52, v47;
	v3 =	vadd.f32 v3, v5  }
0x2a5: {  	v28 =	vmax.f32 v26, $0.0e+00;
	v1 =	vadd.f32 v1, v7;
	v29 =	vmax.f32 v10, $0.0e+00;
	v10 =	vld [tilespmem:s16+$0x30]  }
0x2a6: {  	v51 =	vmul.f32 v8, v47;
	v0 =	vadd.f32 v0, v4;
	v3 =	vadd.f32 v3, v61;
	v61 =	vld [tilespmem:$0x1FFF0]  }
0x2a7: {  	v22 =	vmul.f32 v57, v13;
	v8 =	vld [tilespmem:s16+$0x20];
	v31 =	vadd.f32 v15, v30;
	v57 =	vadd.f32 v18, v59  }
0x2a8: {  	v27 =	vmul.f32 v24, v13;
	v47 =	vadd.f32 v16, v30;
	v0 =	vadd.f32 v0, v51  }
0x2a9: {  	v40 =	vmul.f32 v28, v32;
	v44 =	vmul.f32 v29, v32;
	v15 =	vmax.f32 v57, $0.0e+00;
	v57 =	vld [tilespmem:$0x1F860]  }
0x2aa: {  	v9 =	vmax.f32 v31, $0.0e+00;
	v14 =	vmax.f32 v47, $0.0e+00;
	v28 =	vshra.s32 v10, $0x7;
	v47 =	vld [tilespmem:$0x1F880]  }
0x2ab: {  	v0 =	vadd.f32 v0, v22;
	v13 =	vmul.f32 v9, v61;
	v16 =	vmul.f32 v14, v61;
	v61 =	vld [tilespmem:$0x1F850]  }
0x2ac: {  	v3 =	vadd.f32 v3, v27;
	v22 =	vadd.f32 v17, v59;
	v24 =	vshra.s32 v8, $0x7  }
0x2ad: {  	v30 =	vshll.u32 v28, $0x3;
	v25 =	vshll.u32 v24, $0x3;
	v26 =	vand.u32 $0x7F, v24  }
0x2ae: {  	v52 =	vmovc v33;
	v11 =	vand.u32 $0xFFFFFC00, v30;
	v0 =	vadd.f32 v0, v40;
	v3 =	vadd.f32 v3, v44  }
0x2af: {  	v7 =	vmax.f32 v22, $0.0e+00;
	v40 =	vmul.f32 v23, v52;
	v29 =	vadd.f32 v19, v57  }
0x2b0: {  	v51 =	vld [tilespmem:$0x1F870];
	v19 =	vadd.f32 v21, v47;
	v0 =	vadd.f32 v0, v13;
	v18 =	vmul.f32 v15, v61  }
0x2b1: {  	v44 =	vld [tilespmem:$0x1F890];
	v4 =	vadd.f32 v3, v16;
	v27 =	vmul.f32 v7, v61;
	v7 =	vand.u32 $0x7F, v28  }
0x2b2: {  	v21 =	vld [tilespmem:$0x1F8A0];
	v3 =	vor.u32 v7, v11;
	v5 =	vadd.f32 v0, v18;
	v0 =	vand.u32 $0xFFFFFC00, v25  }
0x2b3: {  	v10 =	vand.u32 $0x7F, v10;
	v14 =	vld [tilespmem:$0x1F8D0];
	v2 =	vadd.f32 v2, v57;
	v33 =	vor.u32 v26, v0  }
0x2b4: {  	v6 =	vadd.f32 v40, v6;
	v40 =	vld [tilespmem:$0x1F8B0];
	v16 =	vadd.f32 v20, v47;
	v31 =	vor.u32 $0x80, v33  }
0x2b5: {  	v32 =	vmax.f32 v29, $0.0e+00;
	v2 =	vmax.f32 v2, $0.0e+00;
	v29 =	vld [tilespmem:$0x1F8C0];
	v17 =	vor.u32 $0x80, v3  }
0x2b6: {  	v22 =	vand.u32 $0x7F, v8;
	v2 =	vmul.f32 v2, v51;
	v15 =	vld [tilespmem:$0x1F8E0];
	v7 =	vmul.f32 v32, v51  }
0x2b7: {  	v1 =	vadd.f32 v1, v21;
	v32 =	vcvt.s32.f32 v22;
	v18 =	vmax.f32 v16, $0.0e+00;
	v24 =	vld.idx.msk [tilespmem:v3+s12+$0x0], $0xffff  }
0x2b8: {  	v6 =	vadd.f32 v6, v21;
	v4 =	vadd.f32 v4, v27;
	v11 =	vmul.f32 v18, v44;
	v23 =	vld.idx.msk [tilespmem:v33+s12+$0x0], $0xffff  }
0x2b9: {  	v25 =	vmax.f32 v1, $0.0e+00;
	v27 =	vmul.f32 v32, v41;
	v5 =	vadd.f32 v5, v7;
	v20 =	vld.idx.msk [tilespmem:v31+s12+$0x0], $0xffff  }
0x2ba: {  	v4 =	vadd.f32 v4, v2;
	v7 =	vmax.f32 v19, $0.0e+00;
	v2 =	vcvt.s32.f32 v10;
	v13 =	vld.idx.msk [tilespmem:v17+s12+$0x0], $0xffff  }
0x2bb: {  	v16 =	vld [tilespmem:$0x1F8F0];
	v26 =	vmul.f32 v25, v40;
	v7 =	vmul.f32 v7, v44;
	v5 =	vadd.f32 v5, v11  }
0x2bc: {  	v30 =	vmul.f32 v32, v29;
	v10 =	vsub.f32 $0.0e+00, v14;
	v28 =	vmul.f32 v2, v41  }
0x2bd: {  	v1 =	vmul.f32 v2, v29;
	v4 =	vadd.f32 v4, v7;
	v5 =	vadd.f32 v5, v26  }
0x2be: {  	v31 =	vadd.f32 v27, v23;
	v9 =	vadd.f32 v20, v30  }
0x2bf: {  	v10 =	vmul.f32 $1.442695020e+00, v10;
	v17 =	vld [tilespmem:$0x1F900];
	v7 =	vadd.f32 v24, v28;
	v8 =	vadd.f32 v13, v1  }
0x2c0: {  	v6 =	vmax.f32 v6, $0.0e+00;
	v41 =	vmovc v21;
	v21 =	vld [tilespmem:$0x1F910];
	[tilespmem:$0x1FDB0] =	vst v5;
	v5 =	vadd.f32 v31, v15;
	v9 =	vadd.f32 v9, v16  }
0x2c1: {  	v6 =	vmul.f32 v6, v40;
	(erf) = vpow2.f32 v10;
	v7 =	vadd.f32 v7, v15  }
0x2c2: {  	v26 =	vld [tilespmem:$0x1F920];
	v8 =	vadd.f32 v8, v16;
	v5 =	vmax.f32 v5, $0.0e+00;
	v9 =	vmax.f32 v9, $0.0e+00  }
0x2c3: {  	v7 =	vmax.f32 v7, $0.0e+00;
	v29 =	vmul.f32 v5, v56;
	v30 =	vmul.f32 v9, v63  }
0x2c4: {  	v19 =	vmul.f32 v7, v17;
	v8 =	vmax.f32 v8, $0.0e+00;
	v31 =	vmul.f32 v7, v56;
	v56 =	vld [tilespmem:$0x1F930]  }
0x2c5: {  	v24 =	vmul.f32 v7, v38;
	v25 =	vmul.f32 v8, v21;
	v10 =	vadd.f32 v30, v29;
	v30 =	vld [tilespmem:$0x1F940]  }
0x2c6: {  	v20 =	vmul.f32 v5, v38;
	v38 =	vmul.f32 v8, v63  }
0x2c7: {  	v23 =	vadd.f32 v4, v6;
	v28 =	vmul.f32 v8, v26;
	v6 =	vadd.f32 v25, v19  }
0x2c8: {  	v25 =	vmul.f32 v5, v39;
	v12 =	vadd.f32 v38, v31;
	v38 =	vmul.f32 v7, v39  }
0x2c9: {  	v4 =	vadd.f32 v28, v24;
	v63 =	vmul.f32 v5, v56;
	v24 =	vmul.f32 v7, v56  }
0x2ca: {  	v56 =	vor.u32 $0x100, v3;
	v31 =	vmul.f32 v9, v30;
	v39 =	vmul.f32 v8, v30;
	v30 =	vld [tilespmem:$0x1F960]  }
0x2cb: {  	v27 =	vmul.f32 v9, v26;
	v26 =	vld [tilespmem:$0x1F950];
	_ =	sdelay $0x1  }
0x2cc: {  	v16 =	vor.u32 $0x100, v33  }
0x2cd: {  	v18 =	vmul.f32 v5, v17;
	v22 =	vmul.f32 v9, v21  }
0x2ce: {  	v14 =	vadd.f32 v31, v63;
	v63 =	vmul.f32 v5, v37;
	v21 =	vld.idx.msk [tilespmem:v56+s12+$0x0], $0xffff;
	v31 =	vmul.f32 v9, v30  }
0x2cf: {  	v13 =	vadd.f32 v27, v20;
	v27 =	vmul.f32 v9, v26;
	v56 =	vld [tilespmem:$0x1F970]  }
0x2d0: {  	v28 =	vmul.f32 v7, v37;
	v11 =	vadd.f32 v22, v18;
	v18 =	vadd.f32 v31, v63;
	v63 =	vld [tilespmem:$0x1F980]  }
0x2d1: {  	v22 =	vmul.f32 v5, v45;
	v16 =	vld.idx.msk [tilespmem:v16+s12+$0x0], $0xffff;
	v29 =	vmul.f32 v8, v26;
	v17 =	vadd.f32 v27, v25  }
0x2d2: {  	v15 =	vadd.f32 v39, v24;
	v37 =	vmul.f32 v7, v45;
	v39 =	vmul.f32 v9, v60  }
0x2d3: {  	v19 =	vadd.f32 v29, v38;
	v45 =	vmul.f32 v8, v60;
	v38 =	vmul.f32 v8, v30  }
0x2d4: {  	v22 =	vadd.f32 v39, v22;
	v60 =	vmul.f32 v5, v56;
	v31 =	vmul.f32 v32, v36  }
0x2d5: {  	v20 =	vadd.f32 v38, v28;
	v38 =	vmul.f32 v2, v36;
	v30 =	vmul.f32 v9, v63  }
0x2d6: {  	[tilespmem:$0x1FED0] =	vst v23;
	v23 =	vadd.f32 v45, v37;
	v37 =	vmul.f32 v7, v56;
	v16 =	vadd.f32 v16, v31  }
0x2d7: {  	v21 =	vadd.f32 v21, v38;
	v39 =	vmul.f32 v8, v63;
	v25 =	vadd.f32 v30, v60;
	v60 =	vld [tilespmem:$0x1F990]  }
0x2d8: {  	v45 =	vmul.f32 v5, v35;
	v56 =	vmul.f32 v7, v35;
	v35 =	vld [tilespmem:$0x1F9A0];
	v16 =	vadd.f32 v16, v34  }
0x2d9: {  	v21 =	vadd.f32 v21, v34;
	v24 =	vadd.f32 v39, v37;
	v39 =	vld [tilespmem:$0x1F9B0]  }
0x2da: {  	v5 =	vmul.f32 v5, v43;
	v16 =	vmax.f32 v16, $0.0e+00  }
0x2db: {  	v7 =	vmul.f32 v7, v43;
	v34 =	vld [tilespmem:$0x1F9C0];
	v21 =	vmax.f32 v21, $0.0e+00;
	v37 =	vmul.f32 v16, v42  }
0x2dc: {  	v38 =	vmul.f32 v21, v42;
	v63 =	vmul.f32 v9, v60  }
0x2dd: {  	v1 =	vmul.f32 v8, v60;
	v9 =	vmul.f32 v9, v35  }
0x2de: {  	v8 =	vmul.f32 v8, v35;
	v42 =	vmul.f32 v16, v39;
	v26 =	vadd.f32 v63, v45  }
0x2df: {  	v31 =	vld [tilespmem:$0x1FA00];
	v27 =	vadd.f32 v1, v56;
	v5 =	vadd.f32 v9, v5;
	v63 =	vor.u32 $0x180, v3  }
0x2e0: {  	v35 =	vmul.f32 v16, v34;
	v7 =	vadd.f32 v8, v7;
	v8 =	vadd.f32 v37, v11;
	v37 =	vld [tilespmem:$0x1F9D0]  }
0x2e1: {  	v45 =	vor.u32 $0x180, v33;
	v56 =	vmul.f32 v16, v50;
	v9 =	vadd.f32 v42, v13;
	v42 =	vld [tilespmem:$0x1F9E0]  }
0x2e2: {  	v36 =	vpop (erf);
	v11 =	vadd.f32 v35, v14;
	v35 =	vld [tilespmem:$0x1FA10]  }
0x2e3: {  	v28 =	vadd.f32 $1.000000000e+00, v36;
	v10 =	vadd.f32 v56, v10;
	v56 =	vld [tilespmem:$0x1F9F0]  }
0x2e4: {  	v36 =	vmul.f32 v21, v34;
	v60 =	vmul.f32 v21, v50;
	v50 =	vld.idx.msk [tilespmem:v63+s12+$0x0], $0xffff  }
0x2e5: {  	(erf) = vrcp.f32 v28;
	v6 =	vadd.f32 v38, v6;
	v38 =	vmul.f32 v16, v37  }
0x2e6: {  	v43 =	vmul.f32 v21, v39;
	v34 =	vsub.f32 $0.0e+00, v31;
	v13 =	vadd.f32 v36, v15;
	v15 =	vld.idx.msk [tilespmem:v45+s12+$0x0], $0xffff  }
0x2e7: {  	v39 =	vmul.f32 v21, v37;
	v37 =	vmul.f32 v2, v35;
	v14 =	vadd.f32 v38, v17;
	v38 =	vld [tilespmem:$0x1FA20]  }
0x2e8: {  	v4 =	vadd.f32 v43, v4;
	v12 =	vadd.f32 v60, v12;
	v43 =	vmul.f32 v16, v42  }
0x2e9: {  	v17 =	vadd.f32 v39, v19;
	v60 =	vmul.f32 v16, v56;
	v19 =	vadd.f32 v50, v37;
	v50 =	vld [tilespmem:$0x1FA40]  }
0x2ea: {  	v36 =	vmul.f32 v32, v35;
	v18 =	vadd.f32 v43, v18;
	v63 =	vmul.f32 v21, v56;
	v43 =	vld [tilespmem:$0x1FA30]  }
0x2eb: {  	v29 =	vmul.f32 $1.442695020e+00, v34;
	v45 =	vmul.f32 v21, v42;
	v22 =	vadd.f32 v60, v22;
	v60 =	vld [tilespmem:$0x1FA50]  }
0x2ec: {  	v23 =	vadd.f32 v63, v23;
	v63 =	vld [tilespmem:$0x1FA60];
	v15 =	vadd.f32 v15, v36;
	v42 =	vmul.f32 v21, v38  }
0x2ed: {  	(erf) = vpow2.f32 v29;
	v36 =	vld [tilespmem:$0x1FA70]  }
0x2ee: {  	v39 =	vmul.f32 v16, v38;
	v24 =	vadd.f32 v42, v24;
	v42 =	vld [tilespmem:$0x1FA80];
	v15 =	vadd.f32 v15, v50  }
0x2ef: {  	v20 =	vadd.f32 v45, v20;
	v45 =	vmul.f32 v16, v43;
	v19 =	vadd.f32 v19, v50  }
0x2f0: {  	v56 =	vmul.f32 v21, v43;
	v25 =	vadd.f32 v39, v25;
	v50 =	vld [tilespmem:$0x1FA90];
	v15 =	vmax.f32 v15, $0.0e+00  }
0x2f1: {  	v16 =	vmul.f32 v16, v60;
	v19 =	vmax.f32 v19, $0.0e+00;
	v34 =	vmul.f32 v15, v63  }
0x2f2: {  	v35 =	vmul.f32 v19, v63;
	v37 =	vmul.f32 v15, v36;
	v63 =	vor.u32 $0x200, v3  }
0x2f3: {  	v26 =	vadd.f32 v45, v26;
	v43 =	vmul.f32 v15, v42;
	v45 =	vmul.f32 v19, v42;
	v42 =	vld [tilespmem:$0x1FAC0]  }
0x2f4: {  	v21 =	vmul.f32 v21, v60;
	v27 =	vadd.f32 v56, v27;
	v8 =	vadd.f32 v34, v8;
	v34 =	vld [tilespmem:$0x1FAA0]  }
0x2f5: {  	v39 =	vor.u32 $0x200, v33;
	v9 =	vadd.f32 v37, v9;
	v60 =	vmul.f32 v19, v50;
	v37 =	vld [tilespmem:$0x1FAB0]  }
0x2f6: {  	v5 =	vadd.f32 v16, v5;
	v7 =	vadd.f32 v21, v7;
	v56 =	vmul.f32 v15, v50;
	v50 =	vld [tilespmem:$0x1FAD0]  }
0x2f7: {  	v38 =	vmul.f32 v19, v36;
	v10 =	vadd.f32 v43, v10;
	v13 =	vadd.f32 v60, v13;
	v60 =	vld.idx.msk [tilespmem:v63+s12+$0x0], $0xffff  }
0x2f8: {  	v12 =	vadd.f32 v45, v12;
	v63 =	vld [tilespmem:$0x1FAE0];
	v43 =	vmul.f32 v15, v42;
	v45 =	vmul.f32 v19, v42  }
0x2f9: {  	v6 =	vadd.f32 v35, v6;
	v35 =	vmul.f32 v15, v34;
	v36 =	vmul.f32 v19, v34  }
0x2fa: {  	v16 =	vld.idx.msk [tilespmem:v39+s12+$0x0], $0xffff;
	v4 =	vadd.f32 v38, v4;
	v38 =	vmul.f32 v15, v37;
	v39 =	vmul.f32 v19, v37  }
0x2fb: {  	v11 =	vadd.f32 v56, v11;
	v56 =	vmul.f32 v15, v50;
	v37 =	vmul.f32 v19, v50;
	v50 =	vld [tilespmem:$0x1FB10]  }
0x2fc: {  	v21 =	vadd.f32 v43, v22;
	v18 =	vadd.f32 v38, v18;
	v38 =	vld [tilespmem:$0x1FAF0]  }
0x2fd: {  	v23 =	vadd.f32 v45, v23;
	v43 =	vld [tilespmem:$0x1FB00];
	v14 =	vadd.f32 v35, v14;
	v34 =	vmul.f32 v32, v63  }
0x2fe: {  	v17 =	vadd.f32 v36, v17;
	v20 =	vadd.f32 v39, v20;
	v42 =	vmul.f32 v2, v63;
	v63 =	vld [tilespmem:$0x1FB20];
	v35 =	vpop (erf)  }
0x2ff: {  	v25 =	vadd.f32 v56, v25;
	v36 =	vpop (erf);
	v16 =	vadd.f32 v16, v34;
	v34 =	vld [tilespmem:$0x1FB30]  }
0x300: {  	v22 =	vadd.f32 v60, v42;
	v28 =	vadd.f32 $1.000000000e+00, v36  }
0x301: {  	v39 =	vsub.f32 $0.0e+00, v38;
	v16 =	vadd.f32 v16, v50;
	v38 =	vld [tilespmem:$0x1FB40]  }
0x302: {  	v45 =	vmul.f32 v15, v43;
	v60 =	vmul.f32 v19, v43;
	v43 =	vor.u32 $0x280, v3  }
0x303: {  	v22 =	vadd.f32 v22, v50;
	v15 =	vmul.f32 v15, v63;
	v16 =	vmax.f32 v16, $0.0e+00  }
0x304: {  	v0 =	vadd.f32 v45, v26;
	v26 =	vadd.f32 v60, v27;
	v45 =	vld [tilespmem:$0x1FB50];
	v36 =	vmul.f32 v16, v34  }
0x305: {  	v60 =	vld [tilespmem:$0x1FB60];
	v5 =	vadd.f32 v15, v5;
	v15 =	vmax.f32 v22, $0.0e+00;
	v22 =	vor.u32 $0x280, v33  }
0x306: {  	v56 =	vmul.f32 $1.442695020e+00, v39;
	v8 =	vadd.f32 v36, v8;
	v39 =	vmul.f32 v16, v38;
	v36 =	vld [tilespmem:$0x1FB70];
	_ =	sdelay $0x1  }
0x307: {  	(erf) = vrcp.f32 v28;
	v42 =	vmul.f32 v15, v38;
	v9 =	vadd.f32 v39, v9;
	v39 =	vld [tilespmem:$0x1FB80]  }
0x308: {  	v24 =	vadd.f32 v37, v24;
	v19 =	vmul.f32 v19, v63;
	v37 =	vmul.f32 v15, v34;
	v43 =	vld.idx.msk [tilespmem:v43+s12+$0x0], $0xffff  }
0x309: {  	v50 =	vmul.f32 v16, v45;
	v63 =	vmul.f32 v16, v60;
	v27 =	vadd.f32 v42, v4;
	v4 =	vld.idx.msk [tilespmem:v22+s12+$0x0], $0xffff  }
0x30a: {  	v6 =	vadd.f32 v37, v6;
	v37 =	vmul.f32 v16, v36;
	v38 =	vmul.f32 v15, v36;
	v36 =	vld [tilespmem:$0x1FBB0]  }
0x30b: {  	(erf) = vpow2.f32 v56;
	v10 =	vadd.f32 v50, v10;
	v50 =	vld [tilespmem:$0x1FB90]  }
0x30c: {  	v56 =	vmul.f32 v15, v45;
	v11 =	vadd.f32 v63, v11;
	v63 =	vld [tilespmem:$0x1FBA0];
	v45 =	vmul.f32 v15, v39  }
0x30d: {  	v7 =	vadd.f32 v19, v7;
	v34 =	vmul.f32 v15, v60;
	v42 =	vmul.f32 v16, v39;
	v39 =	vld [tilespmem:$0x1FBC0]  }
0x30e: {  	v12 =	vadd.f32 v56, v12;
	v20 =	vadd.f32 v45, v20;
	v45 =	vld [tilespmem:$0x1FBD0]  }
0x30f: {  	v13 =	vadd.f32 v34, v13;
	v14 =	vadd.f32 v37, v14;
	v37 =	vmul.f32 v32, v36  }
0x310: {  	v17 =	vadd.f32 v38, v17;
	v56 =	vmul.f32 v16, v50;
	v30 =	vmul.f32 v2, v36  }
0x311: {  	v60 =	vmul.f32 v15, v50;
	v18 =	vadd.f32 v42, v18;
	v36 =	vld [tilespmem:$0x1FC00];
	v4 =	vadd.f32 v4, v37  }
0x312: {  	v38 =	vmul.f32 v15, v63;
	v21 =	vadd.f32 v56, v21;
	v56 =	vld [tilespmem:$0x1FBE0];
	v19 =	vadd.f32 v43, v30  }
0x313: {  	v42 =	vmul.f32 v16, v39;
	v43 =	vmul.f32 v15, v39;
	v50 =	vadd.f32 v4, v45  }
0x314: {  	v34 =	vmul.f32 v16, v63;
	v22 =	vadd.f32 v38, v24;
	v39 =	vor.u32 $0x300, v33  }
0x315: {  	v1 =	vadd.f32 v42, v0;
	v24 =	vadd.f32 v43, v26;
	v42 =	vld [tilespmem:$0x1FC10];
	v26 =	vmax.f32 v50, $0.0e+00  }
0x316: {  	v63 =	vld [tilespmem:$0x1FBF0];
	v23 =	vadd.f32 v60, v23;
	v19 =	vadd.f32 v19, v45;
	v4 =	vpop (erf);
	v37 =	vmul.f32 v26, v36  }
0x317: {  	v16 =	vmul.f32 v16, v56;
	v15 =	vmul.f32 v15, v56;
	v56 =	vld [tilespmem:$0x1FC20];
	v50 =	vor.u32 $0x300, v3;
	v60 =	vpop (erf)  }
0x318: {  	v28 =	vadd.f32 $1.000000000e+00, v60;
	v9 =	vadd.f32 v37, v9;
	v37 =	vld [tilespmem:$0x1FC40]  }
0x319: {  	v30 =	vld [tilespmem:$0x1FC30]  }
0x31a: {  	v19 =	vmax.f32 v19, $0.0e+00;
	v43 =	vmul.f32 v26, v42;
	(erf) = vrcp.f32 v28;
	v28 =	vld.idx.msk [tilespmem:v39+s12+$0x0], $0xffff  }
0x31b: {  	v25 =	vadd.f32 v34, v25;
	v29 =	vmul.f32 v26, v63;
	v38 =	vmul.f32 v19, v36;
	v39 =	vld [tilespmem:$0x1FC50]  }
0x31c: {  	v34 =	vmul.f32 v19, v63;
	v7 =	vadd.f32 v15, v7;
	v10 =	vadd.f32 v43, v10;
	v43 =	vld.idx.msk [tilespmem:v50+s12+$0x0], $0xffff  }
0x31d: {  	v15 =	vadd.f32 v38, v27;
	v63 =	vmul.f32 v19, v56;
	v38 =	vsub.f32 $0.0e+00, v37;
	v37 =	vld [tilespmem:$0x1FC80]  }
0x31e: {  	v36 =	vmul.f32 v19, v30;
	v50 =	vld [tilespmem:$0x1FC60]  }
0x31f: {  	v5 =	vadd.f32 v16, v5;
	v45 =	vmul.f32 v19, v42;
	v13 =	vadd.f32 v63, v13;
	v63 =	vld [tilespmem:$0x1FC70]  }
0x320: {  	v6 =	vadd.f32 v34, v6;
	v34 =	vmul.f32 v26, v30;
	v16 =	vadd.f32 v36, v17  }
0x321: {  	v60 =	vmul.f32 v26, v56;
	v12 =	vadd.f32 v45, v12;
	v42 =	vmul.f32 v26, v39  }
0x322: {  	v14 =	vadd.f32 v34, v14;
	v45 =	vmul.f32 v19, v39;
	v0 =	vmul.f32 v2, v37  }
0x323: {  	v11 =	vadd.f32 v60, v11;
	v56 =	vmul.f32 v26, v50;
	v60 =	vmul.f32 v19, v50;
	v50 =	vld [tilespmem:$0x1FCA0]  }
0x324: {  	v27 =	vmul.f32 $1.442695020e+00, v38;
	v39 =	vmul.f32 v19, v63;
	v0 =	vadd.f32 v43, v0;
	v43 =	vld [tilespmem:$0x1FC90]  }
0x325: {  	v18 =	vadd.f32 v42, v18;
	v21 =	vadd.f32 v56, v21;
	v56 =	vld [tilespmem:$0x1FCB0];
	v38 =	vmul.f32 v32, v37  }
0x326: {  	v20 =	vadd.f32 v45, v20;
	v36 =	vmul.f32 v26, v63;
	v17 =	vadd.f32 v39, v22;
	v39 =	vld [tilespmem:$0x1FCF0]  }
0x327: {  	v23 =	vadd.f32 v60, v23;
	v60 =	vld [tilespmem:$0x1FCC0];
	v42 =	vadd.f32 v28, v38  }
0x328: {  	(erf) = vpow2.f32 v27;
	v25 =	vadd.f32 v36, v25;
	v0 =	vadd.f32 v0, v50  }
0x329: {  	v36 =	vor.u32 $0x380, v33;
	v37 =	vld [tilespmem:$0x1FCE0];
	v27 =	vadd.f32 v42, v50;
	v28 =	vmul.f32 v19, v43  }
0x32a: {  	v34 =	vld [tilespmem:$0x1FCD0];
	v0 =	vmax.f32 v0, $0.0e+00;
	v45 =	vmul.f32 v26, v43;
	v26 =	vmul.f32 v26, v56  }
0x32b: {  	v19 =	vmul.f32 v19, v56;
	v43 =	vmul.f32 v0, v39;
	v22 =	vadd.f32 v28, v24  }
0x32c: {  	v5 =	vadd.f32 v26, v5;
	v24 =	vmax.f32 v27, $0.0e+00;
	v26 =	vmul.f32 v0, v60  }
0x32d: {  	v1 =	vadd.f32 v45, v1;
	v7 =	vadd.f32 v19, v7;
	v45 =	vld [tilespmem:$0x1FD00];
	v42 =	vmul.f32 v24, v39  }
0x32e: {  	v38 =	vmul.f32 v24, v37;
	v6 =	vadd.f32 v26, v6;
	v26 =	vmul.f32 v0, v37;
	v37 =	vld [tilespmem:$0x1FD20]  }
0x32f: {  	v28 =	vmul.f32 v0, v34;
	v19 =	vor.u32 $0x380, v3;
	v11 =	vadd.f32 v42, v11;
	v42 =	vld [tilespmem:$0x1FD30]  }
0x330: {  	v8 =	vadd.f32 v29, v8;
	v63 =	vmul.f32 v24, v60;
	v27 =	vmul.f32 v24, v34  }
0x331: {  	v56 =	vld.idx.msk [tilespmem:v36+s12+$0x0], $0xffff;
	v13 =	vadd.f32 v43, v13;
	v15 =	vadd.f32 v28, v15  }
0x332: {  	v8 =	vadd.f32 v63, v8;
	v9 =	vadd.f32 v27, v9;
	v63 =	vld [tilespmem:$0x1FD10];
	v50 =	vmul.f32 v24, v45  }
0x333: {  	v10 =	vadd.f32 v38, v10;
	v60 =	vmul.f32 v0, v45;
	v38 =	vmul.f32 v24, v37  }
0x334: {  	v12 =	vadd.f32 v26, v12;
	v19 =	vld.idx.msk [tilespmem:v19+s12+$0x0], $0xffff;
	v39 =	vmul.f32 v0, v37;
	v43 =	vmul.f32 v32, v42  }
0x335: {  	v45 =	vmul.f32 v24, v54;
	v14 =	vadd.f32 v50, v14;
	v21 =	vadd.f32 v38, v21;
	v38 =	vld [tilespmem:$0x1FD50]  }
0x336: {  	v16 =	vadd.f32 v60, v16;
	v50 =	vmul.f32 v0, v54;
	v54 =	vadd.f32 v56, v43;
	v56 =	vld [tilespmem:$0x1FD40]  }
0x337: {  	v25 =	vadd.f32 v45, v25;
	v34 =	vmul.f32 v24, v63;
	v36 =	vmul.f32 v0, v63;
	v60 =	vpop (erf)  }
0x338: {  	v37 =	vmul.f32 v2, v42;
	v23 =	vadd.f32 v39, v23;
	v17 =	vadd.f32 v50, v17;
	v39 =	vpop (erf)  }
0x339: {  	v18 =	vadd.f32 v34, v18;
	v43 =	vld [tilespmem:$0x1FD60];
	v27 =	vadd.f32 $1.000000000e+00, v39  }
0x33a: {  	v63 =	vld [tilespmem:$0x1FD80];
	v50 =	vadd.s32 $0x2000, v33;
	v20 =	vadd.f32 v36, v20;
	v19 =	vadd.f32 v19, v37  }
0x33b: {  	v37 =	vld [tilespmem:$0x1FD90];
	v26 =	vadd.f32 v54, v38;
	(erf) = vrcp.f32 v27;
	v36 =	vmul.f32 v24, v56  }
0x33c: {  	v19 =	vadd.f32 v19, v38;
	v54 =	vld [tilespmem:$0x1FD70];
	v42 =	vmul.f32 v0, v56;
	v24 =	vmul.f32 v24, v58  }
0x33d: {  	v0 =	vmul.f32 v0, v58;
	v58 =	vadd.s32 $0x2000, v3;
	v26 =	vmax.f32 v26, $0.0e+00  }
0x33e: {  	v1 =	vadd.f32 v36, v1;
	v45 =	vmul.f32 v26, v43;
	v22 =	vadd.f32 v42, v22  }
0x33f: {  	v5 =	vadd.f32 v24, v5;
	v0 =	vadd.f32 v0, v7;
	v34 =	vmul.f32 v26, v63  }
0x340: {  	v38 =	vmul.f32 v26, v37;
	v42 =	vmul.f32 v26, v53;
	v7 =	vadd.f32 v45, v8  }
0x341: {  	v8 =	vmax.f32 v19, $0.0e+00;
	v56 =	vmul.f32 v26, v54;
	v45 =	vmul.f32 v26, v55  }
0x342: {  	v10 =	vadd.f32 v34, v10;
	v34 =	vmul.f32 v2, v46;
	v19 =	vmul.f32 v8, v43  }
0x343: {  	v24 =	vld.idx.msk [tilespmem:v50+s12+$0x0], $0xffff;
	v11 =	vadd.f32 v38, v11;
	v28 =	vmul.f32 v8, v54;
	v36 =	vmul.f32 v8, v63  }
0x344: {  	v14 =	vadd.f32 v42, v14;
	v39 =	vmul.f32 v8, v37;
	v43 =	vmul.f32 v8, v53  }
0x345: {  	v53 =	vmul.f32 v8, v55;
	v54 =	vld [tilespmem:$0x1FDA0];
	v9 =	vadd.f32 v56, v9;
	v18 =	vadd.f32 v45, v18  }
0x346: {  	v50 =	vld.idx.msk [tilespmem:v58+s12+$0x0], $0xffff;
	v58 =	vmul.f32 v32, v46;
	v6 =	vadd.f32 v19, v6;
	v15 =	vadd.f32 v28, v15  }
0x347: {  	v42 =	vmul.f32 v8, v49;
	v56 =	vld [tilespmem:$0x1FDB0];
	v12 =	vadd.f32 v36, v12;
	v13 =	vadd.f32 v39, v13  }
0x348: {  	v16 =	vadd.f32 v43, v16;
	v24 =	vadd.f32 v24, v58;
	v36 =	vld [tilespmem:$0x1FDC0];
	v39 =	vmul.f32 v26, v49  }
0x349: {  	v20 =	vadd.f32 v53, v20;
	v43 =	vld [tilespmem:$0x1FDD0];
	v22 =	vadd.f32 v42, v22;
	v49 =	vadd.s32 $0x2080, v33  }
0x34a: {  	v45 =	vld [tilespmem:$0x1FDE0];
	v24 =	vadd.f32 v24, v48;
	v1 =	vadd.f32 v39, v1;
	v55 =	vmul.f32 v26, v54  }
0x34b: {  	v63 =	vmul.f32 v8, v54;
	v19 =	vadd.f32 v50, v34;
	v54 =	vadd.s32 $0x2080, v3  }
0x34c: {  	v28 =	vsub.f32 $0.0e+00, v56;
	v24 =	vmax.f32 v24, $0.0e+00;
	v21 =	vadd.f32 v55, v21  }
0x34d: {  	v50 =	vld [tilespmem:$0x1FDF0];
	v37 =	vmul.f32 v26, v36;
	v23 =	vadd.f32 v63, v23;
	v38 =	vmul.f32 v8, v36  }
0x34e: {  	v34 =	vld [tilespmem:$0x1FE20];
	v19 =	vadd.f32 v19, v48;
	v26 =	vmul.f32 v26, v43;
	v8 =	vmul.f32 v8, v43  }
0x34f: {  	v46 =	vmul.f32 v24, v45;
	v55 =	vld [tilespmem:$0x1FE00];
	v28 =	vmul.f32 $1.442695020e+00, v28;
	v25 =	vadd.f32 v37, v25  }
0x350: {  	v63 =	vld [tilespmem:$0x1FE10];
	v17 =	vadd.f32 v38, v17;
	v5 =	vadd.f32 v26, v5;
	v19 =	vmax.f32 v19, $0.0e+00  }
0x351: {  	v8 =	vadd.f32 v8, v0;
	(erf) = vpow2.f32 v28;
	v48 =	vmul.f32 v19, v45  }
0x352: {  	v7 =	vadd.f32 v46, v7;
	v38 =	vld [tilespmem:$0x1FE30];
	v53 =	vmul.f32 v24, v50;
	v28 =	vmul.f32 v19, v50  }
0x353: {  	v36 =	vmul.f32 v24, v34;
	v29 =	vmul.f32 v19, v34;
	v6 =	vadd.f32 v48, v6  }
0x354: {  	v45 =	vld [tilespmem:$0x1FE40];
	v56 =	vmul.f32 v24, v55;
	v9 =	vadd.f32 v53, v9;
	v15 =	vadd.f32 v28, v15  }
0x355: {  	v58 =	vmul.f32 v19, v55;
	v33 =	vmul.f32 v24, v63;
	v14 =	vadd.f32 v36, v14;
	v48 =	vld [tilespmem:$0x1FE50]  }
0x356: {  	v37 =	vld.idx.msk [tilespmem:v49+s12+$0x0], $0xffff;
	v28 =	vmul.f32 v19, v63;
	v16 =	vadd.f32 v29, v16;
	v3 =	vadd.f32 v56, v10  }
0x357: {  	v42 =	vld.idx.msk [tilespmem:v54+s12+$0x0], $0xffff;
	v12 =	vadd.f32 v58, v12;
	v39 =	vmul.f32 v24, v38;
	v43 =	vmul.f32 v19, v38  }
0x358: {  	v50 =	vld [tilespmem:$0x1FE60];
	v10 =	vadd.f32 v33, v11;
	v58 =	vmul.f32 v24, v62;
	v62 =	vmul.f32 v19, v62  }
0x359: {  	v63 =	vld [tilespmem:$0x1FE70];
	v11 =	vadd.f32 v28, v13;
	v46 =	vmul.f32 v24, v45;
	v28 =	vmul.f32 v19, v45  }
0x35a: {  	v18 =	vadd.f32 v39, v18;
	v20 =	vadd.f32 v43, v20;
	v49 =	vmul.f32 v32, v48  }
0x35b: {  	v1 =	vadd.f32 v58, v1;
	v23 =	vadd.f32 v28, v23;
	v2 =	vmul.f32 v2, v48;
	v28 =	vld [tilespmem:$0x1FE80]  }
0x35c: {  	v0 =	vpop (erf);
	v29 =	vld [tilespmem:$0x1FE90];
	v22 =	vadd.f32 v62, v22;
	v13 =	vadd.f32 v37, v49  }
0x35d: {  	v31 =	vld [tilespmem:$0x1FEA0];
	v53 =	vmul.f32 v24, v50;
	v21 =	vadd.f32 v46, v21;
	v55 =	vpop (erf);
	v2 =	vadd.f32 v42, v2  }
0x35e: {  	v33 =	vld [tilespmem:$0x1FEB0];
	v56 =	vadd.f32 $1.000000000e+00, v55;
	v13 =	vadd.f32 v13, v63  }
0x35f: {  	v54 =	vmul.f32 v19, v50;
	v25 =	vadd.f32 v53, v25;
	v37 =	vld [tilespmem:$0x1FEC0];
	v2 =	vadd.f32 v2, v63  }
0x360: {  	v42 =	vld [tilespmem:$0x1FEE0];
	(erf) = vrcp.f32 v56;
	v24 =	vmul.f32 v24, v28;
	v13 =	vmax.f32 v13, $0.0e+00  }
0x361: {  	v48 =	vld [tilespmem:$0x1FEF0];
	v19 =	vmul.f32 v19, v28;
	v2 =	vmax.f32 v2, $0.0e+00;
	v30 =	vmul.f32 v13, v29  }
0x362: {  	v39 =	vld [tilespmem:$0x1FED0];
	v17 =	vadd.f32 v54, v17;
	v26 =	vmul.f32 v2, v29;
	v32 =	vmul.f32 v13, v31  }
0x363: {  	v53 =	vld [tilespmem:$0x1FF00];
	v5 =	vadd.f32 v24, v5;
	v27 =	vmul.f32 v2, v31;
	v34 =	vmul.f32 v13, v33  }
0x364: {  	v8 =	vadd.f32 v19, v8;
	v36 =	vmul.f32 v2, v33;
	v38 =	vmul.f32 v13, v37  }
0x365: {  	v58 =	vld [tilespmem:$0x1FF20];
	v43 =	vmul.f32 v13, v42;
	v45 =	vmul.f32 v2, v42;
	v7 =	vadd.f32 v30, v7  }
0x366: {  	v55 =	vld [tilespmem:$0x1FF10];
	v49 =	vmul.f32 v13, v48;
	v6 =	vadd.f32 v26, v6;
	v9 =	vadd.f32 v32, v9  }
0x367: {  	v63 =	vld [tilespmem:$0x1FF30];
	v50 =	vmul.f32 v2, v48;
	v15 =	vadd.f32 v27, v15;
	v3 =	vadd.f32 v34, v3  }
0x368: {  	v54 =	vmul.f32 v13, v53;
	v42 =	vld [tilespmem:$0x1FF70];
	v27 =	vsub.f32 $0.0e+00, v39;
	v12 =	vadd.f32 v36, v12  }
0x369: {  	v56 =	vmul.f32 v2, v53;
	v48 =	vld [tilespmem:$0x1FFB0];
	v10 =	vadd.f32 v38, v10;
	v14 =	vadd.f32 v43, v14  }
0x36a: {  	v26 =	vmul.f32 v2, v37;
	v16 =	vadd.f32 v45, v16;
	v18 =	vadd.f32 v49, v18;
	v37 =	vld [tilespmem:$0x1FF40]  }
0x36b: {  	v62 =	vmul.f32 v13, v58;
	v19 =	vadd.f32 v50, v20;
	v20 =	vadd.f32 v54, v21;
	v38 =	vld [tilespmem:$0x1FF50]  }
0x36c: {  	v21 =	vadd.f32 v56, v23;
	v39 =	vld [tilespmem:$0x1FF60];
	v46 =	vmul.f32 $1.442695020e+00, v27;
	v7 =	vadd.f32 v7, v55  }
0x36d: {  	v36 =	vmul.f32 v2, v58;
	v24 =	vadd.f32 v62, v25;
	v45 =	vld [tilespmem:$0x1FF90];
	v11 =	vadd.f32 v26, v11  }
0x36e: {  	v9 =	vadd.f32 v9, v63;
	(erf) = vpow2.f32 v46;
	v7 =	vmax.f32 v7, $0.0e+00;
	v46 =	vld [tilespmem:$0x1FFA0]  }
0x36f: {  	v25 =	vld [tilespmem:$0x1FF80];
	v17 =	vadd.f32 v36, v17;
	v6 =	vadd.f32 v6, v55;
	v7 =	vmul.f32 v7, v37  }
0x370: {  	v50 =	vld [tilespmem:$0x1FFC0];
	v58 =	vadd.f32 v15, v63;
	v9 =	vmax.f32 v9, $0.0e+00;
	v3 =	vadd.f32 v3, v38  }
0x371: {  	v55 =	vld [tilespmem:$0x1FFE0];
	v63 =	vadd.f32 v20, v59;
	v9 =	vmul.f32 v9, v42;
	v7 =	vadd.f32 v7, v39  }
0x372: {  	v53 =	vld [tilespmem:$0x1FFD0];
	v34 =	vadd.f32 v24, v57;
	v10 =	vadd.f32 v10, v45;
	v3 =	vmax.f32 v3, $0.0e+00  }
0x373: {  	v14 =	vadd.f32 v14, v48;
	v7 =	vadd.f32 v7, v9;
	v3 =	vmul.f32 v3, v46  }
0x374: {  	v31 =	vld [tilespmem:$0x1FFF0];
	v6 =	vmax.f32 v6, $0.0e+00;
	v43 =	vmul.f32 v13, v25;
	v10 =	vmax.f32 v10, $0.0e+00  }
0x375: {  	v6 =	vmul.f32 v6, v37;
	v10 =	vmul.f32 v10, v50;
	v3 =	vadd.f32 v7, v3  }
0x376: {  	v14 =	vmax.f32 v14, $0.0e+00;
	v13 =	vmul.f32 v13, v52;
	v56 =	vadd.f32 v18, v55;
	v9 =	vpop (erf)  }
0x377: {  	v12 =	vadd.f32 v12, v38;
	v54 =	vmul.f32 v14, v53;
	v49 =	vpop (erf);
	v3 =	vadd.f32 v3, v10  }
0x378: {  	v14 =	vmax.f32 v63, $0.0e+00;
	v62 =	vmax.f32 v56, $0.0e+00;
	v7 =	vadd.f32 $1.000000000e+00, v49  }
0x379: {  	v1 =	vadd.f32 v43, v1;
	v10 =	vmul.f32 v62, v31;
	v3 =	vadd.f32 v3, v54  }
0x37a: {  	v6 =	vadd.f32 v6, v39;
	(erf) = vrcp.f32 v7;
	v7 =	vmax.f32 v58, $0.0e+00  }
0x37b: {  	v36 =	vmul.f32 v14, v61;
	v7 =	vmul.f32 v7, v42;
	v3 =	vadd.f32 v3, v10  }
0x37c: {  	v37 =	vmax.f32 v34, $0.0e+00;
	v5 =	vadd.f32 v13, v5;
	v1 =	vadd.f32 v1, v47  }
0x37d: {  	v6 =	vadd.f32 v6, v7;
	v3 =	vadd.f32 v3, v36;
	v7 =	vmul.f32 v37, v51  }
0x37e: {  	v38 =	vadd.f32 v11, v45;
	v5 =	vadd.f32 v5, v41;
	v1 =	vmax.f32 v1, $0.0e+00  }
0x37f: {  	v39 =	vmax.f32 v12, $0.0e+00;
	v1 =	vmul.f32 v1, v44;
	v3 =	vadd.f32 v3, v7  }
0x380: {  	v43 =	vmax.f32 v38, $0.0e+00;
	v5 =	vmax.f32 v5, $0.0e+00;
	v7 =	vmul.f32 v39, v46  }
0x381: {  	v5 =	vmul.f32 v5, v40;
	v42 =	vadd.f32 v16, v48;
	v1 =	vadd.f32 v3, v1  }
0x382: {  	v45 =	vmul.f32 v2, v25;
	v6 =	vadd.f32 v6, v7;
	v3 =	vmul.f32 v43, v50  }
0x383: {  	v48 =	vmax.f32 v42, $0.0e+00;
	v46 =	vadd.f32 v19, v55;
	v1 =	vadd.f32 v1, v5  }
0x384: {  	v2 =	vmul.f32 v2, v52;
	v3 =	vadd.f32 v6, v3;
	v5 =	vmul.f32 v48, v53  }
0x385: {  	v49 =	vadd.f32 v21, v59;
	v10 =	vmax.f32 v46, $0.0e+00;
	v1 =	vsub.f32 $0.0e+00, v1  }
0x386: {  	v52 =	vadd.f32 v17, v57;
	v50 =	vmul.f32 v10, v31;
	v3 =	vadd.f32 v3, v5  }
0x387: {  	v7 =	vadd.f32 v45, v22;
	v6 =	vmax.f32 v49, $0.0e+00;
	v1 =	vmul.f32 $1.442695020e+00, v1  }
0x388: {  	v2 =	vadd.f32 v2, v8;
	v53 =	vmul.f32 v6, v61;
	v3 =	vadd.f32 v3, v50  }
0x389: {  	v55 =	vmax.f32 v52, $0.0e+00;
	v54 =	vadd.f32 v7, v47;
	(erf) = vpow2.f32 v1  }
0x38a: {  	v3 =	vadd.f32 v3, v53;
	v1 =	vmul.f32 v55, v51  }
0x38b: {  	v2 =	vadd.f32 v2, v41;
	v56 =	vmax.f32 v54, $0.0e+00  }
0x38c: {  	v57 =	vmul.f32 v56, v44;
	v1 =	vadd.f32 v3, v1  }
0x38d: {  	v2 =	vmax.f32 v2, $0.0e+00  }
0x38e: {  	v2 =	vmul.f32 v2, v40;
	v1 =	vadd.f32 v1, v57;
	_ =	sdelay $0x1  }
0x38f: {  	v1 =	vadd.f32 v1, v2  }
0x390: {  	v58 =	vpop (erf)  }
0x391: {  	v1 =	vsub.f32 $0.0e+00, v1;
	v59 =	vpop (erf)  }
0x392: {  	v3 =	vadd.f32 $1.000000000e+00, v59  }
0x393: {  	v1 =	vmul.f32 $1.442695020e+00, v1  }
0x394: {  	(erf) = vrcp.f32 v3  }
0x395: {  	(erf) = vpow2.f32 v1;
	_ =	sdelay $0x7  }
0x396: {  	v61 =	vpop (erf)  }
0x397: {  	v62 =	vpop (erf)  }
0x398: {  	v3 =	vadd.f32 $1.000000000e+00, v62;
	_ =	sdelay $0x1  }
0x399: {  	(erf) = vrcp.f32 v3;
	_ =	sdelay $0x2  }
0x39a: {  	[tilespmem:s17+$0xFFFFFFC0] =	vst v35  }
0x39b: {  	s15 =	sadd.s32 $0x8, s15;
	[tilespmem:s17+$0xFFFFFFD0] =	vst v4  }
0x39c: {  	p1 =	slt.u32 s15, $0x18;
	[tilespmem:s17+$0xFFFFFFE0] =	vst v60  }
.Ltmp0:
0x39d: {  	[tilespmem:s17+$0xFFFFFFF0] =	vst v0;
	(pc) =	sbr.rel @p1 .LBB2_2-.Ltmp0, $4  }
0x39e: {  	[tilespmem:s17+$0x0] =	vst v9  }
0x39f: {  	[tilespmem:s17+$0x10] =	vst v58  }
0x3a0: {  	[tilespmem:s17+$0x20] =	vst v61;
	v63 =	vpop (erf)  }
0x3a1: {  	s16 =	sadd.s32 $0x80, s16;
	[tilespmem:s17+$0x30] =	vst v63;
	s17 =	sadd.s32 $0x80, s17  }
0x3a2: {  	s14 =	sadd.s32 $0x1, s14  }
0x3a3: {  	p1 =	sne.s32 s14, s7  }
.Ltmp1:
0x3a4: {  	_ = 	snop;
	(pc) =	sbr.rel @p1 .LBB2_1-.Ltmp1, $4  }
0x3a5: {  	[hbm4b:s6+s2] =	stream.linear.scatter [tilespmem:s13], [sflag:$0x1], $0x200, $0x38;
	[tilespmem:$0x9000] =	vst v63  }
0x3a6: {  	_ =	swait.ge [sflag:s10], $0x200  }
0x3a7: {  	[sflag:s10] =	ssyncset.done $0x0  }
0x3a8: {  	[sflag:s10] =	ssyncadd.s32 $0xFFFFFE00  }
0x3a9: {  	_ =	sfence.sel $0x180000  }
0x3aa: {  	[bflag:$0x0] =	sbarrier.arrive $0xFFFF  }
0x3ab: {  	_ =	strace $0x90000047  }
0x3ac: {  	s0 =	sadd.s32 @!p0 $0x100000, s0;
	[bflag:$0x2] =	sbarrier.arrive $0xFFFF  }
0x3ad: {  	[sflag:s0] =	ssyncadd.tile.s32 @!p0 $0x1;
	_ =	shalt  }
.Lfunc_end2:
_tile_overlayer_lowered:
.L_overlay_start_2:
0x3ae: {  	(tag) =	ssettag $0x2  }
0x3af: {  	s0 =	rddreg [dreg:$0x0];
	s2 =	stileid.u32  }
0x3b0: {  	s1 =	rddreg [dreg:$0x1];
	p0 =	sne.s32 s2, $0x0  }
0x3b1: {  	s3 =	rddreg [dreg:$0x2];
	[bflag:$0x3] =	sbarrier.arrive $0xFFFF;
	s2 =	simm.s32 @!p0 $0x1C01  }
0x3b2: {  	[timem:s3], [sflag:s2] =	dma.local @!p0 [hbm:s0], s1  }
0x3b3: {  	s0 =	simm.s32 @!p0 $0x1  }
0x3b4: {  	_ =	swait.ge @!p0 [sflag:s0], s1  }
0x3b5: {  	s1 =	ssub.s32 @!p0 $0x0, s1;
	[sflag:s0] =	ssyncset.done @!p0 $0x0  }
0x3b6: {  	[sflag:s0] =	ssyncadd.s32 @!p0 s1  }
0x3b7: {  	[bflag:$0x3] =	sbarrier.arrive $0xFFFF  }
0x3b8: {  	_ =	shalt  }

</sc_bundles>
